<compile_context>
chip_gen: v7x
topology: tpu7x:2x2x1
jax: 0.10.2.dev20260603
libtpu: 0.0.44.dev20260713+nightly
codegen_flags: <defaults>
</compile_context>

<pallas_src>
import functools

import jax
import jax.numpy as jnp
from jax import lax
from jax.experimental import pallas as pl
from jax.experimental.pallas import tpu as pltpu
from jax.experimental.pallas import tpu_sc as plsc

N = 10000
D = 128
H = 16
E = 320000
EP = 200000
M = 32

NT = 32
EPT = 10240
EPAD = NT * EPT
QEC = EPT // 4
NP = 10240
RPT = NP // 16
UVT = 13312
QUC = UVT // 4
EPP = NT * UVT // 2
UVTOT = NT * UVT

_mesh = plsc.VectorSubcoreMesh(core_axis_name="c", subcore_axis_name="s")


@functools.partial(
    pl.kernel,
    mesh=_mesh,
    out_type=jax.ShapeDtypeStruct((2, NP), jnp.float32),
    compiler_params=pltpu.CompilerParams(use_tc_tiling_on_sc=False),
    scratch_types=[
        pltpu.VMEM((4, QEC), jnp.int32),
        pltpu.VMEM((QEC,), jnp.float32),
        pltpu.VMEM_SHARED((NP,), jnp.float32),
        pltpu.SemaphoreType.DMA,
    ],
)
def _deg_kernel(dst_hbm, zeros_hbm, out_hbm, idx_v, ones_v, deg_sh, sem):
    c = lax.axis_index("c")
    s = lax.axis_index("s")
    wid = c * 16 + s
    pltpu.sync_copy(zeros_hbm.at[pl.ds(s * RPT, RPT)],
                    deg_sh.at[pl.ds(s * RPT, RPT)])

    def fill(i, carry):
        ones_v[pl.ds(i * 16, 16)] = jnp.ones((16,), jnp.float32)
        return carry

    lax.fori_loop(0, QEC // 16, fill, 0)
    pltpu.sync_copy(dst_hbm.at[wid], idx_v)
    plsc.subcore_barrier()

    for q in range(4):
        pltpu.async_copy(ones_v, deg_sh.at[idx_v.at[q]], sem, add=True)
    for q in range(4):
        pltpu.make_async_copy(ones_v, deg_sh.at[idx_v.at[q]], sem).wait()
    plsc.subcore_barrier()
    pltpu.sync_copy(deg_sh.at[pl.ds(s * RPT, RPT)],
                    out_hbm.at[c, pl.ds(s * RPT, RPT)])


@functools.partial(
    pl.kernel,
    mesh=_mesh,
    out_type=jax.ShapeDtypeStruct((2, NP, H), jnp.float32),
    compiler_params=pltpu.CompilerParams(use_tc_tiling_on_sc=False),
    scratch_types=[
        pltpu.VMEM((4, QEC), jnp.int32),
        pltpu.VMEM((4, QEC), jnp.int32),
        pltpu.VMEM((2, QEC, H), jnp.float32),
        pltpu.VMEM_SHARED((NP, H), jnp.float32),
        pltpu.VMEM_SHARED((NP, H), jnp.float32),
        pltpu.SemaphoreType.DMA,
        pltpu.SemaphoreType.DMA,
    ],
)
def _agg_kernel(src_hbm, dst_hbm, y_hbm, zeros_hbm, out_hbm,
                src_v, dst_v, big, acc_sh, y_sh, sem_g, sem_s):
    c = lax.axis_index("c")
    s = lax.axis_index("s")
    wid = c * 16 + s
    pltpu.sync_copy(zeros_hbm.at[pl.ds(s * RPT, RPT)],
                    acc_sh.at[pl.ds(s * RPT, RPT)])
    pltpu.sync_copy(y_hbm.at[pl.ds(s * RPT, RPT)],
                    y_sh.at[pl.ds(s * RPT, RPT)])
    pltpu.sync_copy(src_hbm.at[wid], src_v)
    pltpu.sync_copy(dst_hbm.at[wid], dst_v)
    plsc.subcore_barrier()

    def fire_g(q):
        pltpu.async_copy(y_sh.at[src_v.at[q]], big.at[q % 2], sem_g)

    def drain_g(q):
        pltpu.make_async_copy(y_sh.at[src_v.at[q]], big.at[q % 2],
                              sem_g).wait()

    def fire_s(q):
        pltpu.async_copy(big.at[q % 2], acc_sh.at[dst_v.at[q]], sem_s,
                         add=True)

    def drain_s(q):
        pltpu.make_async_copy(big.at[q % 2], acc_sh.at[dst_v.at[q]],
                              sem_s).wait()

    fire_g(0)
    fire_g(1)
    drain_g(0)
    fire_s(0)
    drain_g(1)
    fire_s(1)
    drain_s(0)
    fire_g(2)
    drain_s(1)
    fire_g(3)
    drain_g(2)
    fire_s(2)
    drain_g(3)
    fire_s(3)
    drain_s(2)
    drain_s(3)

    plsc.subcore_barrier()
    pltpu.sync_copy(acc_sh.at[pl.ds(s * RPT, RPT)],
                    out_hbm.at[c, pl.ds(s * RPT, RPT)])


@functools.partial(
    pl.kernel,
    mesh=_mesh,
    out_type=jax.ShapeDtypeStruct((UVTOT, H), jnp.float32),
    compiler_params=pltpu.CompilerParams(use_tc_tiling_on_sc=False),
    scratch_types=[
        pltpu.VMEM((4, QUC), jnp.int32),
        pltpu.VMEM((2, QUC, H), jnp.float32),
        pltpu.VMEM_SHARED((NP, H), jnp.float32),
        pltpu.SemaphoreType.DMA,
        pltpu.SemaphoreType.DMA,
    ],
)
def _pairs_gather_kernel(idx_hbm, h_hbm, out_hbm, idx_v, big, h_sh,
                         sem_g, sem_w):
    c = lax.axis_index("c")
    s = lax.axis_index("s")
    wid = c * 16 + s
    base = wid * UVT
    pltpu.sync_copy(h_hbm.at[pl.ds(s * RPT, RPT)],
                    h_sh.at[pl.ds(s * RPT, RPT)])
    pltpu.sync_copy(idx_hbm.at[wid], idx_v)
    plsc.subcore_barrier()

    def fire_g(q):
        pltpu.async_copy(h_sh.at[idx_v.at[q]], big.at[q % 2], sem_g)

    def drain_g(q):
        pltpu.make_async_copy(h_sh.at[idx_v.at[q]], big.at[q % 2],
                              sem_g).wait()

    def fire_w(q):
        pltpu.async_copy(big.at[q % 2],
                         out_hbm.at[pl.ds(base + q * QUC, QUC)], sem_w)

    def drain_w(q):
        pltpu.make_async_copy(big.at[q % 2],
                              out_hbm.at[pl.ds(base + q * QUC, QUC)],
                              sem_w).wait()

    fire_g(0)
    fire_g(1)
    drain_g(0)
    fire_w(0)
    drain_g(1)
    fire_w(1)
    drain_w(0)
    fire_g(2)
    drain_w(1)
    fire_g(3)
    drain_g(2)
    fire_w(2)
    drain_g(3)
    fire_w(3)
    drain_w(2)
    drain_w(3)


NPR = NP // 8
NRR = N // 8


def _mm1_body(x_ref, w_ref, disp_ref, y_ref):
    y_ref[...] = jnp.dot(x_ref[...], w_ref[...],
                         preferred_element_type=jnp.float32) * disp_ref[...]


def _mid_body(accp_ref, y1_ref, dis_ref, b1_ref, w2_ref, y2_ref):
    acc = accp_ref[0] + accp_ref[1] + y1_ref[...]
    h1 = jnp.maximum(acc * dis_ref[...] + b1_ref[...], 0.0)
    rows = lax.broadcasted_iota(jnp.int32, (NPR, 1), 0)
    h1 = jnp.where(rows < NRR, h1, 0.0)
    y2_ref[...] = jnp.dot(h1, w2_ref[...],
                          preferred_element_type=jnp.float32) * dis_ref[...]


def _fin_body(accp_ref, y2_ref, dis_ref, b2_ref, h2_ref):
    acc = accp_ref[0] + accp_ref[1] + y2_ref[...]
    h2_ref[...] = jnp.maximum(acc * dis_ref[...] + b2_ref[...], 0.0)


def _head_body(u_ref, v_ref, w1_ref, b1_ref, w2_ref, b2_ref, o_ref):
    u = u_ref[...]
    v = v_ref[...]
    feat = jnp.concatenate([u, v, jnp.abs(u - v), u * v], axis=1)
    hid = jnp.maximum(
        jnp.dot(feat, w1_ref[...], preferred_element_type=jnp.float32)
        + b1_ref[...], 0.0)
    o_ref[...] = jnp.dot(hid, w2_ref[...],
                         preferred_element_type=jnp.float32) + b2_ref[...]


PR = EPP // 8
NBH = 16
RB = PR // NBH


def kernel(x, graph_edge_index, edge_pairs, W1, b1, W2, b2, Wm1, bm1, Wm2, bm2):
    src = graph_edge_index[0]
    dst = graph_edge_index[1]
    pad_e = jnp.full((EPAD - E,), N, jnp.int32)
    srcp = jnp.concatenate([src, pad_e]).reshape(NT, 4, QEC)
    dstp = jnp.concatenate([dst, pad_e]).reshape(NT, 4, QEC)
    zeros1d = jnp.zeros((NP,), jnp.float32)
    zeros2d = jnp.zeros((NP, H), jnp.float32)
    xp = jnp.concatenate([x, jnp.zeros((NP - N, D), jnp.float32)],
                         axis=0).reshape(NPR, 8 * D)

    eye8 = jnp.eye(8, dtype=jnp.float32)
    w1k = jnp.kron(eye8, W1)
    w2k = jnp.kron(eye8, W2)
    b1p = jnp.tile(b1, 8).reshape(1, 8 * H)
    b2p = jnp.tile(b2, 8).reshape(1, 8 * H)

    pad_p = jnp.zeros((EPP - EP,), jnp.int32)
    uv_idx = jnp.concatenate(
        [edge_pairs[0], pad_p, edge_pairs[1], pad_p]).reshape(NT, 4, QUC)
    w1_big = jnp.concatenate([
        jnp.kron(eye8, Wm1[0:H]),
        jnp.kron(eye8, Wm1[H:2 * H]),
        jnp.kron(eye8, Wm1[2 * H:3 * H]),
        jnp.kron(eye8, Wm1[3 * H:4 * H]),
    ], axis=0)

    degp = _deg_kernel(dstp, zeros1d)
    deg = degp[0] + degp[1] + 1.0
    dis = jnp.where(deg > 0, deg ** -0.5, 0.0)
    disp = jnp.repeat(dis.reshape(NPR, 8), H, axis=1)

    y1p = pl.pallas_call(
        _mm1_body,
        out_shape=jax.ShapeDtypeStruct((NPR, 128), jnp.float32),
    )(xp, w1k, disp)

    accp1 = _agg_kernel(srcp, dstp, y1p.reshape(NP, H), zeros2d)

    y2p = pl.pallas_call(
        _mid_body,
        out_shape=jax.ShapeDtypeStruct((NPR, 128), jnp.float32),
    )(accp1.reshape(2, NPR, 128), y1p, disp, b1p, w2k)

    accp2 = _agg_kernel(srcp, dstp, y2p.reshape(NP, H), zeros2d)

    h2p = pl.pallas_call(
        _fin_body,
        out_shape=jax.ShapeDtypeStruct((NPR, 128), jnp.float32),
    )(accp2.reshape(2, NPR, 128), y2p, disp, b2p)
    h2 = h2p.reshape(NP, H)

    uv = _pairs_gather_kernel(uv_idx, h2)
    uvp = uv.reshape(UVTOT // 8, 128)

    w2_big = jnp.kron(eye8, Wm2)
    b1_big = jnp.tile(bm1, 8).reshape(1, 8 * M)
    b2_big = jnp.tile(bm2, 8).reshape(1, 8)

    out = pl.pallas_call(
        _head_body,
        grid=(NBH,),
        in_specs=[
            pl.BlockSpec((RB, 128), lambda i: (i, 0)),
            pl.BlockSpec((RB, 128), lambda i: (i + NBH, 0)),
            pl.BlockSpec((4 * 128, 8 * M), lambda i: (0, 0)),
            pl.BlockSpec((1, 8 * M), lambda i: (0, 0)),
            pl.BlockSpec((8 * M, 8), lambda i: (0, 0)),
            pl.BlockSpec((1, 8), lambda i: (0, 0)),
        ],
        out_specs=pl.BlockSpec((RB, 8), lambda i: (i, 0)),
        out_shape=jax.ShapeDtypeStruct((PR, 8), jnp.float32),
    )(uvp, uvp, w1_big, b1_big, w2_big, b2_big)
    return out.reshape(-1)[:EP]

# --- scband reference (transcript-rebuilt; emitter-appended) ---
"""Pipeline reference for scband-n2-v-gcn-edge-model-44023414784051 (READ-ONLY COPY).

The authoritative reference and input builder live on the scoring server;
editing this copy changes nothing except your own understanding.
"""

import jax, jax.numpy as jnp
import numpy as np

N = 10000
E = 320000
EP = 200000
D = 128
H = 16
M = 32


def gcn_conv(x, src, dst, W, b, n):
    # PyG GCNConv (eval): x @ W, add self-loops, sym-normalize D^-1/2 A D^-1/2, scatter-add, + bias
    xw = x @ W
    loops = jnp.arange(n, dtype=src.dtype)
    s = jnp.concatenate([src, loops])
    d = jnp.concatenate([dst, loops])
    deg = jnp.zeros((n,), dtype=xw.dtype).at[d].add(1.0)
    dis = jnp.where(deg > 0, deg ** -0.5, 0.0)
    norm = dis[s] * dis[d]
    out = jnp.zeros((n, xw.shape[1]), dtype=xw.dtype).at[d].add(norm[:, None] * xw[s])
    return out + b


def setup_inputs(seed: int = 0):
    key = jax.random.key(seed)
    ks = jax.random.split(key, 12)
    x = jax.random.normal(ks[0], (N, D), dtype=jnp.float32)
    graph_edge_index = jax.random.randint(ks[1], (2, E), 0, N, dtype=jnp.int32)
    edge_pairs = jax.random.randint(ks[2], (2, EP), 0, N, dtype=jnp.int32)
    W1 = jax.random.normal(ks[3], (D, H), dtype=jnp.float32) * (1.0 / np.sqrt(D))
    b1 = jnp.zeros((H,), dtype=jnp.float32)
    W2 = jax.random.normal(ks[4], (H, H), dtype=jnp.float32) * (1.0 / np.sqrt(H))
    b2 = jnp.zeros((H,), dtype=jnp.float32)
    Wm1 = jax.random.normal(ks[5], (4 * H, M), dtype=jnp.float32) * (1.0 / np.sqrt(4 * H))
    bm1 = jnp.zeros((M,), dtype=jnp.float32)
    Wm2 = jax.random.normal(ks[6], (M, 1), dtype=jnp.float32) * (1.0 / np.sqrt(M))
    bm2 = jnp.zeros((1,), dtype=jnp.float32)
    return {"x": x, "graph_edge_index": graph_edge_index, "edge_pairs": edge_pairs,
            "W1": W1, "b1": b1, "W2": W2, "b2": b2,
            "Wm1": Wm1, "bm1": bm1, "Wm2": Wm2, "bm2": bm2}


def reference(x, graph_edge_index, edge_pairs, W1, b1, W2, b2, Wm1, bm1, Wm2, bm2):
    src = graph_edge_index[0]
    dst = graph_edge_index[1]
    n = x.shape[0]
    # GCNNodeEncoder (dropout is identity in eval)
    h = jax.nn.relu(gcn_conv(x, src, dst, W1, b1, n))
    h = jax.nn.relu(gcn_conv(h, src, dst, W2, b2, n))
    # EdgeClassifier
    u = h[edge_pairs[0]]
    v = h[edge_pairs[1]]
    feat = jnp.concatenate([u, v, jnp.abs(u - v), u * v], axis=-1)
    hid = jax.nn.relu(feat @ Wm1 + bm1)
    logit = (hid @ Wm2 + bm2).reshape(-1)
    return logit

if __name__ == "__main__":
    import jax
    _d = setup_inputs()
    print(jax.jit(kernel)(*tuple(_d.values())))

</pallas_src>

<mosaic_0001>
#map = affine_map<(d0, d1) -> (0, 0, 0)>
#map1 = affine_map<(d0, d1) -> (0, 0)>
module attributes {stable_mosaic.version = 14 : i64} {
  func.func @_pairs_gather_kernel(%arg0: i32, %arg1: i32, %arg2: memref<32x4x3328xi32, #tpu.memory_space<hbm>>, %arg3: memref<10240x16xf32, #tpu.memory_space<hbm>>, %arg4: memref<425984x16xf32, #tpu.memory_space<hbm>>, %arg5: memref<4x3328xi32, #tpu.memory_space<vmem>>, %arg6: memref<2x3328x16xf32, #tpu.memory_space<vmem>>, %arg7: memref<10240x16xf32, #tpu.memory_space<vmem_shared>>, %arg8: memref<!tpu.dma_semaphore, #tpu.memory_space<semaphore_mem>>, %arg9: memref<!tpu.dma_semaphore, #tpu.memory_space<semaphore_mem>>) attributes {dimension_semantics = [#tpu.dimension_semantics<core_parallel>, #tpu.dimension_semantics<subcore_parallel>], iteration_bounds = array<i64: 2, 16>, scalar_prefetch = 0 : i64, scratch_operands = 5 : i64, tpu.core_type = #tpu.core_type<sc_vector_subcore>, window_params = [{transform_indices = #map}, {transform_indices = #map1}, {transform_indices = #map1}]} {
    %mul3A = arith.constant 16 : i32
    %mul3A_0 = arith.muli %arg0, %mul3A : i32
    %add3A = arith.addi %mul3A_0, %arg1 : i32
    %mul3A_1 = arith.constant 13312 : i32
    %mul3A_2 = arith.muli %add3A, %mul3A_1 : i32
    %mul3A_3 = arith.constant 640 : i32
    %mul3A_4 = arith.muli %arg1, %mul3A_3 : i32
    %mul3A_5 = arith.constant 640 : i32
    %mul3A_6 = arith.muli %arg1, %mul3A_5 : i32
    "tpu.region"() ({
      %run_scoped3A = tpu.sem_alloc : memref<!tpu.dma_semaphore, #tpu.memory_space<semaphore_mem>>
      %dma_start3A_221 = arith.constant 0 : i32
      %dma_start3A_222 = tpu.memref_slice %arg7[%mul3A_6, %dma_start3A_221] : memref<10240x16xf32, #tpu.memory_space<vmem_shared>> -> memref<640x16xf32, #tpu.memory_space<vmem_shared>>
      %dma_start3A_223 = arith.constant 0 : i32
      %dma_start3A_224 = tpu.memref_slice %arg3[%mul3A_4, %dma_start3A_223] : memref<10240x16xf32, #tpu.memory_space<hbm>> -> memref<640x16xf32, #tpu.memory_space<hbm>>
      tpu.enqueue_dma source(%dma_start3A_224 : memref<640x16xf32, #tpu.memory_space<hbm>>) target(%dma_start3A_222 : memref<640x16xf32, #tpu.memory_space<vmem_shared>>) target_semaphore(%run_scoped3A : memref<!tpu.dma_semaphore, #tpu.memory_space<semaphore_mem>>)
      %dma_wait3A_225 = arith.constant 0 : i32
      %dma_wait3A_226 = tpu.memref_slice %arg7[%mul3A_6, %dma_wait3A_225] : memref<10240x16xf32, #tpu.memory_space<vmem_shared>> -> memref<640x16xf32, #tpu.memory_space<vmem_shared>>
      %dma_wait3A_227 = arith.constant 0 : i32
      %dma_wait3A_228 = tpu.memref_slice %arg3[%mul3A_4, %dma_wait3A_227] : memref<10240x16xf32, #tpu.memory_space<hbm>> -> memref<640x16xf32, #tpu.memory_space<hbm>>
      tpu.wait_dma2 semaphore(%run_scoped3A : memref<!tpu.dma_semaphore, #tpu.memory_space<semaphore_mem>>) src(%dma_wait3A_228 : memref<640x16xf32, #tpu.memory_space<hbm>>) dst(%dma_wait3A_226 : memref<640x16xf32, #tpu.memory_space<vmem_shared>>)
      tpu.yield
    }) : () -> ()
    "tpu.region"() ({
      %run_scoped3A = tpu.sem_alloc : memref<!tpu.dma_semaphore, #tpu.memory_space<semaphore_mem>>
      %dma_start3A_221 = arith.constant 0 : i32
      %dma_start3A_222 = arith.constant 0 : i32
      %dma_start3A_223 = tpu.memref_slice %arg2[%add3A, %dma_start3A_221, %dma_start3A_222] : memref<32x4x3328xi32, #tpu.memory_space<hbm>> -> memref<1x4x3328xi32, #tpu.memory_space<hbm>>
      %dma_start3A_224 = tpu.memref_squeeze %dma_start3A_223 : memref<1x4x3328xi32, #tpu.memory_space<hbm>> -> memref<4x3328xi32, #tpu.memory_space<hbm>>
      %dma_start3A_225 = arith.constant 0 : i32
      %dma_start3A_226 = arith.constant 0 : i32
      %dma_start3A_227 = tpu.memref_slice %arg2[%add3A, %dma_start3A_225, %dma_start3A_226] : memref<32x4x3328xi32, #tpu.memory_space<hbm>> -> memref<1x4x3328xi32, #tpu.memory_space<hbm>>
      %dma_start3A_228 = tpu.memref_squeeze %dma_start3A_227 : memref<1x4x3328xi32, #tpu.memory_space<hbm>> -> memref<4x3328xi32, #tpu.memory_space<hbm>>
      tpu.enqueue_dma source(%dma_start3A_228 : memref<4x3328xi32, #tpu.memory_space<hbm>>) target(%arg5 : memref<4x3328xi32, #tpu.memory_space<vmem>>) target_semaphore(%run_scoped3A : memref<!tpu.dma_semaphore, #tpu.memory_space<semaphore_mem>>)
      %dma_wait3A_229 = arith.constant 0 : i32
      %dma_wait3A_230 = arith.constant 0 : i32
      %dma_wait3A_231 = tpu.memref_slice %arg2[%add3A, %dma_wait3A_229, %dma_wait3A_230] : memref<32x4x3328xi32, #tpu.memory_space<hbm>> -> memref<1x4x3328xi32, #tpu.memory_space<hbm>>
      %dma_wait3A_232 = tpu.memref_squeeze %dma_wait3A_231 : memref<1x4x3328xi32, #tpu.memory_space<hbm>> -> memref<4x3328xi32, #tpu.memory_space<hbm>>
      %dma_wait3A_233 = arith.constant 0 : i32
      %dma_wait3A_234 = arith.constant 0 : i32
      %dma_wait3A_235 = tpu.memref_slice %arg2[%add3A, %dma_wait3A_233, %dma_wait3A_234] : memref<32x4x3328xi32, #tpu.memory_space<hbm>> -> memref<1x4x3328xi32, #tpu.memory_space<hbm>>
      %dma_wait3A_236 = tpu.memref_squeeze %dma_wait3A_235 : memref<1x4x3328xi32, #tpu.memory_space<hbm>> -> memref<4x3328xi32, #tpu.memory_space<hbm>>
      tpu.wait_dma2 semaphore(%run_scoped3A : memref<!tpu.dma_semaphore, #tpu.memory_space<semaphore_mem>>) src(%dma_wait3A_236 : memref<4x3328xi32, #tpu.memory_space<hbm>>) dst(%arg5 : memref<4x3328xi32, #tpu.memory_space<vmem>>)
      tpu.yield
    }) : () -> ()
    %barrier3A = arith.constant 0 : index
    tpu.barrier barrier_id(%barrier3A)
    %dma_start3A = arith.constant 0 : i32
    %dma_start3A_7 = arith.constant 0 : i32
    %dma_start3A_8 = arith.constant 0 : i32
    %dma_start3A_9 = arith.constant 0 : i32
    %dma_start3A_10 = tpu.memref_slice %arg6[%dma_start3A_7, %dma_start3A_8, %dma_start3A_9] : memref<2x3328x16xf32, #tpu.memory_space<vmem>> -> memref<1x3328x16xf32, #tpu.memory_space<vmem>>
    %dma_start3A_11 = tpu.memref_squeeze %dma_start3A_10 : memref<1x3328x16xf32, #tpu.memory_space<vmem>> -> memref<3328x16xf32, #tpu.memory_space<vmem>>
    %dma_start3A_12 = arith.constant 0 : i32
    %dma_start3A_13 = tpu.memref_slice %arg5[%dma_start3A, %dma_start3A_12] : memref<4x3328xi32, #tpu.memory_space<vmem>> -> memref<1x3328xi32, #tpu.memory_space<vmem>>
    %dma_start3A_14 = tpu.memref_squeeze %dma_start3A_13 : memref<1x3328xi32, #tpu.memory_space<vmem>> -> memref<3328xi32, #tpu.memory_space<vmem>>
    %dma_start3A_15 = arith.constant 0 : i32
    %dma_start3A_16 = arith.constant 0 : i32
    %dma_start3A_17 = tpu.memref_slice %arg7[%dma_start3A_15, %dma_start3A_16] : memref<10240x16xf32, #tpu.memory_space<vmem_shared>> -> memref<10240x16xf32, #tpu.memory_space<vmem_shared>>
    tpu.enqueue_indirect_dma source(%dma_start3A_17 : memref<10240x16xf32, #tpu.memory_space<vmem_shared>>) target(%dma_start3A_11 : memref<3328x16xf32, #tpu.memory_space<vmem>>) offsets(%dma_start3A_14 : memref<3328xi32, #tpu.memory_space<vmem>>) semaphore(%arg8 : memref<!tpu.dma_semaphore, #tpu.memory_space<semaphore_mem>>)
    %dma_start3A_18 = arith.constant 1 : i32
    %dma_start3A_19 = arith.constant 1 : i32
    %dma_start3A_20 = arith.constant 0 : i32
    %dma_start3A_21 = arith.constant 0 : i32
    %dma_start3A_22 = tpu.memref_slice %arg6[%dma_start3A_19, %dma_start3A_20, %dma_start3A_21] : memref<2x3328x16xf32, #tpu.memory_space<vmem>> -> memref<1x3328x16xf32, #tpu.memory_space<vmem>>
    %dma_start3A_23 = tpu.memref_squeeze %dma_start3A_22 : memref<1x3328x16xf32, #tpu.memory_space<vmem>> -> memref<3328x16xf32, #tpu.memory_space<vmem>>
    %dma_start3A_24 = arith.constant 0 : i32
    %dma_start3A_25 = tpu.memref_slice %arg5[%dma_start3A_18, %dma_start3A_24] : memref<4x3328xi32, #tpu.memory_space<vmem>> -> memref<1x3328xi32, #tpu.memory_space<vmem>>
    %dma_start3A_26 = tpu.memref_squeeze %dma_start3A_25 : memref<1x3328xi32, #tpu.memory_space<vmem>> -> memref<3328xi32, #tpu.memory_space<vmem>>
    %dma_start3A_27 = arith.constant 0 : i32
    %dma_start3A_28 = arith.constant 0 : i32
    %dma_start3A_29 = tpu.memref_slice %arg7[%dma_start3A_27, %dma_start3A_28] : memref<10240x16xf32, #tpu.memory_space<vmem_shared>> -> memref<10240x16xf32, #tpu.memory_space<vmem_shared>>
    tpu.enqueue_indirect_dma source(%dma_start3A_29 : memref<10240x16xf32, #tpu.memory_space<vmem_shared>>) target(%dma_start3A_23 : memref<3328x16xf32, #tpu.memory_space<vmem>>) offsets(%dma_start3A_26 : memref<3328xi32, #tpu.memory_space<vmem>>) semaphore(%arg8 : memref<!tpu.dma_semaphore, #tpu.memory_space<semaphore_mem>>)
    %dma_wait3A = arith.constant 0 : i32
    %dma_wait3A_30 = arith.constant 0 : i32
    %dma_wait3A_31 = arith.constant 0 : i32
    %dma_wait3A_32 = arith.constant 0 : i32
    %dma_wait3A_33 = tpu.memref_slice %arg6[%dma_wait3A_30, %dma_wait3A_31, %dma_wait3A_32] : memref<2x3328x16xf32, #tpu.memory_space<vmem>> -> memref<1x3328x16xf32, #tpu.memory_space<vmem>>
    %dma_wait3A_34 = tpu.memref_squeeze %dma_wait3A_33 : memref<1x3328x16xf32, #tpu.memory_space<vmem>> -> memref<3328x16xf32, #tpu.memory_space<vmem>>
    %dma_wait3A_35 = arith.constant 0 : i32
    %dma_wait3A_36 = tpu.memref_slice %arg5[%dma_wait3A, %dma_wait3A_35] : memref<4x3328xi32, #tpu.memory_space<vmem>> -> memref<1x3328xi32, #tpu.memory_space<vmem>>
    %dma_wait3A_37 = tpu.memref_squeeze %dma_wait3A_36 : memref<1x3328xi32, #tpu.memory_space<vmem>> -> memref<3328xi32, #tpu.memory_space<vmem>>
    %dma_wait3A_38 = arith.constant 0 : i32
    %dma_wait3A_39 = arith.constant 0 : i32
    %dma_wait3A_40 = tpu.memref_slice %arg7[%dma_wait3A_38, %dma_wait3A_39] : memref<10240x16xf32, #tpu.memory_space<vmem_shared>> -> memref<10240x16xf32, #tpu.memory_space<vmem_shared>>
    tpu.wait_indirect_dma semaphore(%arg8 : memref<!tpu.dma_semaphore, #tpu.memory_space<semaphore_mem>>) src(%dma_wait3A_40 : memref<10240x16xf32, #tpu.memory_space<vmem_shared>>) dst(%dma_wait3A_34 : memref<3328x16xf32, #tpu.memory_space<vmem>>)
    %add3A_41 = arith.constant 0 : i32
    %add3A_42 = arith.addi %mul3A_2, %add3A_41 : i32
    %dma_start3A_43 = arith.constant 0 : i32
    %dma_start3A_44 = arith.constant 0 : i32
    %dma_start3A_45 = arith.constant 0 : i32
    %dma_start3A_46 = tpu.memref_slice %arg6[%dma_start3A_43, %dma_start3A_44, %dma_start3A_45] : memref<2x3328x16xf32, #tpu.memory_space<vmem>> -> memref<1x3328x16xf32, #tpu.memory_space<vmem>>
    %dma_start3A_47 = tpu.memref_squeeze %dma_start3A_46 : memref<1x3328x16xf32, #tpu.memory_space<vmem>> -> memref<3328x16xf32, #tpu.memory_space<vmem>>
    %dma_start3A_48 = arith.constant 0 : i32
    %dma_start3A_49 = tpu.memref_slice %arg4[%add3A_42, %dma_start3A_48] : memref<425984x16xf32, #tpu.memory_space<hbm>> -> memref<3328x16xf32, #tpu.memory_space<hbm>>
    %dma_start3A_50 = arith.constant 0 : i32
    %dma_start3A_51 = tpu.memref_slice %arg4[%add3A_42, %dma_start3A_50] : memref<425984x16xf32, #tpu.memory_space<hbm>> -> memref<3328x16xf32, #tpu.memory_space<hbm>>
    %dma_start3A_52 = arith.constant 0 : i32
    %dma_start3A_53 = arith.constant 0 : i32
    %dma_start3A_54 = tpu.memref_slice %arg6[%dma_start3A_43, %dma_start3A_52, %dma_start3A_53] : memref<2x3328x16xf32, #tpu.memory_space<vmem>> -> memref<1x3328x16xf32, #tpu.memory_space<vmem>>
    %dma_start3A_55 = tpu.memref_squeeze %dma_start3A_54 : memref<1x3328x16xf32, #tpu.memory_space<vmem>> -> memref<3328x16xf32, #tpu.memory_space<vmem>>
    tpu.enqueue_dma source(%dma_start3A_55 : memref<3328x16xf32, #tpu.memory_space<vmem>>) target(%dma_start3A_51 : memref<3328x16xf32, #tpu.memory_space<hbm>>) target_semaphore(%arg9 : memref<!tpu.dma_semaphore, #tpu.memory_space<semaphore_mem>>)
    %dma_wait3A_56 = arith.constant 1 : i32
    %dma_wait3A_57 = arith.constant 1 : i32
    %dma_wait3A_58 = arith.constant 0 : i32
    %dma_wait3A_59 = arith.constant 0 : i32
    %dma_wait3A_60 = tpu.memref_slice %arg6[%dma_wait3A_57, %dma_wait3A_58, %dma_wait3A_59] : memref<2x3328x16xf32, #tpu.memory_space<vmem>> -> memref<1x3328x16xf32, #tpu.memory_space<vmem>>
    %dma_wait3A_61 = tpu.memref_squeeze %dma_wait3A_60 : memref<1x3328x16xf32, #tpu.memory_space<vmem>> -> memref<3328x16xf32, #tpu.memory_space<vmem>>
    %dma_wait3A_62 = arith.constant 0 : i32
    %dma_wait3A_63 = tpu.memref_slice %arg5[%dma_wait3A_56, %dma_wait3A_62] : memref<4x3328xi32, #tpu.memory_space<vmem>> -> memref<1x3328xi32, #tpu.memory_space<vmem>>
    %dma_wait3A_64 = tpu.memref_squeeze %dma_wait3A_63 : memref<1x3328xi32, #tpu.memory_space<vmem>> -> memref<3328xi32, #tpu.memory_space<vmem>>
    %dma_wait3A_65 = arith.constant 0 : i32
    %dma_wait3A_66 = arith.constant 0 : i32
    %dma_wait3A_67 = tpu.memref_slice %arg7[%dma_wait3A_65, %dma_wait3A_66] : memref<10240x16xf32, #tpu.memory_space<vmem_shared>> -> memref<10240x16xf32, #tpu.memory_space<vmem_shared>>
    tpu.wait_indirect_dma semaphore(%arg8 : memref<!tpu.dma_semaphore, #tpu.memory_space<semaphore_mem>>) src(%dma_wait3A_67 : memref<10240x16xf32, #tpu.memory_space<vmem_shared>>) dst(%dma_wait3A_61 : memref<3328x16xf32, #tpu.memory_space<vmem>>)
    %add3A_68 = arith.constant 3328 : i32
    %add3A_69 = arith.addi %mul3A_2, %add3A_68 : i32
    %dma_start3A_70 = arith.constant 1 : i32
    %dma_start3A_71 = arith.constant 0 : i32
    %dma_start3A_72 = arith.constant 0 : i32
    %dma_start3A_73 = tpu.memref_slice %arg6[%dma_start3A_70, %dma_start3A_71, %dma_start3A_72] : memref<2x3328x16xf32, #tpu.memory_space<vmem>> -> memref<1x3328x16xf32, #tpu.memory_space<vmem>>
    %dma_start3A_74 = tpu.memref_squeeze %dma_start3A_73 : memref<1x3328x16xf32, #tpu.memory_space<vmem>> -> memref<3328x16xf32, #tpu.memory_space<vmem>>
    %dma_start3A_75 = arith.constant 0 : i32
    %dma_start3A_76 = tpu.memref_slice %arg4[%add3A_69, %dma_start3A_75] : memref<425984x16xf32, #tpu.memory_space<hbm>> -> memref<3328x16xf32, #tpu.memory_space<hbm>>
    %dma_start3A_77 = arith.constant 0 : i32
    %dma_start3A_78 = tpu.memref_slice %arg4[%add3A_69, %dma_start3A_77] : memref<425984x16xf32, #tpu.memory_space<hbm>> -> memref<3328x16xf32, #tpu.memory_space<hbm>>
    %dma_start3A_79 = arith.constant 0 : i32
    %dma_start3A_80 = arith.constant 0 : i32
    %dma_start3A_81 = tpu.memref_slice %arg6[%dma_start3A_70, %dma_start3A_79, %dma_start3A_80] : memref<2x3328x16xf32, #tpu.memory_space<vmem>> -> memref<1x3328x16xf32, #tpu.memory_space<vmem>>
    %dma_start3A_82 = tpu.memref_squeeze %dma_start3A_81 : memref<1x3328x16xf32, #tpu.memory_space<vmem>> -> memref<3328x16xf32, #tpu.memory_space<vmem>>
    tpu.enqueue_dma source(%dma_start3A_82 : memref<3328x16xf32, #tpu.memory_space<vmem>>) target(%dma_start3A_78 : memref<3328x16xf32, #tpu.memory_space<hbm>>) target_semaphore(%arg9 : memref<!tpu.dma_semaphore, #tpu.memory_space<semaphore_mem>>)
    %add3A_83 = arith.constant 0 : i32
    %add3A_84 = arith.addi %mul3A_2, %add3A_83 : i32
    %dma_wait3A_85 = arith.constant 0 : i32
    %dma_wait3A_86 = arith.constant 0 : i32
    %dma_wait3A_87 = arith.constant 0 : i32
    %dma_wait3A_88 = tpu.memref_slice %arg6[%dma_wait3A_85, %dma_wait3A_86, %dma_wait3A_87] : memref<2x3328x16xf32, #tpu.memory_space<vmem>> -> memref<1x3328x16xf32, #tpu.memory_space<vmem>>
    %dma_wait3A_89 = tpu.memref_squeeze %dma_wait3A_88 : memref<1x3328x16xf32, #tpu.memory_space<vmem>> -> memref<3328x16xf32, #tpu.memory_space<vmem>>
    %dma_wait3A_90 = arith.constant 0 : i32
    %dma_wait3A_91 = tpu.memref_slice %arg4[%add3A_84, %dma_wait3A_90] : memref<425984x16xf32, #tpu.memory_space<hbm>> -> memref<3328x16xf32, #tpu.memory_space<hbm>>
    %dma_wait3A_92 = arith.constant 0 : i32
    %dma_wait3A_93 = tpu.memref_slice %arg4[%add3A_84, %dma_wait3A_92] : memref<425984x16xf32, #tpu.memory_space<hbm>> -> memref<3328x16xf32, #tpu.memory_space<hbm>>
    %dma_wait3A_94 = arith.constant 0 : i32
    %dma_wait3A_95 = arith.constant 0 : i32
    %dma_wait3A_96 = tpu.memref_slice %arg6[%dma_wait3A_85, %dma_wait3A_94, %dma_wait3A_95] : memref<2x3328x16xf32, #tpu.memory_space<vmem>> -> memref<1x3328x16xf32, #tpu.memory_space<vmem>>
    %dma_wait3A_97 = tpu.memref_squeeze %dma_wait3A_96 : memref<1x3328x16xf32, #tpu.memory_space<vmem>> -> memref<3328x16xf32, #tpu.memory_space<vmem>>
    tpu.wait_dma2 semaphore(%arg9 : memref<!tpu.dma_semaphore, #tpu.memory_space<semaphore_mem>>) src(%dma_wait3A_97 : memref<3328x16xf32, #tpu.memory_space<vmem>>) dst(%dma_wait3A_93 : memref<3328x16xf32, #tpu.memory_space<hbm>>)
    %dma_start3A_98 = arith.constant 2 : i32
    %dma_start3A_99 = arith.constant 0 : i32
    %dma_start3A_100 = arith.constant 0 : i32
    %dma_start3A_101 = arith.constant 0 : i32
    %dma_start3A_102 = tpu.memref_slice %arg6[%dma_start3A_99, %dma_start3A_100, %dma_start3A_101] : memref<2x3328x16xf32, #tpu.memory_space<vmem>> -> memref<1x3328x16xf32, #tpu.memory_space<vmem>>
    %dma_start3A_103 = tpu.memref_squeeze %dma_start3A_102 : memref<1x3328x16xf32, #tpu.memory_space<vmem>> -> memref<3328x16xf32, #tpu.memory_space<vmem>>
    %dma_start3A_104 = arith.constant 0 : i32
    %dma_start3A_105 = tpu.memref_slice %arg5[%dma_start3A_98, %dma_start3A_104] : memref<4x3328xi32, #tpu.memory_space<vmem>> -> memref<1x3328xi32, #tpu.memory_space<vmem>>
    %dma_start3A_106 = tpu.memref_squeeze %dma_start3A_105 : memref<1x3328xi32, #tpu.memory_space<vmem>> -> memref<3328xi32, #tpu.memory_space<vmem>>
    %dma_start3A_107 = arith.constant 0 : i32
    %dma_start3A_108 = arith.constant 0 : i32
    %dma_start3A_109 = tpu.memref_slice %arg7[%dma_start3A_107, %dma_start3A_108] : memref<10240x16xf32, #tpu.memory_space<vmem_shared>> -> memref<10240x16xf32, #tpu.memory_space<vmem_shared>>
    tpu.enqueue_indirect_dma source(%dma_start3A_109 : memref<10240x16xf32, #tpu.memory_space<vmem_shared>>) target(%dma_start3A_103 : memref<3328x16xf32, #tpu.memory_space<vmem>>) offsets(%dma_start3A_106 : memref<3328xi32, #tpu.memory_space<vmem>>) semaphore(%arg8 : memref<!tpu.dma_semaphore, #tpu.memory_space<semaphore_mem>>)
    %add3A_110 = arith.constant 3328 : i32
    %add3A_111 = arith.addi %mul3A_2, %add3A_110 : i32
    %dma_wait3A_112 = arith.constant 1 : i32
    %dma_wait3A_113 = arith.constant 0 : i32
    %dma_wait3A_114 = arith.constant 0 : i32
    %dma_wait3A_115 = tpu.memref_slice %arg6[%dma_wait3A_112, %dma_wait3A_113, %dma_wait3A_114] : memref<2x3328x16xf32, #tpu.memory_space<vmem>> -> memref<1x3328x16xf32, #tpu.memory_space<vmem>>
    %dma_wait3A_116 = tpu.memref_squeeze %dma_wait3A_115 : memref<1x3328x16xf32, #tpu.memory_space<vmem>> -> memref<3328x16xf32, #tpu.memory_space<vmem>>
    %dma_wait3A_117 = arith.constant 0 : i32
    %dma_wait3A_118 = tpu.memref_slice %arg4[%add3A_111, %dma_wait3A_117] : memref<425984x16xf32, #tpu.memory_space<hbm>> -> memref<3328x16xf32, #tpu.memory_space<hbm>>
    %dma_wait3A_119 = arith.constant 0 : i32
    %dma_wait3A_120 = tpu.memref_slice %arg4[%add3A_111, %dma_wait3A_119] : memref<425984x16xf32, #tpu.memory_space<hbm>> -> memref<3328x16xf32, #tpu.memory_space<hbm>>
    %dma_wait3A_121 = arith.constant 0 : i32
    %dma_wait3A_122 = arith.constant 0 : i32
    %dma_wait3A_123 = tpu.memref_slice %arg6[%dma_wait3A_112, %dma_wait3A_121, %dma_wait3A_122] : memref<2x3328x16xf32, #tpu.memory_space<vmem>> -> memref<1x3328x16xf32, #tpu.memory_space<vmem>>
    %dma_wait3A_124 = tpu.memref_squeeze %dma_wait3A_123 : memref<1x3328x16xf32, #tpu.memory_space<vmem>> -> memref<3328x16xf32, #tpu.memory_space<vmem>>
    tpu.wait_dma2 semaphore(%arg9 : memref<!tpu.dma_semaphore, #tpu.memory_space<semaphore_mem>>) src(%dma_wait3A_124 : memref<3328x16xf32, #tpu.memory_space<vmem>>) dst(%dma_wait3A_120 : memref<3328x16xf32, #tpu.memory_space<hbm>>)
    %dma_start3A_125 = arith.constant 3 : i32
    %dma_start3A_126 = arith.constant 1 : i32
    %dma_start3A_127 = arith.constant 0 : i32
    %dma_start3A_128 = arith.constant 0 : i32
    %dma_start3A_129 = tpu.memref_slice %arg6[%dma_start3A_126, %dma_start3A_127, %dma_start3A_128] : memref<2x3328x16xf32, #tpu.memory_space<vmem>> -> memref<1x3328x16xf32, #tpu.memory_space<vmem>>
    %dma_start3A_130 = tpu.memref_squeeze %dma_start3A_129 : memref<1x3328x16xf32, #tpu.memory_space<vmem>> -> memref<3328x16xf32, #tpu.memory_space<vmem>>
    %dma_start3A_131 = arith.constant 0 : i32
    %dma_start3A_132 = tpu.memref_slice %arg5[%dma_start3A_125, %dma_start3A_131] : memref<4x3328xi32, #tpu.memory_space<vmem>> -> memref<1x3328xi32, #tpu.memory_space<vmem>>
    %dma_start3A_133 = tpu.memref_squeeze %dma_start3A_132 : memref<1x3328xi32, #tpu.memory_space<vmem>> -> memref<3328xi32, #tpu.memory_space<vmem>>
    %dma_start3A_134 = arith.constant 0 : i32
    %dma_start3A_135 = arith.constant 0 : i32
    %dma_start3A_136 = tpu.memref_slice %arg7[%dma_start3A_134, %dma_start3A_135] : memref<10240x16xf32, #tpu.memory_space<vmem_shared>> -> memref<10240x16xf32, #tpu.memory_space<vmem_shared>>
    tpu.enqueue_indirect_dma source(%dma_start3A_136 : memref<10240x16xf32, #tpu.memory_space<vmem_shared>>) target(%dma_start3A_130 : memref<3328x16xf32, #tpu.memory_space<vmem>>) offsets(%dma_start3A_133 : memref<3328xi32, #tpu.memory_space<vmem>>) semaphore(%arg8 : memref<!tpu.dma_semaphore, #tpu.memory_space<semaphore_mem>>)
    %dma_wait3A_137 = arith.constant 2 : i32
    %dma_wait3A_138 = arith.constant 0 : i32
    %dma_wait3A_139 = arith.constant 0 : i32
    %dma_wait3A_140 = arith.constant 0 : i32
    %dma_wait3A_141 = tpu.memref_slice %arg6[%dma_wait3A_138, %dma_wait3A_139, %dma_wait3A_140] : memref<2x3328x16xf32, #tpu.memory_space<vmem>> -> memref<1x3328x16xf32, #tpu.memory_space<vmem>>
    %dma_wait3A_142 = tpu.memref_squeeze %dma_wait3A_141 : memref<1x3328x16xf32, #tpu.memory_space<vmem>> -> memref<3328x16xf32, #tpu.memory_space<vmem>>
    %dma_wait3A_143 = arith.constant 0 : i32
    %dma_wait3A_144 = tpu.memref_slice %arg5[%dma_wait3A_137, %dma_wait3A_143] : memref<4x3328xi32, #tpu.memory_space<vmem>> -> memref<1x3328xi32, #tpu.memory_space<vmem>>
    %dma_wait3A_145 = tpu.memref_squeeze %dma_wait3A_144 : memref<1x3328xi32, #tpu.memory_space<vmem>> -> memref<3328xi32, #tpu.memory_space<vmem>>
    %dma_wait3A_146 = arith.constant 0 : i32
    %dma_wait3A_147 = arith.constant 0 : i32
    %dma_wait3A_148 = tpu.memref_slice %arg7[%dma_wait3A_146, %dma_wait3A_147] : memref<10240x16xf32, #tpu.memory_space<vmem_shared>> -> memref<10240x16xf32, #tpu.memory_space<vmem_shared>>
    tpu.wait_indirect_dma semaphore(%arg8 : memref<!tpu.dma_semaphore, #tpu.memory_space<semaphore_mem>>) src(%dma_wait3A_148 : memref<10240x16xf32, #tpu.memory_space<vmem_shared>>) dst(%dma_wait3A_142 : memref<3328x16xf32, #tpu.memory_space<vmem>>)
    %add3A_149 = arith.constant 6656 : i32
    %add3A_150 = arith.addi %mul3A_2, %add3A_149 : i32
    %dma_start3A_151 = arith.constant 0 : i32
    %dma_start3A_152 = arith.constant 0 : i32
    %dma_start3A_153 = arith.constant 0 : i32
    %dma_start3A_154 = tpu.memref_slice %arg6[%dma_start3A_151, %dma_start3A_152, %dma_start3A_153] : memref<2x3328x16xf32, #tpu.memory_space<vmem>> -> memref<1x3328x16xf32, #tpu.memory_space<vmem>>
    %dma_start3A_155 = tpu.memref_squeeze %dma_start3A_154 : memref<1x3328x16xf32, #tpu.memory_space<vmem>> -> memref<3328x16xf32, #tpu.memory_space<vmem>>
    %dma_start3A_156 = arith.constant 0 : i32
    %dma_start3A_157 = tpu.memref_slice %arg4[%add3A_150, %dma_start3A_156] : memref<425984x16xf32, #tpu.memory_space<hbm>> -> memref<3328x16xf32, #tpu.memory_space<hbm>>
    %dma_start3A_158 = arith.constant 0 : i32
    %dma_start3A_159 = tpu.memref_slice %arg4[%add3A_150, %dma_start3A_158] : memref<425984x16xf32, #tpu.memory_space<hbm>> -> memref<3328x16xf32, #tpu.memory_space<hbm>>
    %dma_start3A_160 = arith.constant 0 : i32
    %dma_start3A_161 = arith.constant 0 : i32
    %dma_start3A_162 = tpu.memref_slice %arg6[%dma_start3A_151, %dma_start3A_160, %dma_start3A_161] : memref<2x3328x16xf32, #tpu.memory_space<vmem>> -> memref<1x3328x16xf32, #tpu.memory_space<vmem>>
    %dma_start3A_163 = tpu.memref_squeeze %dma_start3A_162 : memref<1x3328x16xf32, #tpu.memory_space<vmem>> -> memref<3328x16xf32, #tpu.memory_space<vmem>>
    tpu.enqueue_dma source(%dma_start3A_163 : memref<3328x16xf32, #tpu.memory_space<vmem>>) target(%dma_start3A_159 : memref<3328x16xf32, #tpu.memory_space<hbm>>) target_semaphore(%arg9 : memref<!tpu.dma_semaphore, #tpu.memory_space<semaphore_mem>>)
    %dma_wait3A_164 = arith.constant 3 : i32
    %dma_wait3A_165 = arith.constant 1 : i32
    %dma_wait3A_166 = arith.constant 0 : i32
    %dma_wait3A_167 = arith.constant 0 : i32
    %dma_wait3A_168 = tpu.memref_slice %arg6[%dma_wait3A_165, %dma_wait3A_166, %dma_wait3A_167] : memref<2x3328x16xf32, #tpu.memory_space<vmem>> -> memref<1x3328x16xf32, #tpu.memory_space<vmem>>
    %dma_wait3A_169 = tpu.memref_squeeze %dma_wait3A_168 : memref<1x3328x16xf32, #tpu.memory_space<vmem>> -> memref<3328x16xf32, #tpu.memory_space<vmem>>
    %dma_wait3A_170 = arith.constant 0 : i32
    %dma_wait3A_171 = tpu.memref_slice %arg5[%dma_wait3A_164, %dma_wait3A_170] : memref<4x3328xi32, #tpu.memory_space<vmem>> -> memref<1x3328xi32, #tpu.memory_space<vmem>>
    %dma_wait3A_172 = tpu.memref_squeeze %dma_wait3A_171 : memref<1x3328xi32, #tpu.memory_space<vmem>> -> memref<3328xi32, #tpu.memory_space<vmem>>
    %dma_wait3A_173 = arith.constant 0 : i32
    %dma_wait3A_174 = arith.constant 0 : i32
    %dma_wait3A_175 = tpu.memref_slice %arg7[%dma_wait3A_173, %dma_wait3A_174] : memref<10240x16xf32, #tpu.memory_space<vmem_shared>> -> memref<10240x16xf32, #tpu.memory_space<vmem_shared>>
    tpu.wait_indirect_dma semaphore(%arg8 : memref<!tpu.dma_semaphore, #tpu.memory_space<semaphore_mem>>) src(%dma_wait3A_175 : memref<10240x16xf32, #tpu.memory_space<vmem_shared>>) dst(%dma_wait3A_169 : memref<3328x16xf32, #tpu.memory_space<vmem>>)
    %add3A_176 = arith.constant 9984 : i32
    %add3A_177 = arith.addi %mul3A_2, %add3A_176 : i32
    %dma_start3A_178 = arith.constant 1 : i32
    %dma_start3A_179 = arith.constant 0 : i32
    %dma_start3A_180 = arith.constant 0 : i32
    %dma_start3A_181 = tpu.memref_slice %arg6[%dma_start3A_178, %dma_start3A_179, %dma_start3A_180] : memref<2x3328x16xf32, #tpu.memory_space<vmem>> -> memref<1x3328x16xf32, #tpu.memory_space<vmem>>
    %dma_start3A_182 = tpu.memref_squeeze %dma_start3A_181 : memref<1x3328x16xf32, #tpu.memory_space<vmem>> -> memref<3328x16xf32, #tpu.memory_space<vmem>>
    %dma_start3A_183 = arith.constant 0 : i32
    %dma_start3A_184 = tpu.memref_slice %arg4[%add3A_177, %dma_start3A_183] : memref<425984x16xf32, #tpu.memory_space<hbm>> -> memref<3328x16xf32, #tpu.memory_space<hbm>>
    %dma_start3A_185 = arith.constant 0 : i32
    %dma_start3A_186 = tpu.memref_slice %arg4[%add3A_177, %dma_start3A_185] : memref<425984x16xf32, #tpu.memory_space<hbm>> -> memref<3328x16xf32, #tpu.memory_space<hbm>>
    %dma_start3A_187 = arith.constant 0 : i32
    %dma_start3A_188 = arith.constant 0 : i32
    %dma_start3A_189 = tpu.memref_slice %arg6[%dma_start3A_178, %dma_start3A_187, %dma_start3A_188] : memref<2x3328x16xf32, #tpu.memory_space<vmem>> -> memref<1x3328x16xf32, #tpu.memory_space<vmem>>
    %dma_start3A_190 = tpu.memref_squeeze %dma_start3A_189 : memref<1x3328x16xf32, #tpu.memory_space<vmem>> -> memref<3328x16xf32, #tpu.memory_space<vmem>>
    tpu.enqueue_dma source(%dma_start3A_190 : memref<3328x16xf32, #tpu.memory_space<vmem>>) target(%dma_start3A_186 : memref<3328x16xf32, #tpu.memory_space<hbm>>) target_semaphore(%arg9 : memref<!tpu.dma_semaphore, #tpu.memory_space<semaphore_mem>>)
    %add3A_191 = arith.constant 6656 : i32
    %add3A_192 = arith.addi %mul3A_2, %add3A_191 : i32
    %dma_wait3A_193 = arith.constant 0 : i32
    %dma_wait3A_194 = arith.constant 0 : i32
    %dma_wait3A_195 = arith.constant 0 : i32
    %dma_wait3A_196 = tpu.memref_slice %arg6[%dma_wait3A_193, %dma_wait3A_194, %dma_wait3A_195] : memref<2x3328x16xf32, #tpu.memory_space<vmem>> -> memref<1x3328x16xf32, #tpu.memory_space<vmem>>
    %dma_wait3A_197 = tpu.memref_squeeze %dma_wait3A_196 : memref<1x3328x16xf32, #tpu.memory_space<vmem>> -> memref<3328x16xf32, #tpu.memory_space<vmem>>
    %dma_wait3A_198 = arith.constant 0 : i32
    %dma_wait3A_199 = tpu.memref_slice %arg4[%add3A_192, %dma_wait3A_198] : memref<425984x16xf32, #tpu.memory_space<hbm>> -> memref<3328x16xf32, #tpu.memory_space<hbm>>
    %dma_wait3A_200 = arith.constant 0 : i32
    %dma_wait3A_201 = tpu.memref_slice %arg4[%add3A_192, %dma_wait3A_200] : memref<425984x16xf32, #tpu.memory_space<hbm>> -> memref<3328x16xf32, #tpu.memory_space<hbm>>
    %dma_wait3A_202 = arith.constant 0 : i32
    %dma_wait3A_203 = arith.constant 0 : i32
    %dma_wait3A_204 = tpu.memref_slice %arg6[%dma_wait3A_193, %dma_wait3A_202, %dma_wait3A_203] : memref<2x3328x16xf32, #tpu.memory_space<vmem>> -> memref<1x3328x16xf32, #tpu.memory_space<vmem>>
    %dma_wait3A_205 = tpu.memref_squeeze %dma_wait3A_204 : memref<1x3328x16xf32, #tpu.memory_space<vmem>> -> memref<3328x16xf32, #tpu.memory_space<vmem>>
    tpu.wait_dma2 semaphore(%arg9 : memref<!tpu.dma_semaphore, #tpu.memory_space<semaphore_mem>>) src(%dma_wait3A_205 : memref<3328x16xf32, #tpu.memory_space<vmem>>) dst(%dma_wait3A_201 : memref<3328x16xf32, #tpu.memory_space<hbm>>)
    %add3A_206 = arith.constant 9984 : i32
    %add3A_207 = arith.addi %mul3A_2, %add3A_206 : i32
    %dma_wait3A_208 = arith.constant 1 : i32
    %dma_wait3A_209 = arith.constant 0 : i32
    %dma_wait3A_210 = arith.constant 0 : i32
    %dma_wait3A_211 = tpu.memref_slice %arg6[%dma_wait3A_208, %dma_wait3A_209, %dma_wait3A_210] : memref<2x3328x16xf32, #tpu.memory_space<vmem>> -> memref<1x3328x16xf32, #tpu.memory_space<vmem>>
    %dma_wait3A_212 = tpu.memref_squeeze %dma_wait3A_211 : memref<1x3328x16xf32, #tpu.memory_space<vmem>> -> memref<3328x16xf32, #tpu.memory_space<vmem>>
    %dma_wait3A_213 = arith.constant 0 : i32
    %dma_wait3A_214 = tpu.memref_slice %arg4[%add3A_207, %dma_wait3A_213] : memref<425984x16xf32, #tpu.memory_space<hbm>> -> memref<3328x16xf32, #tpu.memory_space<hbm>>
    %dma_wait3A_215 = arith.constant 0 : i32
    %dma_wait3A_216 = tpu.memref_slice %arg4[%add3A_207, %dma_wait3A_215] : memref<425984x16xf32, #tpu.memory_space<hbm>> -> memref<3328x16xf32, #tpu.memory_space<hbm>>
    %dma_wait3A_217 = arith.constant 0 : i32
    %dma_wait3A_218 = arith.constant 0 : i32
    %dma_wait3A_219 = tpu.memref_slice %arg6[%dma_wait3A_208, %dma_wait3A_217, %dma_wait3A_218] : memref<2x3328x16xf32, #tpu.memory_space<vmem>> -> memref<1x3328x16xf32, #tpu.memory_space<vmem>>
    %dma_wait3A_220 = tpu.memref_squeeze %dma_wait3A_219 : memref<1x3328x16xf32, #tpu.memory_space<vmem>> -> memref<3328x16xf32, #tpu.memory_space<vmem>>
    tpu.wait_dma2 semaphore(%arg9 : memref<!tpu.dma_semaphore, #tpu.memory_space<semaphore_mem>>) src(%dma_wait3A_220 : memref<3328x16xf32, #tpu.memory_space<vmem>>) dst(%dma_wait3A_216 : memref<3328x16xf32, #tpu.memory_space<hbm>>)
    return
  }
}

#map = affine_map<(d0, d1) -> (0, 0, 0)>
#map1 = affine_map<(d0, d1) -> (0)>
#map2 = affine_map<(d0, d1) -> (0, 0)>
module attributes {stable_mosaic.version = 14 : i64} {
  func.func @_deg_kernel(%arg0: i32, %arg1: i32, %arg2: memref<32x4x2560xi32, #tpu.memory_space<hbm>>, %arg3: memref<10240xf32, #tpu.memory_space<hbm>>, %arg4: memref<2x10240xf32, #tpu.memory_space<hbm>>, %arg5: memref<4x2560xi32, #tpu.memory_space<vmem>>, %arg6: memref<2560xf32, #tpu.memory_space<vmem>>, %arg7: memref<10240xf32, #tpu.memory_space<vmem_shared>>, %arg8: memref<!tpu.dma_semaphore, #tpu.memory_space<semaphore_mem>>) attributes {dimension_semantics = [#tpu.dimension_semantics<core_parallel>, #tpu.dimension_semantics<subcore_parallel>], iteration_bounds = array<i64: 2, 16>, scalar_prefetch = 0 : i64, scratch_operands = 4 : i64, tpu.core_type = #tpu.core_type<sc_vector_subcore>, window_params = [{transform_indices = #map}, {transform_indices = #map1}, {transform_indices = #map2}]} {
    %mul3A = arith.constant 16 : i32
    %mul3A_0 = arith.muli %arg0, %mul3A : i32
    %add3A = arith.addi %mul3A_0, %arg1 : i32
    %mul3A_1 = arith.constant 640 : i32
    %mul3A_2 = arith.muli %arg1, %mul3A_1 : i32
    %mul3A_3 = arith.constant 640 : i32
    %mul3A_4 = arith.muli %arg1, %mul3A_3 : i32
    "tpu.region"() ({
      %run_scoped3A = tpu.sem_alloc : memref<!tpu.dma_semaphore, #tpu.memory_space<semaphore_mem>>
      %dma_start3A_61 = tpu.memref_slice %arg7[%mul3A_4] : memref<10240xf32, #tpu.memory_space<vmem_shared>> -> memref<640xf32, #tpu.memory_space<vmem_shared>>
      %dma_start3A_62 = tpu.memref_slice %arg3[%mul3A_2] : memref<10240xf32, #tpu.memory_space<hbm>> -> memref<640xf32, #tpu.memory_space<hbm>>
      tpu.enqueue_dma source(%dma_start3A_62 : memref<640xf32, #tpu.memory_space<hbm>>) target(%dma_start3A_61 : memref<640xf32, #tpu.memory_space<vmem_shared>>) target_semaphore(%run_scoped3A : memref<!tpu.dma_semaphore, #tpu.memory_space<semaphore_mem>>)
      %dma_wait3A_63 = tpu.memref_slice %arg7[%mul3A_4] : memref<10240xf32, #tpu.memory_space<vmem_shared>> -> memref<640xf32, #tpu.memory_space<vmem_shared>>
      %dma_wait3A_64 = tpu.memref_slice %arg3[%mul3A_2] : memref<10240xf32, #tpu.memory_space<hbm>> -> memref<640xf32, #tpu.memory_space<hbm>>
      tpu.wait_dma2 semaphore(%run_scoped3A : memref<!tpu.dma_semaphore, #tpu.memory_space<semaphore_mem>>) src(%dma_wait3A_64 : memref<640xf32, #tpu.memory_space<hbm>>) dst(%dma_wait3A_63 : memref<640xf32, #tpu.memory_space<vmem_shared>>)
      tpu.yield
    }) : () -> ()
    %scan3A = arith.constant 0 : i32
    %scan3A_5 = arith.constant 0 : i32
    %scan3A_6 = arith.constant 160 : i32
    %scan3A_7 = arith.addi %scan3A_5, %scan3A_6 : i32
    %scan3A_8 = arith.constant 1 : i32
    scf.for %scan3A_61 = %scan3A_5 to %scan3A_7 step %scan3A_8  : i32 {
      %broadcast_in_dim3A = arith.constant 1.000000e+00 : f32
      %broadcast_in_dim3A_62 = vector.broadcast %broadcast_in_dim3A : f32 to vector<16xf32>
      %mul3A_63 = arith.constant 16 : i32
      %mul3A_64 = arith.muli %scan3A_61, %mul3A_63 : i32
      %swap3A = arith.index_cast %mul3A_64 : i32 to index
      %swap3A_65 = tpu.vector_load %arg6[%swap3A] {strides = array<i32>} : memref<2560xf32, #tpu.memory_space<vmem>>, vector<16xf32>,
      %swap3A_66 = vector.shape_cast %swap3A_65 : vector<16xf32> to vector<16xf32>
      %swap3A_67 = vector.shape_cast %broadcast_in_dim3A_62 : vector<16xf32> to vector<16xf32>
      tpu.vector_store %arg6[%swap3A], %swap3A_67 {strides = array<i32>} : memref<2560xf32, #tpu.memory_space<vmem>>, vector<16xf32>,
    }
    %scan3A_9 = arith.constant 160 : i32
    "tpu.region"() ({
      %run_scoped3A = tpu.sem_alloc : memref<!tpu.dma_semaphore, #tpu.memory_space<semaphore_mem>>
      %dma_start3A_61 = arith.constant 0 : i32
      %dma_start3A_62 = arith.constant 0 : i32
      %dma_start3A_63 = tpu.memref_slice %arg2[%add3A, %dma_start3A_61, %dma_start3A_62] : memref<32x4x2560xi32, #tpu.memory_space<hbm>> -> memref<1x4x2560xi32, #tpu.memory_space<hbm>>
      %dma_start3A_64 = tpu.memref_squeeze %dma_start3A_63 : memref<1x4x2560xi32, #tpu.memory_space<hbm>> -> memref<4x2560xi32, #tpu.memory_space<hbm>>
      %dma_start3A_65 = arith.constant 0 : i32
      %dma_start3A_66 = arith.constant 0 : i32
      %dma_start3A_67 = tpu.memref_slice %arg2[%add3A, %dma_start3A_65, %dma_start3A_66] : memref<32x4x2560xi32, #tpu.memory_space<hbm>> -> memref<1x4x2560xi32, #tpu.memory_space<hbm>>
      %dma_start3A_68 = tpu.memref_squeeze %dma_start3A_67 : memref<1x4x2560xi32, #tpu.memory_space<hbm>> -> memref<4x2560xi32, #tpu.memory_space<hbm>>
      tpu.enqueue_dma source(%dma_start3A_68 : memref<4x2560xi32, #tpu.memory_space<hbm>>) target(%arg5 : memref<4x2560xi32, #tpu.memory_space<vmem>>) target_semaphore(%run_scoped3A : memref<!tpu.dma_semaphore, #tpu.memory_space<semaphore_mem>>)
      %dma_wait3A_69 = arith.constant 0 : i32
      %dma_wait3A_70 = arith.constant 0 : i32
      %dma_wait3A_71 = tpu.memref_slice %arg2[%add3A, %dma_wait3A_69, %dma_wait3A_70] : memref<32x4x2560xi32, #tpu.memory_space<hbm>> -> memref<1x4x2560xi32, #tpu.memory_space<hbm>>
      %dma_wait3A_72 = tpu.memref_squeeze %dma_wait3A_71 : memref<1x4x2560xi32, #tpu.memory_space<hbm>> -> memref<4x2560xi32, #tpu.memory_space<hbm>>
      %dma_wait3A_73 = arith.constant 0 : i32
      %dma_wait3A_74 = arith.constant 0 : i32
      %dma_wait3A_75 = tpu.memref_slice %arg2[%add3A, %dma_wait3A_73, %dma_wait3A_74] : memref<32x4x2560xi32, #tpu.memory_space<hbm>> -> memref<1x4x2560xi32, #tpu.memory_space<hbm>>
      %dma_wait3A_76 = tpu.memref_squeeze %dma_wait3A_75 : memref<1x4x2560xi32, #tpu.memory_space<hbm>> -> memref<4x2560xi32, #tpu.memory_space<hbm>>
      tpu.wait_dma2 semaphore(%run_scoped3A : memref<!tpu.dma_semaphore, #tpu.memory_space<semaphore_mem>>) src(%dma_wait3A_76 : memref<4x2560xi32, #tpu.memory_space<hbm>>) dst(%arg5 : memref<4x2560xi32, #tpu.memory_space<vmem>>)
      tpu.yield
    }) : () -> ()
    %barrier3A = arith.constant 0 : index
    tpu.barrier barrier_id(%barrier3A)
    %dma_start3A = arith.constant 0 : i32
    %dma_start3A_10 = arith.constant 0 : i32
    %dma_start3A_11 = tpu.memref_slice %arg5[%dma_start3A, %dma_start3A_10] : memref<4x2560xi32, #tpu.memory_space<vmem>> -> memref<1x2560xi32, #tpu.memory_space<vmem>>
    %dma_start3A_12 = tpu.memref_squeeze %dma_start3A_11 : memref<1x2560xi32, #tpu.memory_space<vmem>> -> memref<2560xi32, #tpu.memory_space<vmem>>
    %dma_start3A_13 = arith.constant 0 : i32
    %dma_start3A_14 = tpu.memref_slice %arg7[%dma_start3A_13] : memref<10240xf32, #tpu.memory_space<vmem_shared>> -> memref<10240xf32, #tpu.memory_space<vmem_shared>>
    tpu.enqueue_indirect_dma source(%arg6 : memref<2560xf32, #tpu.memory_space<vmem>>) target(%dma_start3A_14 : memref<10240xf32, #tpu.memory_space<vmem_shared>>) offsets(%dma_start3A_12 : memref<2560xi32, #tpu.memory_space<vmem>>) semaphore(%arg8 : memref<!tpu.dma_semaphore, #tpu.memory_space<semaphore_mem>>) {add = true}
    %dma_start3A_15 = arith.constant 1 : i32
    %dma_start3A_16 = arith.constant 0 : i32
    %dma_start3A_17 = tpu.memref_slice %arg5[%dma_start3A_15, %dma_start3A_16] : memref<4x2560xi32, #tpu.memory_space<vmem>> -> memref<1x2560xi32, #tpu.memory_space<vmem>>
    %dma_start3A_18 = tpu.memref_squeeze %dma_start3A_17 : memref<1x2560xi32, #tpu.memory_space<vmem>> -> memref<2560xi32, #tpu.memory_space<vmem>>
    %dma_start3A_19 = arith.constant 0 : i32
    %dma_start3A_20 = tpu.memref_slice %arg7[%dma_start3A_19] : memref<10240xf32, #tpu.memory_space<vmem_shared>> -> memref<10240xf32, #tpu.memory_space<vmem_shared>>
    tpu.enqueue_indirect_dma source(%arg6 : memref<2560xf32, #tpu.memory_space<vmem>>) target(%dma_start3A_20 : memref<10240xf32, #tpu.memory_space<vmem_shared>>) offsets(%dma_start3A_18 : memref<2560xi32, #tpu.memory_space<vmem>>) semaphore(%arg8 : memref<!tpu.dma_semaphore, #tpu.memory_space<semaphore_mem>>) {add = true}
    %dma_start3A_21 = arith.constant 2 : i32
    %dma_start3A_22 = arith.constant 0 : i32
    %dma_start3A_23 = tpu.memref_slice %arg5[%dma_start3A_21, %dma_start3A_22] : memref<4x2560xi32, #tpu.memory_space<vmem>> -> memref<1x2560xi32, #tpu.memory_space<vmem>>
    %dma_start3A_24 = tpu.memref_squeeze %dma_start3A_23 : memref<1x2560xi32, #tpu.memory_space<vmem>> -> memref<2560xi32, #tpu.memory_space<vmem>>
    %dma_start3A_25 = arith.constant 0 : i32
    %dma_start3A_26 = tpu.memref_slice %arg7[%dma_start3A_25] : memref<10240xf32, #tpu.memory_space<vmem_shared>> -> memref<10240xf32, #tpu.memory_space<vmem_shared>>
    tpu.enqueue_indirect_dma source(%arg6 : memref<2560xf32, #tpu.memory_space<vmem>>) target(%dma_start3A_26 : memref<10240xf32, #tpu.memory_space<vmem_shared>>) offsets(%dma_start3A_24 : memref<2560xi32, #tpu.memory_space<vmem>>) semaphore(%arg8 : memref<!tpu.dma_semaphore, #tpu.memory_space<semaphore_mem>>) {add = true}
    %dma_start3A_27 = arith.constant 3 : i32
    %dma_start3A_28 = arith.constant 0 : i32
    %dma_start3A_29 = tpu.memref_slice %arg5[%dma_start3A_27, %dma_start3A_28] : memref<4x2560xi32, #tpu.memory_space<vmem>> -> memref<1x2560xi32, #tpu.memory_space<vmem>>
    %dma_start3A_30 = tpu.memref_squeeze %dma_start3A_29 : memref<1x2560xi32, #tpu.memory_space<vmem>> -> memref<2560xi32, #tpu.memory_space<vmem>>
    %dma_start3A_31 = arith.constant 0 : i32
    %dma_start3A_32 = tpu.memref_slice %arg7[%dma_start3A_31] : memref<10240xf32, #tpu.memory_space<vmem_shared>> -> memref<10240xf32, #tpu.memory_space<vmem_shared>>
    tpu.enqueue_indirect_dma source(%arg6 : memref<2560xf32, #tpu.memory_space<vmem>>) target(%dma_start3A_32 : memref<10240xf32, #tpu.memory_space<vmem_shared>>) offsets(%dma_start3A_30 : memref<2560xi32, #tpu.memory_space<vmem>>) semaphore(%arg8 : memref<!tpu.dma_semaphore, #tpu.memory_space<semaphore_mem>>) {add = true}
    %dma_wait3A = arith.constant 0 : i32
    %dma_wait3A_33 = arith.constant 0 : i32
    %dma_wait3A_34 = tpu.memref_slice %arg5[%dma_wait3A, %dma_wait3A_33] : memref<4x2560xi32, #tpu.memory_space<vmem>> -> memref<1x2560xi32, #tpu.memory_space<vmem>>
    %dma_wait3A_35 = tpu.memref_squeeze %dma_wait3A_34 : memref<1x2560xi32, #tpu.memory_space<vmem>> -> memref<2560xi32, #tpu.memory_space<vmem>>
    %dma_wait3A_36 = arith.constant 0 : i32
    %dma_wait3A_37 = tpu.memref_slice %arg7[%dma_wait3A_36] : memref<10240xf32, #tpu.memory_space<vmem_shared>> -> memref<10240xf32, #tpu.memory_space<vmem_shared>>
    tpu.wait_indirect_dma semaphore(%arg8 : memref<!tpu.dma_semaphore, #tpu.memory_space<semaphore_mem>>) src(%arg6 : memref<2560xf32, #tpu.memory_space<vmem>>) dst(%dma_wait3A_37 : memref<10240xf32, #tpu.memory_space<vmem_shared>>)
    %dma_wait3A_38 = arith.constant 1 : i32
    %dma_wait3A_39 = arith.constant 0 : i32
    %dma_wait3A_40 = tpu.memref_slice %arg5[%dma_wait3A_38, %dma_wait3A_39] : memref<4x2560xi32, #tpu.memory_space<vmem>> -> memref<1x2560xi32, #tpu.memory_space<vmem>>
    %dma_wait3A_41 = tpu.memref_squeeze %dma_wait3A_40 : memref<1x2560xi32, #tpu.memory_space<vmem>> -> memref<2560xi32, #tpu.memory_space<vmem>>
    %dma_wait3A_42 = arith.constant 0 : i32
    %dma_wait3A_43 = tpu.memref_slice %arg7[%dma_wait3A_42] : memref<10240xf32, #tpu.memory_space<vmem_shared>> -> memref<10240xf32, #tpu.memory_space<vmem_shared>>
    tpu.wait_indirect_dma semaphore(%arg8 : memref<!tpu.dma_semaphore, #tpu.memory_space<semaphore_mem>>) src(%arg6 : memref<2560xf32, #tpu.memory_space<vmem>>) dst(%dma_wait3A_43 : memref<10240xf32, #tpu.memory_space<vmem_shared>>)
    %dma_wait3A_44 = arith.constant 2 : i32
    %dma_wait3A_45 = arith.constant 0 : i32
    %dma_wait3A_46 = tpu.memref_slice %arg5[%dma_wait3A_44, %dma_wait3A_45] : memref<4x2560xi32, #tpu.memory_space<vmem>> -> memref<1x2560xi32, #tpu.memory_space<vmem>>
    %dma_wait3A_47 = tpu.memref_squeeze %dma_wait3A_46 : memref<1x2560xi32, #tpu.memory_space<vmem>> -> memref<2560xi32, #tpu.memory_space<vmem>>
    %dma_wait3A_48 = arith.constant 0 : i32
    %dma_wait3A_49 = tpu.memref_slice %arg7[%dma_wait3A_48] : memref<10240xf32, #tpu.memory_space<vmem_shared>> -> memref<10240xf32, #tpu.memory_space<vmem_shared>>
    tpu.wait_indirect_dma semaphore(%arg8 : memref<!tpu.dma_semaphore, #tpu.memory_space<semaphore_mem>>) src(%arg6 : memref<2560xf32, #tpu.memory_space<vmem>>) dst(%dma_wait3A_49 : memref<10240xf32, #tpu.memory_space<vmem_shared>>)
    %dma_wait3A_50 = arith.constant 3 : i32
    %dma_wait3A_51 = arith.constant 0 : i32
    %dma_wait3A_52 = tpu.memref_slice %arg5[%dma_wait3A_50, %dma_wait3A_51] : memref<4x2560xi32, #tpu.memory_space<vmem>> -> memref<1x2560xi32, #tpu.memory_space<vmem>>
    %dma_wait3A_53 = tpu.memref_squeeze %dma_wait3A_52 : memref<1x2560xi32, #tpu.memory_space<vmem>> -> memref<2560xi32, #tpu.memory_space<vmem>>
    %dma_wait3A_54 = arith.constant 0 : i32
    %dma_wait3A_55 = tpu.memref_slice %arg7[%dma_wait3A_54] : memref<10240xf32, #tpu.memory_space<vmem_shared>> -> memref<10240xf32, #tpu.memory_space<vmem_shared>>
    tpu.wait_indirect_dma semaphore(%arg8 : memref<!tpu.dma_semaphore, #tpu.memory_space<semaphore_mem>>) src(%arg6 : memref<2560xf32, #tpu.memory_space<vmem>>) dst(%dma_wait3A_55 : memref<10240xf32, #tpu.memory_space<vmem_shared>>)
    %barrier3A_56 = arith.constant 0 : index
    tpu.barrier barrier_id(%barrier3A_56)
    %mul3A_57 = arith.constant 640 : i32
    %mul3A_58 = arith.muli %arg1, %mul3A_57 : i32
    %mul3A_59 = arith.constant 640 : i32
    %mul3A_60 = arith.muli %arg1, %mul3A_59 : i32
    "tpu.region"() ({
      %run_scoped3A = tpu.sem_alloc : memref<!tpu.dma_semaphore, #tpu.memory_space<semaphore_mem>>
      %dma_start3A_61 = tpu.memref_slice %arg4[%arg0, %mul3A_60] : memref<2x10240xf32, #tpu.memory_space<hbm>> -> memref<1x640xf32, #tpu.memory_space<hbm>>
      %dma_start3A_62 = tpu.memref_squeeze %dma_start3A_61 : memref<1x640xf32, #tpu.memory_space<hbm>> -> memref<640xf32, #tpu.memory_space<hbm>>
      %dma_start3A_63 = tpu.memref_slice %arg7[%mul3A_58] : memref<10240xf32, #tpu.memory_space<vmem_shared>> -> memref<640xf32, #tpu.memory_space<vmem_shared>>
      tpu.enqueue_dma source(%dma_start3A_63 : memref<640xf32, #tpu.memory_space<vmem_shared>>) target(%dma_start3A_62 : memref<640xf32, #tpu.memory_space<hbm>>) target_semaphore(%run_scoped3A : memref<!tpu.dma_semaphore, #tpu.memory_space<semaphore_mem>>)
      %dma_wait3A_64 = tpu.memref_slice %arg4[%arg0, %mul3A_60] : memref<2x10240xf32, #tpu.memory_space<hbm>> -> memref<1x640xf32, #tpu.memory_space<hbm>>
      %dma_wait3A_65 = tpu.memref_squeeze %dma_wait3A_64 : memref<1x640xf32, #tpu.memory_space<hbm>> -> memref<640xf32, #tpu.memory_space<hbm>>
      %dma_wait3A_66 = tpu.memref_slice %arg7[%mul3A_58] : memref<10240xf32, #tpu.memory_space<vmem_shared>> -> memref<640xf32, #tpu.memory_space<vmem_shared>>
      tpu.wait_dma2 semaphore(%run_scoped3A : memref<!tpu.dma_semaphore, #tpu.memory_space<semaphore_mem>>) src(%dma_wait3A_66 : memref<640xf32, #tpu.memory_space<vmem_shared>>) dst(%dma_wait3A_65 : memref<640xf32, #tpu.memory_space<hbm>>)
      tpu.yield
    }) : () -> ()
    return
  }
}

#map = affine_map<(d0, d1) -> (0, 0, 0)>
#map1 = affine_map<(d0, d1) -> (0, 0)>
module attributes {stable_mosaic.version = 14 : i64} {
  func.func @_agg_kernel(%arg0: i32, %arg1: i32, %arg2: memref<32x4x2560xi32, #tpu.memory_space<hbm>>, %arg3: memref<32x4x2560xi32, #tpu.memory_space<hbm>>, %arg4: memref<10240x16xf32, #tpu.memory_space<hbm>>, %arg5: memref<10240x16xf32, #tpu.memory_space<hbm>>, %arg6: memref<2x10240x16xf32, #tpu.memory_space<hbm>>, %arg7: memref<4x2560xi32, #tpu.memory_space<vmem>>, %arg8: memref<4x2560xi32, #tpu.memory_space<vmem>>, %arg9: memref<2x2560x16xf32, #tpu.memory_space<vmem>>, %arg10: memref<10240x16xf32, #tpu.memory_space<vmem_shared>>, %arg11: memref<10240x16xf32, #tpu.memory_space<vmem_shared>>, %arg12: memref<!tpu.dma_semaphore, #tpu.memory_space<semaphore_mem>>, %arg13: memref<!tpu.dma_semaphore, #tpu.memory_space<semaphore_mem>>) attributes {dimension_semantics = [#tpu.dimension_semantics<core_parallel>, #tpu.dimension_semantics<subcore_parallel>], iteration_bounds = array<i64: 2, 16>, scalar_prefetch = 0 : i64, scratch_operands = 7 : i64, tpu.core_type = #tpu.core_type<sc_vector_subcore>, window_params = [{transform_indices = #map}, {transform_indices = #map}, {transform_indices = #map1}, {transform_indices = #map1}, {transform_indices = #map}]} {
    %mul3A = arith.constant 16 : i32
    %mul3A_0 = arith.muli %arg0, %mul3A : i32
    %add3A = arith.addi %mul3A_0, %arg1 : i32
    %mul3A_1 = arith.constant 640 : i32
    %mul3A_2 = arith.muli %arg1, %mul3A_1 : i32
    %mul3A_3 = arith.constant 640 : i32
    %mul3A_4 = arith.muli %arg1, %mul3A_3 : i32
    "tpu.region"() ({
      %run_scoped3A = tpu.sem_alloc : memref<!tpu.dma_semaphore, #tpu.memory_space<semaphore_mem>>
      %dma_start3A_204 = arith.constant 0 : i32
      %dma_start3A_205 = tpu.memref_slice %arg10[%mul3A_4, %dma_start3A_204] : memref<10240x16xf32, #tpu.memory_space<vmem_shared>> -> memref<640x16xf32, #tpu.memory_space<vmem_shared>>
      %dma_start3A_206 = arith.constant 0 : i32
      %dma_start3A_207 = tpu.memref_slice %arg5[%mul3A_2, %dma_start3A_206] : memref<10240x16xf32, #tpu.memory_space<hbm>> -> memref<640x16xf32, #tpu.memory_space<hbm>>
      tpu.enqueue_dma source(%dma_start3A_207 : memref<640x16xf32, #tpu.memory_space<hbm>>) target(%dma_start3A_205 : memref<640x16xf32, #tpu.memory_space<vmem_shared>>) target_semaphore(%run_scoped3A : memref<!tpu.dma_semaphore, #tpu.memory_space<semaphore_mem>>)
      %dma_wait3A_208 = arith.constant 0 : i32
      %dma_wait3A_209 = tpu.memref_slice %arg10[%mul3A_4, %dma_wait3A_208] : memref<10240x16xf32, #tpu.memory_space<vmem_shared>> -> memref<640x16xf32, #tpu.memory_space<vmem_shared>>
      %dma_wait3A_210 = arith.constant 0 : i32
      %dma_wait3A_211 = tpu.memref_slice %arg5[%mul3A_2, %dma_wait3A_210] : memref<10240x16xf32, #tpu.memory_space<hbm>> -> memref<640x16xf32, #tpu.memory_space<hbm>>
      tpu.wait_dma2 semaphore(%run_scoped3A : memref<!tpu.dma_semaphore, #tpu.memory_space<semaphore_mem>>) src(%dma_wait3A_211 : memref<640x16xf32, #tpu.memory_space<hbm>>) dst(%dma_wait3A_209 : memref<640x16xf32, #tpu.memory_space<vmem_shared>>)
      tpu.yield
    }) : () -> ()
    %mul3A_5 = arith.constant 640 : i32
    %mul3A_6 = arith.muli %arg1, %mul3A_5 : i32
    %mul3A_7 = arith.constant 640 : i32
    %mul3A_8 = arith.muli %arg1, %mul3A_7 : i32
    "tpu.region"() ({
      %run_scoped3A = tpu.sem_alloc : memref<!tpu.dma_semaphore, #tpu.memory_space<semaphore_mem>>
      %dma_start3A_204 = arith.constant 0 : i32
      %dma_start3A_205 = tpu.memref_slice %arg11[%mul3A_8, %dma_start3A_204] : memref<10240x16xf32, #tpu.memory_space<vmem_shared>> -> memref<640x16xf32, #tpu.memory_space<vmem_shared>>
      %dma_start3A_206 = arith.constant 0 : i32
      %dma_start3A_207 = tpu.memref_slice %arg4[%mul3A_6, %dma_start3A_206] : memref<10240x16xf32, #tpu.memory_space<hbm>> -> memref<640x16xf32, #tpu.memory_space<hbm>>
      tpu.enqueue_dma source(%dma_start3A_207 : memref<640x16xf32, #tpu.memory_space<hbm>>) target(%dma_start3A_205 : memref<640x16xf32, #tpu.memory_space<vmem_shared>>) target_semaphore(%run_scoped3A : memref<!tpu.dma_semaphore, #tpu.memory_space<semaphore_mem>>)
      %dma_wait3A_208 = arith.constant 0 : i32
      %dma_wait3A_209 = tpu.memref_slice %arg11[%mul3A_8, %dma_wait3A_208] : memref<10240x16xf32, #tpu.memory_space<vmem_shared>> -> memref<640x16xf32, #tpu.memory_space<vmem_shared>>
      %dma_wait3A_210 = arith.constant 0 : i32
      %dma_wait3A_211 = tpu.memref_slice %arg4[%mul3A_6, %dma_wait3A_210] : memref<10240x16xf32, #tpu.memory_space<hbm>> -> memref<640x16xf32, #tpu.memory_space<hbm>>
      tpu.wait_dma2 semaphore(%run_scoped3A : memref<!tpu.dma_semaphore, #tpu.memory_space<semaphore_mem>>) src(%dma_wait3A_211 : memref<640x16xf32, #tpu.memory_space<hbm>>) dst(%dma_wait3A_209 : memref<640x16xf32, #tpu.memory_space<vmem_shared>>)
      tpu.yield
    }) : () -> ()
    "tpu.region"() ({
      %run_scoped3A = tpu.sem_alloc : memref<!tpu.dma_semaphore, #tpu.memory_space<semaphore_mem>>
      %dma_start3A_204 = arith.constant 0 : i32
      %dma_start3A_205 = arith.constant 0 : i32
      %dma_start3A_206 = tpu.memref_slice %arg2[%add3A, %dma_start3A_204, %dma_start3A_205] : memref<32x4x2560xi32, #tpu.memory_space<hbm>> -> memref<1x4x2560xi32, #tpu.memory_space<hbm>>
      %dma_start3A_207 = tpu.memref_squeeze %dma_start3A_206 : memref<1x4x2560xi32, #tpu.memory_space<hbm>> -> memref<4x2560xi32, #tpu.memory_space<hbm>>
      %dma_start3A_208 = arith.constant 0 : i32
      %dma_start3A_209 = arith.constant 0 : i32
      %dma_start3A_210 = tpu.memref_slice %arg2[%add3A, %dma_start3A_208, %dma_start3A_209] : memref<32x4x2560xi32, #tpu.memory_space<hbm>> -> memref<1x4x2560xi32, #tpu.memory_space<hbm>>
      %dma_start3A_211 = tpu.memref_squeeze %dma_start3A_210 : memref<1x4x2560xi32, #tpu.memory_space<hbm>> -> memref<4x2560xi32, #tpu.memory_space<hbm>>
      tpu.enqueue_dma source(%dma_start3A_211 : memref<4x2560xi32, #tpu.memory_space<hbm>>) target(%arg7 : memref<4x2560xi32, #tpu.memory_space<vmem>>) target_semaphore(%run_scoped3A : memref<!tpu.dma_semaphore, #tpu.memory_space<semaphore_mem>>)
      %dma_wait3A_212 = arith.constant 0 : i32
      %dma_wait3A_213 = arith.constant 0 : i32
      %dma_wait3A_214 = tpu.memref_slice %arg2[%add3A, %dma_wait3A_212, %dma_wait3A_213] : memref<32x4x2560xi32, #tpu.memory_space<hbm>> -> memref<1x4x2560xi32, #tpu.memory_space<hbm>>
      %dma_wait3A_215 = tpu.memref_squeeze %dma_wait3A_214 : memref<1x4x2560xi32, #tpu.memory_space<hbm>> -> memref<4x2560xi32, #tpu.memory_space<hbm>>
      %dma_wait3A_216 = arith.constant 0 : i32
      %dma_wait3A_217 = arith.constant 0 : i32
      %dma_wait3A_218 = tpu.memref_slice %arg2[%add3A, %dma_wait3A_216, %dma_wait3A_217] : memref<32x4x2560xi32, #tpu.memory_space<hbm>> -> memref<1x4x2560xi32, #tpu.memory_space<hbm>>
      %dma_wait3A_219 = tpu.memref_squeeze %dma_wait3A_218 : memref<1x4x2560xi32, #tpu.memory_space<hbm>> -> memref<4x2560xi32, #tpu.memory_space<hbm>>
      tpu.wait_dma2 semaphore(%run_scoped3A : memref<!tpu.dma_semaphore, #tpu.memory_space<semaphore_mem>>) src(%dma_wait3A_219 : memref<4x2560xi32, #tpu.memory_space<hbm>>) dst(%arg7 : memref<4x2560xi32, #tpu.memory_space<vmem>>)
      tpu.yield
    }) : () -> ()
    "tpu.region"() ({
      %run_scoped3A = tpu.sem_alloc : memref<!tpu.dma_semaphore, #tpu.memory_space<semaphore_mem>>
      %dma_start3A_204 = arith.constant 0 : i32
      %dma_start3A_205 = arith.constant 0 : i32
      %dma_start3A_206 = tpu.memref_slice %arg3[%add3A, %dma_start3A_204, %dma_start3A_205] : memref<32x4x2560xi32, #tpu.memory_space<hbm>> -> memref<1x4x2560xi32, #tpu.memory_space<hbm>>
      %dma_start3A_207 = tpu.memref_squeeze %dma_start3A_206 : memref<1x4x2560xi32, #tpu.memory_space<hbm>> -> memref<4x2560xi32, #tpu.memory_space<hbm>>
      %dma_start3A_208 = arith.constant 0 : i32
      %dma_start3A_209 = arith.constant 0 : i32
      %dma_start3A_210 = tpu.memref_slice %arg3[%add3A, %dma_start3A_208, %dma_start3A_209] : memref<32x4x2560xi32, #tpu.memory_space<hbm>> -> memref<1x4x2560xi32, #tpu.memory_space<hbm>>
      %dma_start3A_211 = tpu.memref_squeeze %dma_start3A_210 : memref<1x4x2560xi32, #tpu.memory_space<hbm>> -> memref<4x2560xi32, #tpu.memory_space<hbm>>
      tpu.enqueue_dma source(%dma_start3A_211 : memref<4x2560xi32, #tpu.memory_space<hbm>>) target(%arg8 : memref<4x2560xi32, #tpu.memory_space<vmem>>) target_semaphore(%run_scoped3A : memref<!tpu.dma_semaphore, #tpu.memory_space<semaphore_mem>>)
      %dma_wait3A_212 = arith.constant 0 : i32
      %dma_wait3A_213 = arith.constant 0 : i32
      %dma_wait3A_214 = tpu.memref_slice %arg3[%add3A, %dma_wait3A_212, %dma_wait3A_213] : memref<32x4x2560xi32, #tpu.memory_space<hbm>> -> memref<1x4x2560xi32, #tpu.memory_space<hbm>>
      %dma_wait3A_215 = tpu.memref_squeeze %dma_wait3A_214 : memref<1x4x2560xi32, #tpu.memory_space<hbm>> -> memref<4x2560xi32, #tpu.memory_space<hbm>>
      %dma_wait3A_216 = arith.constant 0 : i32
      %dma_wait3A_217 = arith.constant 0 : i32
      %dma_wait3A_218 = tpu.memref_slice %arg3[%add3A, %dma_wait3A_216, %dma_wait3A_217] : memref<32x4x2560xi32, #tpu.memory_space<hbm>> -> memref<1x4x2560xi32, #tpu.memory_space<hbm>>
      %dma_wait3A_219 = tpu.memref_squeeze %dma_wait3A_218 : memref<1x4x2560xi32, #tpu.memory_space<hbm>> -> memref<4x2560xi32, #tpu.memory_space<hbm>>
      tpu.wait_dma2 semaphore(%run_scoped3A : memref<!tpu.dma_semaphore, #tpu.memory_space<semaphore_mem>>) src(%dma_wait3A_219 : memref<4x2560xi32, #tpu.memory_space<hbm>>) dst(%arg8 : memref<4x2560xi32, #tpu.memory_space<vmem>>)
      tpu.yield
    }) : () -> ()
    %barrier3A = arith.constant 0 : index
    tpu.barrier barrier_id(%barrier3A)
    %dma_start3A = arith.constant 0 : i32
    %dma_start3A_9 = arith.constant 0 : i32
    %dma_start3A_10 = arith.constant 0 : i32
    %dma_start3A_11 = arith.constant 0 : i32
    %dma_start3A_12 = tpu.memref_slice %arg9[%dma_start3A_9, %dma_start3A_10, %dma_start3A_11] : memref<2x2560x16xf32, #tpu.memory_space<vmem>> -> memref<1x2560x16xf32, #tpu.memory_space<vmem>>
    %dma_start3A_13 = tpu.memref_squeeze %dma_start3A_12 : memref<1x2560x16xf32, #tpu.memory_space<vmem>> -> memref<2560x16xf32, #tpu.memory_space<vmem>>
    %dma_start3A_14 = arith.constant 0 : i32
    %dma_start3A_15 = tpu.memref_slice %arg7[%dma_start3A, %dma_start3A_14] : memref<4x2560xi32, #tpu.memory_space<vmem>> -> memref<1x2560xi32, #tpu.memory_space<vmem>>
    %dma_start3A_16 = tpu.memref_squeeze %dma_start3A_15 : memref<1x2560xi32, #tpu.memory_space<vmem>> -> memref<2560xi32, #tpu.memory_space<vmem>>
    %dma_start3A_17 = arith.constant 0 : i32
    %dma_start3A_18 = arith.constant 0 : i32
    %dma_start3A_19 = tpu.memref_slice %arg11[%dma_start3A_17, %dma_start3A_18] : memref<10240x16xf32, #tpu.memory_space<vmem_shared>> -> memref<10240x16xf32, #tpu.memory_space<vmem_shared>>
    tpu.enqueue_indirect_dma source(%dma_start3A_19 : memref<10240x16xf32, #tpu.memory_space<vmem_shared>>) target(%dma_start3A_13 : memref<2560x16xf32, #tpu.memory_space<vmem>>) offsets(%dma_start3A_16 : memref<2560xi32, #tpu.memory_space<vmem>>) semaphore(%arg12 : memref<!tpu.dma_semaphore, #tpu.memory_space<semaphore_mem>>)
    %dma_start3A_20 = arith.constant 1 : i32
    %dma_start3A_21 = arith.constant 1 : i32
    %dma_start3A_22 = arith.constant 0 : i32
    %dma_start3A_23 = arith.constant 0 : i32
    %dma_start3A_24 = tpu.memref_slice %arg9[%dma_start3A_21, %dma_start3A_22, %dma_start3A_23] : memref<2x2560x16xf32, #tpu.memory_space<vmem>> -> memref<1x2560x16xf32, #tpu.memory_space<vmem>>
    %dma_start3A_25 = tpu.memref_squeeze %dma_start3A_24 : memref<1x2560x16xf32, #tpu.memory_space<vmem>> -> memref<2560x16xf32, #tpu.memory_space<vmem>>
    %dma_start3A_26 = arith.constant 0 : i32
    %dma_start3A_27 = tpu.memref_slice %arg7[%dma_start3A_20, %dma_start3A_26] : memref<4x2560xi32, #tpu.memory_space<vmem>> -> memref<1x2560xi32, #tpu.memory_space<vmem>>
    %dma_start3A_28 = tpu.memref_squeeze %dma_start3A_27 : memref<1x2560xi32, #tpu.memory_space<vmem>> -> memref<2560xi32, #tpu.memory_space<vmem>>
    %dma_start3A_29 = arith.constant 0 : i32
    %dma_start3A_30 = arith.constant 0 : i32
    %dma_start3A_31 = tpu.memref_slice %arg11[%dma_start3A_29, %dma_start3A_30] : memref<10240x16xf32, #tpu.memory_space<vmem_shared>> -> memref<10240x16xf32, #tpu.memory_space<vmem_shared>>
    tpu.enqueue_indirect_dma source(%dma_start3A_31 : memref<10240x16xf32, #tpu.memory_space<vmem_shared>>) target(%dma_start3A_25 : memref<2560x16xf32, #tpu.memory_space<vmem>>) offsets(%dma_start3A_28 : memref<2560xi32, #tpu.memory_space<vmem>>) semaphore(%arg12 : memref<!tpu.dma_semaphore, #tpu.memory_space<semaphore_mem>>)
    %dma_wait3A = arith.constant 0 : i32
    %dma_wait3A_32 = arith.constant 0 : i32
    %dma_wait3A_33 = arith.constant 0 : i32
    %dma_wait3A_34 = arith.constant 0 : i32
    %dma_wait3A_35 = tpu.memref_slice %arg9[%dma_wait3A_32, %dma_wait3A_33, %dma_wait3A_34] : memref<2x2560x16xf32, #tpu.memory_space<vmem>> -> memref<1x2560x16xf32, #tpu.memory_space<vmem>>
    %dma_wait3A_36 = tpu.memref_squeeze %dma_wait3A_35 : memref<1x2560x16xf32, #tpu.memory_space<vmem>> -> memref<2560x16xf32, #tpu.memory_space<vmem>>
    %dma_wait3A_37 = arith.constant 0 : i32
    %dma_wait3A_38 = tpu.memref_slice %arg7[%dma_wait3A, %dma_wait3A_37] : memref<4x2560xi32, #tpu.memory_space<vmem>> -> memref<1x2560xi32, #tpu.memory_space<vmem>>
    %dma_wait3A_39 = tpu.memref_squeeze %dma_wait3A_38 : memref<1x2560xi32, #tpu.memory_space<vmem>> -> memref<2560xi32, #tpu.memory_space<vmem>>
    %dma_wait3A_40 = arith.constant 0 : i32
    %dma_wait3A_41 = arith.constant 0 : i32
    %dma_wait3A_42 = tpu.memref_slice %arg11[%dma_wait3A_40, %dma_wait3A_41] : memref<10240x16xf32, #tpu.memory_space<vmem_shared>> -> memref<10240x16xf32, #tpu.memory_space<vmem_shared>>
    tpu.wait_indirect_dma semaphore(%arg12 : memref<!tpu.dma_semaphore, #tpu.memory_space<semaphore_mem>>) src(%dma_wait3A_42 : memref<10240x16xf32, #tpu.memory_space<vmem_shared>>) dst(%dma_wait3A_36 : memref<2560x16xf32, #tpu.memory_space<vmem>>)
    %dma_start3A_43 = arith.constant 0 : i32
    %dma_start3A_44 = arith.constant 0 : i32
    %dma_start3A_45 = arith.constant 0 : i32
    %dma_start3A_46 = arith.constant 0 : i32
    %dma_start3A_47 = tpu.memref_slice %arg9[%dma_start3A_43, %dma_start3A_45, %dma_start3A_46] : memref<2x2560x16xf32, #tpu.memory_space<vmem>> -> memref<1x2560x16xf32, #tpu.memory_space<vmem>>
    %dma_start3A_48 = tpu.memref_squeeze %dma_start3A_47 : memref<1x2560x16xf32, #tpu.memory_space<vmem>> -> memref<2560x16xf32, #tpu.memory_space<vmem>>
    %dma_start3A_49 = arith.constant 0 : i32
    %dma_start3A_50 = tpu.memref_slice %arg8[%dma_start3A_44, %dma_start3A_49] : memref<4x2560xi32, #tpu.memory_space<vmem>> -> memref<1x2560xi32, #tpu.memory_space<vmem>>
    %dma_start3A_51 = tpu.memref_squeeze %dma_start3A_50 : memref<1x2560xi32, #tpu.memory_space<vmem>> -> memref<2560xi32, #tpu.memory_space<vmem>>
    %dma_start3A_52 = arith.constant 0 : i32
    %dma_start3A_53 = arith.constant 0 : i32
    %dma_start3A_54 = tpu.memref_slice %arg10[%dma_start3A_52, %dma_start3A_53] : memref<10240x16xf32, #tpu.memory_space<vmem_shared>> -> memref<10240x16xf32, #tpu.memory_space<vmem_shared>>
    tpu.enqueue_indirect_dma source(%dma_start3A_48 : memref<2560x16xf32, #tpu.memory_space<vmem>>) target(%dma_start3A_54 : memref<10240x16xf32, #tpu.memory_space<vmem_shared>>) offsets(%dma_start3A_51 : memref<2560xi32, #tpu.memory_space<vmem>>) semaphore(%arg13 : memref<!tpu.dma_semaphore, #tpu.memory_space<semaphore_mem>>) {add = true}
    %dma_wait3A_55 = arith.constant 1 : i32
    %dma_wait3A_56 = arith.constant 1 : i32
    %dma_wait3A_57 = arith.constant 0 : i32
    %dma_wait3A_58 = arith.constant 0 : i32
    %dma_wait3A_59 = tpu.memref_slice %arg9[%dma_wait3A_56, %dma_wait3A_57, %dma_wait3A_58] : memref<2x2560x16xf32, #tpu.memory_space<vmem>> -> memref<1x2560x16xf32, #tpu.memory_space<vmem>>
    %dma_wait3A_60 = tpu.memref_squeeze %dma_wait3A_59 : memref<1x2560x16xf32, #tpu.memory_space<vmem>> -> memref<2560x16xf32, #tpu.memory_space<vmem>>
    %dma_wait3A_61 = arith.constant 0 : i32
    %dma_wait3A_62 = tpu.memref_slice %arg7[%dma_wait3A_55, %dma_wait3A_61] : memref<4x2560xi32, #tpu.memory_space<vmem>> -> memref<1x2560xi32, #tpu.memory_space<vmem>>
    %dma_wait3A_63 = tpu.memref_squeeze %dma_wait3A_62 : memref<1x2560xi32, #tpu.memory_space<vmem>> -> memref<2560xi32, #tpu.memory_space<vmem>>
    %dma_wait3A_64 = arith.constant 0 : i32
    %dma_wait3A_65 = arith.constant 0 : i32
    %dma_wait3A_66 = tpu.memref_slice %arg11[%dma_wait3A_64, %dma_wait3A_65] : memref<10240x16xf32, #tpu.memory_space<vmem_shared>> -> memref<10240x16xf32, #tpu.memory_space<vmem_shared>>
    tpu.wait_indirect_dma semaphore(%arg12 : memref<!tpu.dma_semaphore, #tpu.memory_space<semaphore_mem>>) src(%dma_wait3A_66 : memref<10240x16xf32, #tpu.memory_space<vmem_shared>>) dst(%dma_wait3A_60 : memref<2560x16xf32, #tpu.memory_space<vmem>>)
    %dma_start3A_67 = arith.constant 1 : i32
    %dma_start3A_68 = arith.constant 1 : i32
    %dma_start3A_69 = arith.constant 0 : i32
    %dma_start3A_70 = arith.constant 0 : i32
    %dma_start3A_71 = tpu.memref_slice %arg9[%dma_start3A_67, %dma_start3A_69, %dma_start3A_70] : memref<2x2560x16xf32, #tpu.memory_space<vmem>> -> memref<1x2560x16xf32, #tpu.memory_space<vmem>>
    %dma_start3A_72 = tpu.memref_squeeze %dma_start3A_71 : memref<1x2560x16xf32, #tpu.memory_space<vmem>> -> memref<2560x16xf32, #tpu.memory_space<vmem>>
    %dma_start3A_73 = arith.constant 0 : i32
    %dma_start3A_74 = tpu.memref_slice %arg8[%dma_start3A_68, %dma_start3A_73] : memref<4x2560xi32, #tpu.memory_space<vmem>> -> memref<1x2560xi32, #tpu.memory_space<vmem>>
    %dma_start3A_75 = tpu.memref_squeeze %dma_start3A_74 : memref<1x2560xi32, #tpu.memory_space<vmem>> -> memref<2560xi32, #tpu.memory_space<vmem>>
    %dma_start3A_76 = arith.constant 0 : i32
    %dma_start3A_77 = arith.constant 0 : i32
    %dma_start3A_78 = tpu.memref_slice %arg10[%dma_start3A_76, %dma_start3A_77] : memref<10240x16xf32, #tpu.memory_space<vmem_shared>> -> memref<10240x16xf32, #tpu.memory_space<vmem_shared>>
    tpu.enqueue_indirect_dma source(%dma_start3A_72 : memref<2560x16xf32, #tpu.memory_space<vmem>>) target(%dma_start3A_78 : memref<10240x16xf32, #tpu.memory_space<vmem_shared>>) offsets(%dma_start3A_75 : memref<2560xi32, #tpu.memory_space<vmem>>) semaphore(%arg13 : memref<!tpu.dma_semaphore, #tpu.memory_space<semaphore_mem>>) {add = true}
    %dma_wait3A_79 = arith.constant 0 : i32
    %dma_wait3A_80 = arith.constant 0 : i32
    %dma_wait3A_81 = arith.constant 0 : i32
    %dma_wait3A_82 = arith.constant 0 : i32
    %dma_wait3A_83 = tpu.memref_slice %arg9[%dma_wait3A_79, %dma_wait3A_81, %dma_wait3A_82] : memref<2x2560x16xf32, #tpu.memory_space<vmem>> -> memref<1x2560x16xf32, #tpu.memory_space<vmem>>
    %dma_wait3A_84 = tpu.memref_squeeze %dma_wait3A_83 : memref<1x2560x16xf32, #tpu.memory_space<vmem>> -> memref<2560x16xf32, #tpu.memory_space<vmem>>
    %dma_wait3A_85 = arith.constant 0 : i32
    %dma_wait3A_86 = tpu.memref_slice %arg8[%dma_wait3A_80, %dma_wait3A_85] : memref<4x2560xi32, #tpu.memory_space<vmem>> -> memref<1x2560xi32, #tpu.memory_space<vmem>>
    %dma_wait3A_87 = tpu.memref_squeeze %dma_wait3A_86 : memref<1x2560xi32, #tpu.memory_space<vmem>> -> memref<2560xi32, #tpu.memory_space<vmem>>
    %dma_wait3A_88 = arith.constant 0 : i32
    %dma_wait3A_89 = arith.constant 0 : i32
    %dma_wait3A_90 = tpu.memref_slice %arg10[%dma_wait3A_88, %dma_wait3A_89] : memref<10240x16xf32, #tpu.memory_space<vmem_shared>> -> memref<10240x16xf32, #tpu.memory_space<vmem_shared>>
    tpu.wait_indirect_dma semaphore(%arg13 : memref<!tpu.dma_semaphore, #tpu.memory_space<semaphore_mem>>) src(%dma_wait3A_84 : memref<2560x16xf32, #tpu.memory_space<vmem>>) dst(%dma_wait3A_90 : memref<10240x16xf32, #tpu.memory_space<vmem_shared>>)
    %dma_start3A_91 = arith.constant 2 : i32
    %dma_start3A_92 = arith.constant 0 : i32
    %dma_start3A_93 = arith.constant 0 : i32
    %dma_start3A_94 = arith.constant 0 : i32
    %dma_start3A_95 = tpu.memref_slice %arg9[%dma_start3A_92, %dma_start3A_93, %dma_start3A_94] : memref<2x2560x16xf32, #tpu.memory_space<vmem>> -> memref<1x2560x16xf32, #tpu.memory_space<vmem>>
    %dma_start3A_96 = tpu.memref_squeeze %dma_start3A_95 : memref<1x2560x16xf32, #tpu.memory_space<vmem>> -> memref<2560x16xf32, #tpu.memory_space<vmem>>
    %dma_start3A_97 = arith.constant 0 : i32
    %dma_start3A_98 = tpu.memref_slice %arg7[%dma_start3A_91, %dma_start3A_97] : memref<4x2560xi32, #tpu.memory_space<vmem>> -> memref<1x2560xi32, #tpu.memory_space<vmem>>
    %dma_start3A_99 = tpu.memref_squeeze %dma_start3A_98 : memref<1x2560xi32, #tpu.memory_space<vmem>> -> memref<2560xi32, #tpu.memory_space<vmem>>
    %dma_start3A_100 = arith.constant 0 : i32
    %dma_start3A_101 = arith.constant 0 : i32
    %dma_start3A_102 = tpu.memref_slice %arg11[%dma_start3A_100, %dma_start3A_101] : memref<10240x16xf32, #tpu.memory_space<vmem_shared>> -> memref<10240x16xf32, #tpu.memory_space<vmem_shared>>
    tpu.enqueue_indirect_dma source(%dma_start3A_102 : memref<10240x16xf32, #tpu.memory_space<vmem_shared>>) target(%dma_start3A_96 : memref<2560x16xf32, #tpu.memory_space<vmem>>) offsets(%dma_start3A_99 : memref<2560xi32, #tpu.memory_space<vmem>>) semaphore(%arg12 : memref<!tpu.dma_semaphore, #tpu.memory_space<semaphore_mem>>)
    %dma_wait3A_103 = arith.constant 1 : i32
    %dma_wait3A_104 = arith.constant 1 : i32
    %dma_wait3A_105 = arith.constant 0 : i32
    %dma_wait3A_106 = arith.constant 0 : i32
    %dma_wait3A_107 = tpu.memref_slice %arg9[%dma_wait3A_103, %dma_wait3A_105, %dma_wait3A_106] : memref<2x2560x16xf32, #tpu.memory_space<vmem>> -> memref<1x2560x16xf32, #tpu.memory_space<vmem>>
    %dma_wait3A_108 = tpu.memref_squeeze %dma_wait3A_107 : memref<1x2560x16xf32, #tpu.memory_space<vmem>> -> memref<2560x16xf32, #tpu.memory_space<vmem>>
    %dma_wait3A_109 = arith.constant 0 : i32
    %dma_wait3A_110 = tpu.memref_slice %arg8[%dma_wait3A_104, %dma_wait3A_109] : memref<4x2560xi32, #tpu.memory_space<vmem>> -> memref<1x2560xi32, #tpu.memory_space<vmem>>
    %dma_wait3A_111 = tpu.memref_squeeze %dma_wait3A_110 : memref<1x2560xi32, #tpu.memory_space<vmem>> -> memref<2560xi32, #tpu.memory_space<vmem>>
    %dma_wait3A_112 = arith.constant 0 : i32
    %dma_wait3A_113 = arith.constant 0 : i32
    %dma_wait3A_114 = tpu.memref_slice %arg10[%dma_wait3A_112, %dma_wait3A_113] : memref<10240x16xf32, #tpu.memory_space<vmem_shared>> -> memref<10240x16xf32, #tpu.memory_space<vmem_shared>>
    tpu.wait_indirect_dma semaphore(%arg13 : memref<!tpu.dma_semaphore, #tpu.memory_space<semaphore_mem>>) src(%dma_wait3A_108 : memref<2560x16xf32, #tpu.memory_space<vmem>>) dst(%dma_wait3A_114 : memref<10240x16xf32, #tpu.memory_space<vmem_shared>>)
    %dma_start3A_115 = arith.constant 3 : i32
    %dma_start3A_116 = arith.constant 1 : i32
    %dma_start3A_117 = arith.constant 0 : i32
    %dma_start3A_118 = arith.constant 0 : i32
    %dma_start3A_119 = tpu.memref_slice %arg9[%dma_start3A_116, %dma_start3A_117, %dma_start3A_118] : memref<2x2560x16xf32, #tpu.memory_space<vmem>> -> memref<1x2560x16xf32, #tpu.memory_space<vmem>>
    %dma_start3A_120 = tpu.memref_squeeze %dma_start3A_119 : memref<1x2560x16xf32, #tpu.memory_space<vmem>> -> memref<2560x16xf32, #tpu.memory_space<vmem>>
    %dma_start3A_121 = arith.constant 0 : i32
    %dma_start3A_122 = tpu.memref_slice %arg7[%dma_start3A_115, %dma_start3A_121] : memref<4x2560xi32, #tpu.memory_space<vmem>> -> memref<1x2560xi32, #tpu.memory_space<vmem>>
    %dma_start3A_123 = tpu.memref_squeeze %dma_start3A_122 : memref<1x2560xi32, #tpu.memory_space<vmem>> -> memref<2560xi32, #tpu.memory_space<vmem>>
    %dma_start3A_124 = arith.constant 0 : i32
    %dma_start3A_125 = arith.constant 0 : i32
    %dma_start3A_126 = tpu.memref_slice %arg11[%dma_start3A_124, %dma_start3A_125] : memref<10240x16xf32, #tpu.memory_space<vmem_shared>> -> memref<10240x16xf32, #tpu.memory_space<vmem_shared>>
    tpu.enqueue_indirect_dma source(%dma_start3A_126 : memref<10240x16xf32, #tpu.memory_space<vmem_shared>>) target(%dma_start3A_120 : memref<2560x16xf32, #tpu.memory_space<vmem>>) offsets(%dma_start3A_123 : memref<2560xi32, #tpu.memory_space<vmem>>) semaphore(%arg12 : memref<!tpu.dma_semaphore, #tpu.memory_space<semaphore_mem>>)
    %dma_wait3A_127 = arith.constant 2 : i32
    %dma_wait3A_128 = arith.constant 0 : i32
    %dma_wait3A_129 = arith.constant 0 : i32
    %dma_wait3A_130 = arith.constant 0 : i32
    %dma_wait3A_131 = tpu.memref_slice %arg9[%dma_wait3A_128, %dma_wait3A_129, %dma_wait3A_130] : memref<2x2560x16xf32, #tpu.memory_space<vmem>> -> memref<1x2560x16xf32, #tpu.memory_space<vmem>>
    %dma_wait3A_132 = tpu.memref_squeeze %dma_wait3A_131 : memref<1x2560x16xf32, #tpu.memory_space<vmem>> -> memref<2560x16xf32, #tpu.memory_space<vmem>>
    %dma_wait3A_133 = arith.constant 0 : i32
    %dma_wait3A_134 = tpu.memref_slice %arg7[%dma_wait3A_127, %dma_wait3A_133] : memref<4x2560xi32, #tpu.memory_space<vmem>> -> memref<1x2560xi32, #tpu.memory_space<vmem>>
    %dma_wait3A_135 = tpu.memref_squeeze %dma_wait3A_134 : memref<1x2560xi32, #tpu.memory_space<vmem>> -> memref<2560xi32, #tpu.memory_space<vmem>>
    %dma_wait3A_136 = arith.constant 0 : i32
    %dma_wait3A_137 = arith.constant 0 : i32
    %dma_wait3A_138 = tpu.memref_slice %arg11[%dma_wait3A_136, %dma_wait3A_137] : memref<10240x16xf32, #tpu.memory_space<vmem_shared>> -> memref<10240x16xf32, #tpu.memory_space<vmem_shared>>
    tpu.wait_indirect_dma semaphore(%arg12 : memref<!tpu.dma_semaphore, #tpu.memory_space<semaphore_mem>>) src(%dma_wait3A_138 : memref<10240x16xf32, #tpu.memory_space<vmem_shared>>) dst(%dma_wait3A_132 : memref<2560x16xf32, #tpu.memory_space<vmem>>)
    %dma_start3A_139 = arith.constant 0 : i32
    %dma_start3A_140 = arith.constant 2 : i32
    %dma_start3A_141 = arith.constant 0 : i32
    %dma_start3A_142 = arith.constant 0 : i32
    %dma_start3A_143 = tpu.memref_slice %arg9[%dma_start3A_139, %dma_start3A_141, %dma_start3A_142] : memref<2x2560x16xf32, #tpu.memory_space<vmem>> -> memref<1x2560x16xf32, #tpu.memory_space<vmem>>
    %dma_start3A_144 = tpu.memref_squeeze %dma_start3A_143 : memref<1x2560x16xf32, #tpu.memory_space<vmem>> -> memref<2560x16xf32, #tpu.memory_space<vmem>>
    %dma_start3A_145 = arith.constant 0 : i32
    %dma_start3A_146 = tpu.memref_slice %arg8[%dma_start3A_140, %dma_start3A_145] : memref<4x2560xi32, #tpu.memory_space<vmem>> -> memref<1x2560xi32, #tpu.memory_space<vmem>>
    %dma_start3A_147 = tpu.memref_squeeze %dma_start3A_146 : memref<1x2560xi32, #tpu.memory_space<vmem>> -> memref<2560xi32, #tpu.memory_space<vmem>>
    %dma_start3A_148 = arith.constant 0 : i32
    %dma_start3A_149 = arith.constant 0 : i32
    %dma_start3A_150 = tpu.memref_slice %arg10[%dma_start3A_148, %dma_start3A_149] : memref<10240x16xf32, #tpu.memory_space<vmem_shared>> -> memref<10240x16xf32, #tpu.memory_space<vmem_shared>>
    tpu.enqueue_indirect_dma source(%dma_start3A_144 : memref<2560x16xf32, #tpu.memory_space<vmem>>) target(%dma_start3A_150 : memref<10240x16xf32, #tpu.memory_space<vmem_shared>>) offsets(%dma_start3A_147 : memref<2560xi32, #tpu.memory_space<vmem>>) semaphore(%arg13 : memref<!tpu.dma_semaphore, #tpu.memory_space<semaphore_mem>>) {add = true}
    %dma_wait3A_151 = arith.constant 3 : i32
    %dma_wait3A_152 = arith.constant 1 : i32
    %dma_wait3A_153 = arith.constant 0 : i32
    %dma_wait3A_154 = arith.constant 0 : i32
    %dma_wait3A_155 = tpu.memref_slice %arg9[%dma_wait3A_152, %dma_wait3A_153, %dma_wait3A_154] : memref<2x2560x16xf32, #tpu.memory_space<vmem>> -> memref<1x2560x16xf32, #tpu.memory_space<vmem>>
    %dma_wait3A_156 = tpu.memref_squeeze %dma_wait3A_155 : memref<1x2560x16xf32, #tpu.memory_space<vmem>> -> memref<2560x16xf32, #tpu.memory_space<vmem>>
    %dma_wait3A_157 = arith.constant 0 : i32
    %dma_wait3A_158 = tpu.memref_slice %arg7[%dma_wait3A_151, %dma_wait3A_157] : memref<4x2560xi32, #tpu.memory_space<vmem>> -> memref<1x2560xi32, #tpu.memory_space<vmem>>
    %dma_wait3A_159 = tpu.memref_squeeze %dma_wait3A_158 : memref<1x2560xi32, #tpu.memory_space<vmem>> -> memref<2560xi32, #tpu.memory_space<vmem>>
    %dma_wait3A_160 = arith.constant 0 : i32
    %dma_wait3A_161 = arith.constant 0 : i32
    %dma_wait3A_162 = tpu.memref_slice %arg11[%dma_wait3A_160, %dma_wait3A_161] : memref<10240x16xf32, #tpu.memory_space<vmem_shared>> -> memref<10240x16xf32, #tpu.memory_space<vmem_shared>>
    tpu.wait_indirect_dma semaphore(%arg12 : memref<!tpu.dma_semaphore, #tpu.memory_space<semaphore_mem>>) src(%dma_wait3A_162 : memref<10240x16xf32, #tpu.memory_space<vmem_shared>>) dst(%dma_wait3A_156 : memref<2560x16xf32, #tpu.memory_space<vmem>>)
    %dma_start3A_163 = arith.constant 1 : i32
    %dma_start3A_164 = arith.constant 3 : i32
    %dma_start3A_165 = arith.constant 0 : i32
    %dma_start3A_166 = arith.constant 0 : i32
    %dma_start3A_167 = tpu.memref_slice %arg9[%dma_start3A_163, %dma_start3A_165, %dma_start3A_166] : memref<2x2560x16xf32, #tpu.memory_space<vmem>> -> memref<1x2560x16xf32, #tpu.memory_space<vmem>>
    %dma_start3A_168 = tpu.memref_squeeze %dma_start3A_167 : memref<1x2560x16xf32, #tpu.memory_space<vmem>> -> memref<2560x16xf32, #tpu.memory_space<vmem>>
    %dma_start3A_169 = arith.constant 0 : i32
    %dma_start3A_170 = tpu.memref_slice %arg8[%dma_start3A_164, %dma_start3A_169] : memref<4x2560xi32, #tpu.memory_space<vmem>> -> memref<1x2560xi32, #tpu.memory_space<vmem>>
    %dma_start3A_171 = tpu.memref_squeeze %dma_start3A_170 : memref<1x2560xi32, #tpu.memory_space<vmem>> -> memref<2560xi32, #tpu.memory_space<vmem>>
    %dma_start3A_172 = arith.constant 0 : i32
    %dma_start3A_173 = arith.constant 0 : i32
    %dma_start3A_174 = tpu.memref_slice %arg10[%dma_start3A_172, %dma_start3A_173] : memref<10240x16xf32, #tpu.memory_space<vmem_shared>> -> memref<10240x16xf32, #tpu.memory_space<vmem_shared>>
    tpu.enqueue_indirect_dma source(%dma_start3A_168 : memref<2560x16xf32, #tpu.memory_space<vmem>>) target(%dma_start3A_174 : memref<10240x16xf32, #tpu.memory_space<vmem_shared>>) offsets(%dma_start3A_171 : memref<2560xi32, #tpu.memory_space<vmem>>) semaphore(%arg13 : memref<!tpu.dma_semaphore, #tpu.memory_space<semaphore_mem>>) {add = true}
    %dma_wait3A_175 = arith.constant 0 : i32
    %dma_wait3A_176 = arith.constant 2 : i32
    %dma_wait3A_177 = arith.constant 0 : i32
    %dma_wait3A_178 = arith.constant 0 : i32
    %dma_wait3A_179 = tpu.memref_slice %arg9[%dma_wait3A_175, %dma_wait3A_177, %dma_wait3A_178] : memref<2x2560x16xf32, #tpu.memory_space<vmem>> -> memref<1x2560x16xf32, #tpu.memory_space<vmem>>
    %dma_wait3A_180 = tpu.memref_squeeze %dma_wait3A_179 : memref<1x2560x16xf32, #tpu.memory_space<vmem>> -> memref<2560x16xf32, #tpu.memory_space<vmem>>
    %dma_wait3A_181 = arith.constant 0 : i32
    %dma_wait3A_182 = tpu.memref_slice %arg8[%dma_wait3A_176, %dma_wait3A_181] : memref<4x2560xi32, #tpu.memory_space<vmem>> -> memref<1x2560xi32, #tpu.memory_space<vmem>>
    %dma_wait3A_183 = tpu.memref_squeeze %dma_wait3A_182 : memref<1x2560xi32, #tpu.memory_space<vmem>> -> memref<2560xi32, #tpu.memory_space<vmem>>
    %dma_wait3A_184 = arith.constant 0 : i32
    %dma_wait3A_185 = arith.constant 0 : i32
    %dma_wait3A_186 = tpu.memref_slice %arg10[%dma_wait3A_184, %dma_wait3A_185] : memref<10240x16xf32, #tpu.memory_space<vmem_shared>> -> memref<10240x16xf32, #tpu.memory_space<vmem_shared>>
    tpu.wait_indirect_dma semaphore(%arg13 : memref<!tpu.dma_semaphore, #tpu.memory_space<semaphore_mem>>) src(%dma_wait3A_180 : memref<2560x16xf32, #tpu.memory_space<vmem>>) dst(%dma_wait3A_186 : memref<10240x16xf32, #tpu.memory_space<vmem_shared>>)
    %dma_wait3A_187 = arith.constant 1 : i32
    %dma_wait3A_188 = arith.constant 3 : i32
    %dma_wait3A_189 = arith.constant 0 : i32
    %dma_wait3A_190 = arith.constant 0 : i32
    %dma_wait3A_191 = tpu.memref_slice %arg9[%dma_wait3A_187, %dma_wait3A_189, %dma_wait3A_190] : memref<2x2560x16xf32, #tpu.memory_space<vmem>> -> memref<1x2560x16xf32, #tpu.memory_space<vmem>>
    %dma_wait3A_192 = tpu.memref_squeeze %dma_wait3A_191 : memref<1x2560x16xf32, #tpu.memory_space<vmem>> -> memref<2560x16xf32, #tpu.memory_space<vmem>>
    %dma_wait3A_193 = arith.constant 0 : i32
    %dma_wait3A_194 = tpu.memref_slice %arg8[%dma_wait3A_188, %dma_wait3A_193] : memref<4x2560xi32, #tpu.memory_space<vmem>> -> memref<1x2560xi32, #tpu.memory_space<vmem>>
    %dma_wait3A_195 = tpu.memref_squeeze %dma_wait3A_194 : memref<1x2560xi32, #tpu.memory_space<vmem>> -> memref<2560xi32, #tpu.memory_space<vmem>>
    %dma_wait3A_196 = arith.constant 0 : i32
    %dma_wait3A_197 = arith.constant 0 : i32
    %dma_wait3A_198 = tpu.memref_slice %arg10[%dma_wait3A_196, %dma_wait3A_197] : memref<10240x16xf32, #tpu.memory_space<vmem_shared>> -> memref<10240x16xf32, #tpu.memory_space<vmem_shared>>
    tpu.wait_indirect_dma semaphore(%arg13 : memref<!tpu.dma_semaphore, #tpu.memory_space<semaphore_mem>>) src(%dma_wait3A_192 : memref<2560x16xf32, #tpu.memory_space<vmem>>) dst(%dma_wait3A_198 : memref<10240x16xf32, #tpu.memory_space<vmem_shared>>)
    %barrier3A_199 = arith.constant 0 : index
    tpu.barrier barrier_id(%barrier3A_199)
    %mul3A_200 = arith.constant 640 : i32
    %mul3A_201 = arith.muli %arg1, %mul3A_200 : i32
    %mul3A_202 = arith.constant 640 : i32
    %mul3A_203 = arith.muli %arg1, %mul3A_202 : i32
    "tpu.region"() ({
      %run_scoped3A = tpu.sem_alloc : memref<!tpu.dma_semaphore, #tpu.memory_space<semaphore_mem>>
      %dma_start3A_204 = arith.constant 0 : i32
      %dma_start3A_205 = tpu.memref_slice %arg6[%arg0, %mul3A_203, %dma_start3A_204] : memref<2x10240x16xf32, #tpu.memory_space<hbm>> -> memref<1x640x16xf32, #tpu.memory_space<hbm>>
      %dma_start3A_206 = tpu.memref_squeeze %dma_start3A_205 : memref<1x640x16xf32, #tpu.memory_space<hbm>> -> memref<640x16xf32, #tpu.memory_space<hbm>>
      %dma_start3A_207 = arith.constant 0 : i32
      %dma_start3A_208 = tpu.memref_slice %arg10[%mul3A_201, %dma_start3A_207] : memref<10240x16xf32, #tpu.memory_space<vmem_shared>> -> memref<640x16xf32, #tpu.memory_space<vmem_shared>>
      tpu.enqueue_dma source(%dma_start3A_208 : memref<640x16xf32, #tpu.memory_space<vmem_shared>>) target(%dma_start3A_206 : memref<640x16xf32, #tpu.memory_space<hbm>>) target_semaphore(%run_scoped3A : memref<!tpu.dma_semaphore, #tpu.memory_space<semaphore_mem>>)
      %dma_wait3A_209 = arith.constant 0 : i32
      %dma_wait3A_210 = tpu.memref_slice %arg6[%arg0, %mul3A_203, %dma_wait3A_209] : memref<2x10240x16xf32, #tpu.memory_space<hbm>> -> memref<1x640x16xf32, #tpu.memory_space<hbm>>
      %dma_wait3A_211 = tpu.memref_squeeze %dma_wait3A_210 : memref<1x640x16xf32, #tpu.memory_space<hbm>> -> memref<640x16xf32, #tpu.memory_space<hbm>>
      %dma_wait3A_212 = arith.constant 0 : i32
      %dma_wait3A_213 = tpu.memref_slice %arg10[%mul3A_201, %dma_wait3A_212] : memref<10240x16xf32, #tpu.memory_space<vmem_shared>> -> memref<640x16xf32, #tpu.memory_space<vmem_shared>>
      tpu.wait_dma2 semaphore(%run_scoped3A : memref<!tpu.dma_semaphore, #tpu.memory_space<semaphore_mem>>) src(%dma_wait3A_213 : memref<640x16xf32, #tpu.memory_space<vmem_shared>>) dst(%dma_wait3A_211 : memref<640x16xf32, #tpu.memory_space<hbm>>)
      tpu.yield
    }) : () -> ()
    return
  }
}

#map = affine_map<(d0, d1) -> (0, 0, 0)>
#map1 = affine_map<(d0, d1) -> (0, 0)>
module attributes {stable_mosaic.version = 14 : i64} {
  func.func @_agg_kernel(%arg0: i32, %arg1: i32, %arg2: memref<32x4x2560xi32, #tpu.memory_space<hbm>>, %arg3: memref<32x4x2560xi32, #tpu.memory_space<hbm>>, %arg4: memref<10240x16xf32, #tpu.memory_space<hbm>>, %arg5: memref<10240x16xf32, #tpu.memory_space<hbm>>, %arg6: memref<2x10240x16xf32, #tpu.memory_space<hbm>>, %arg7: memref<4x2560xi32, #tpu.memory_space<vmem>>, %arg8: memref<4x2560xi32, #tpu.memory_space<vmem>>, %arg9: memref<2x2560x16xf32, #tpu.memory_space<vmem>>, %arg10: memref<10240x16xf32, #tpu.memory_space<vmem_shared>>, %arg11: memref<10240x16xf32, #tpu.memory_space<vmem_shared>>, %arg12: memref<!tpu.dma_semaphore, #tpu.memory_space<semaphore_mem>>, %arg13: memref<!tpu.dma_semaphore, #tpu.memory_space<semaphore_mem>>) attributes {dimension_semantics = [#tpu.dimension_semantics<core_parallel>, #tpu.dimension_semantics<subcore_parallel>], iteration_bounds = array<i64: 2, 16>, scalar_prefetch = 0 : i64, scratch_operands = 7 : i64, tpu.core_type = #tpu.core_type<sc_vector_subcore>, window_params = [{transform_indices = #map}, {transform_indices = #map}, {transform_indices = #map1}, {transform_indices = #map1}, {transform_indices = #map}]} {
    %mul3A = arith.constant 16 : i32
    %mul3A_0 = arith.muli %arg0, %mul3A : i32
    %add3A = arith.addi %mul3A_0, %arg1 : i32
    %mul3A_1 = arith.constant 640 : i32
    %mul3A_2 = arith.muli %arg1, %mul3A_1 : i32
    %mul3A_3 = arith.constant 640 : i32
    %mul3A_4 = arith.muli %arg1, %mul3A_3 : i32
    "tpu.region"() ({
      %run_scoped3A = tpu.sem_alloc : memref<!tpu.dma_semaphore, #tpu.memory_space<semaphore_mem>>
      %dma_start3A_204 = arith.constant 0 : i32
      %dma_start3A_205 = tpu.memref_slice %arg10[%mul3A_4, %dma_start3A_204] : memref<10240x16xf32, #tpu.memory_space<vmem_shared>> -> memref<640x16xf32, #tpu.memory_space<vmem_shared>>
      %dma_start3A_206 = arith.constant 0 : i32
      %dma_start3A_207 = tpu.memref_slice %arg5[%mul3A_2, %dma_start3A_206] : memref<10240x16xf32, #tpu.memory_space<hbm>> -> memref<640x16xf32, #tpu.memory_space<hbm>>
      tpu.enqueue_dma source(%dma_start3A_207 : memref<640x16xf32, #tpu.memory_space<hbm>>) target(%dma_start3A_205 : memref<640x16xf32, #tpu.memory_space<vmem_shared>>) target_semaphore(%run_scoped3A : memref<!tpu.dma_semaphore, #tpu.memory_space<semaphore_mem>>)
      %dma_wait3A_208 = arith.constant 0 : i32
      %dma_wait3A_209 = tpu.memref_slice %arg10[%mul3A_4, %dma_wait3A_208] : memref<10240x16xf32, #tpu.memory_space<vmem_shared>> -> memref<640x16xf32, #tpu.memory_space<vmem_shared>>
      %dma_wait3A_210 = arith.constant 0 : i32
      %dma_wait3A_211 = tpu.memref_slice %arg5[%mul3A_2, %dma_wait3A_210] : memref<10240x16xf32, #tpu.memory_space<hbm>> -> memref<640x16xf32, #tpu.memory_space<hbm>>
      tpu.wait_dma2 semaphore(%run_scoped3A : memref<!tpu.dma_semaphore, #tpu.memory_space<semaphore_mem>>) src(%dma_wait3A_211 : memref<640x16xf32, #tpu.memory_space<hbm>>) dst(%dma_wait3A_209 : memref<640x16xf32, #tpu.memory_space<vmem_shared>>)
      tpu.yield
    }) : () -> ()
    %mul3A_5 = arith.constant 640 : i32
    %mul3A_6 = arith.muli %arg1, %mul3A_5 : i32
    %mul3A_7 = arith.constant 640 : i32
    %mul3A_8 = arith.muli %arg1, %mul3A_7 : i32
    "tpu.region"() ({
      %run_scoped3A = tpu.sem_alloc : memref<!tpu.dma_semaphore, #tpu.memory_space<semaphore_mem>>
      %dma_start3A_204 = arith.constant 0 : i32
      %dma_start3A_205 = tpu.memref_slice %arg11[%mul3A_8, %dma_start3A_204] : memref<10240x16xf32, #tpu.memory_space<vmem_shared>> -> memref<640x16xf32, #tpu.memory_space<vmem_shared>>
      %dma_start3A_206 = arith.constant 0 : i32
      %dma_start3A_207 = tpu.memref_slice %arg4[%mul3A_6, %dma_start3A_206] : memref<10240x16xf32, #tpu.memory_space<hbm>> -> memref<640x16xf32, #tpu.memory_space<hbm>>
      tpu.enqueue_dma source(%dma_start3A_207 : memref<640x16xf32, #tpu.memory_space<hbm>>) target(%dma_start3A_205 : memref<640x16xf32, #tpu.memory_space<vmem_shared>>) target_semaphore(%run_scoped3A : memref<!tpu.dma_semaphore, #tpu.memory_space<semaphore_mem>>)
      %dma_wait3A_208 = arith.constant 0 : i32
      %dma_wait3A_209 = tpu.memref_slice %arg11[%mul3A_8, %dma_wait3A_208] : memref<10240x16xf32, #tpu.memory_space<vmem_shared>> -> memref<640x16xf32, #tpu.memory_space<vmem_shared>>
      %dma_wait3A_210 = arith.constant 0 : i32
      %dma_wait3A_211 = tpu.memref_slice %arg4[%mul3A_6, %dma_wait3A_210] : memref<10240x16xf32, #tpu.memory_space<hbm>> -> memref<640x16xf32, #tpu.memory_space<hbm>>
      tpu.wait_dma2 semaphore(%run_scoped3A : memref<!tpu.dma_semaphore, #tpu.memory_space<semaphore_mem>>) src(%dma_wait3A_211 : memref<640x16xf32, #tpu.memory_space<hbm>>) dst(%dma_wait3A_209 : memref<640x16xf32, #tpu.memory_space<vmem_shared>>)
      tpu.yield
    }) : () -> ()
    "tpu.region"() ({
      %run_scoped3A = tpu.sem_alloc : memref<!tpu.dma_semaphore, #tpu.memory_space<semaphore_mem>>
      %dma_start3A_204 = arith.constant 0 : i32
      %dma_start3A_205 = arith.constant 0 : i32
      %dma_start3A_206 = tpu.memref_slice %arg2[%add3A, %dma_start3A_204, %dma_start3A_205] : memref<32x4x2560xi32, #tpu.memory_space<hbm>> -> memref<1x4x2560xi32, #tpu.memory_space<hbm>>
      %dma_start3A_207 = tpu.memref_squeeze %dma_start3A_206 : memref<1x4x2560xi32, #tpu.memory_space<hbm>> -> memref<4x2560xi32, #tpu.memory_space<hbm>>
      %dma_start3A_208 = arith.constant 0 : i32
      %dma_start3A_209 = arith.constant 0 : i32
      %dma_start3A_210 = tpu.memref_slice %arg2[%add3A, %dma_start3A_208, %dma_start3A_209] : memref<32x4x2560xi32, #tpu.memory_space<hbm>> -> memref<1x4x2560xi32, #tpu.memory_space<hbm>>
      %dma_start3A_211 = tpu.memref_squeeze %dma_start3A_210 : memref<1x4x2560xi32, #tpu.memory_space<hbm>> -> memref<4x2560xi32, #tpu.memory_space<hbm>>
      tpu.enqueue_dma source(%dma_start3A_211 : memref<4x2560xi32, #tpu.memory_space<hbm>>) target(%arg7 : memref<4x2560xi32, #tpu.memory_space<vmem>>) target_semaphore(%run_scoped3A : memref<!tpu.dma_semaphore, #tpu.memory_space<semaphore_mem>>)
      %dma_wait3A_212 = arith.constant 0 : i32
      %dma_wait3A_213 = arith.constant 0 : i32
      %dma_wait3A_214 = tpu.memref_slice %arg2[%add3A, %dma_wait3A_212, %dma_wait3A_213] : memref<32x4x2560xi32, #tpu.memory_space<hbm>> -> memref<1x4x2560xi32, #tpu.memory_space<hbm>>
      %dma_wait3A_215 = tpu.memref_squeeze %dma_wait3A_214 : memref<1x4x2560xi32, #tpu.memory_space<hbm>> -> memref<4x2560xi32, #tpu.memory_space<hbm>>
      %dma_wait3A_216 = arith.constant 0 : i32
      %dma_wait3A_217 = arith.constant 0 : i32
      %dma_wait3A_218 = tpu.memref_slice %arg2[%add3A, %dma_wait3A_216, %dma_wait3A_217] : memref<32x4x2560xi32, #tpu.memory_space<hbm>> -> memref<1x4x2560xi32, #tpu.memory_space<hbm>>
      %dma_wait3A_219 = tpu.memref_squeeze %dma_wait3A_218 : memref<1x4x2560xi32, #tpu.memory_space<hbm>> -> memref<4x2560xi32, #tpu.memory_space<hbm>>
      tpu.wait_dma2 semaphore(%run_scoped3A : memref<!tpu.dma_semaphore, #tpu.memory_space<semaphore_mem>>) src(%dma_wait3A_219 : memref<4x2560xi32, #tpu.memory_space<hbm>>) dst(%arg7 : memref<4x2560xi32, #tpu.memory_space<vmem>>)
      tpu.yield
    }) : () -> ()
    "tpu.region"() ({
      %run_scoped3A = tpu.sem_alloc : memref<!tpu.dma_semaphore, #tpu.memory_space<semaphore_mem>>
      %dma_start3A_204 = arith.constant 0 : i32
      %dma_start3A_205 = arith.constant 0 : i32
      %dma_start3A_206 = tpu.memref_slice %arg3[%add3A, %dma_start3A_204, %dma_start3A_205] : memref<32x4x2560xi32, #tpu.memory_space<hbm>> -> memref<1x4x2560xi32, #tpu.memory_space<hbm>>
      %dma_start3A_207 = tpu.memref_squeeze %dma_start3A_206 : memref<1x4x2560xi32, #tpu.memory_space<hbm>> -> memref<4x2560xi32, #tpu.memory_space<hbm>>
      %dma_start3A_208 = arith.constant 0 : i32
      %dma_start3A_209 = arith.constant 0 : i32
      %dma_start3A_210 = tpu.memref_slice %arg3[%add3A, %dma_start3A_208, %dma_start3A_209] : memref<32x4x2560xi32, #tpu.memory_space<hbm>> -> memref<1x4x2560xi32, #tpu.memory_space<hbm>>
      %dma_start3A_211 = tpu.memref_squeeze %dma_start3A_210 : memref<1x4x2560xi32, #tpu.memory_space<hbm>> -> memref<4x2560xi32, #tpu.memory_space<hbm>>
      tpu.enqueue_dma source(%dma_start3A_211 : memref<4x2560xi32, #tpu.memory_space<hbm>>) target(%arg8 : memref<4x2560xi32, #tpu.memory_space<vmem>>) target_semaphore(%run_scoped3A : memref<!tpu.dma_semaphore, #tpu.memory_space<semaphore_mem>>)
      %dma_wait3A_212 = arith.constant 0 : i32
      %dma_wait3A_213 = arith.constant 0 : i32
      %dma_wait3A_214 = tpu.memref_slice %arg3[%add3A, %dma_wait3A_212, %dma_wait3A_213] : memref<32x4x2560xi32, #tpu.memory_space<hbm>> -> memref<1x4x2560xi32, #tpu.memory_space<hbm>>
      %dma_wait3A_215 = tpu.memref_squeeze %dma_wait3A_214 : memref<1x4x2560xi32, #tpu.memory_space<hbm>> -> memref<4x2560xi32, #tpu.memory_space<hbm>>
      %dma_wait3A_216 = arith.constant 0 : i32
      %dma_wait3A_217 = arith.constant 0 : i32
      %dma_wait3A_218 = tpu.memref_slice %arg3[%add3A, %dma_wait3A_216, %dma_wait3A_217] : memref<32x4x2560xi32, #tpu.memory_space<hbm>> -> memref<1x4x2560xi32, #tpu.memory_space<hbm>>
      %dma_wait3A_219 = tpu.memref_squeeze %dma_wait3A_218 : memref<1x4x2560xi32, #tpu.memory_space<hbm>> -> memref<4x2560xi32, #tpu.memory_space<hbm>>
      tpu.wait_dma2 semaphore(%run_scoped3A : memref<!tpu.dma_semaphore, #tpu.memory_space<semaphore_mem>>) src(%dma_wait3A_219 : memref<4x2560xi32, #tpu.memory_space<hbm>>) dst(%arg8 : memref<4x2560xi32, #tpu.memory_space<vmem>>)
      tpu.yield
    }) : () -> ()
    %barrier3A = arith.constant 0 : index
    tpu.barrier barrier_id(%barrier3A)
    %dma_start3A = arith.constant 0 : i32
    %dma_start3A_9 = arith.constant 0 : i32
    %dma_start3A_10 = arith.constant 0 : i32
    %dma_start3A_11 = arith.constant 0 : i32
    %dma_start3A_12 = tpu.memref_slice %arg9[%dma_start3A_9, %dma_start3A_10, %dma_start3A_11] : memref<2x2560x16xf32, #tpu.memory_space<vmem>> -> memref<1x2560x16xf32, #tpu.memory_space<vmem>>
    %dma_start3A_13 = tpu.memref_squeeze %dma_start3A_12 : memref<1x2560x16xf32, #tpu.memory_space<vmem>> -> memref<2560x16xf32, #tpu.memory_space<vmem>>
    %dma_start3A_14 = arith.constant 0 : i32
    %dma_start3A_15 = tpu.memref_slice %arg7[%dma_start3A, %dma_start3A_14] : memref<4x2560xi32, #tpu.memory_space<vmem>> -> memref<1x2560xi32, #tpu.memory_space<vmem>>
    %dma_start3A_16 = tpu.memref_squeeze %dma_start3A_15 : memref<1x2560xi32, #tpu.memory_space<vmem>> -> memref<2560xi32, #tpu.memory_space<vmem>>
    %dma_start3A_17 = arith.constant 0 : i32
    %dma_start3A_18 = arith.constant 0 : i32
    %dma_start3A_19 = tpu.memref_slice %arg11[%dma_start3A_17, %dma_start3A_18] : memref<10240x16xf32, #tpu.memory_space<vmem_shared>> -> memref<10240x16xf32, #tpu.memory_space<vmem_shared>>
    tpu.enqueue_indirect_dma source(%dma_start3A_19 : memref<10240x16xf32, #tpu.memory_space<vmem_shared>>) target(%dma_start3A_13 : memref<2560x16xf32, #tpu.memory_space<vmem>>) offsets(%dma_start3A_16 : memref<2560xi32, #tpu.memory_space<vmem>>) semaphore(%arg12 : memref<!tpu.dma_semaphore, #tpu.memory_space<semaphore_mem>>)
    %dma_start3A_20 = arith.constant 1 : i32
    %dma_start3A_21 = arith.constant 1 : i32
    %dma_start3A_22 = arith.constant 0 : i32
    %dma_start3A_23 = arith.constant 0 : i32
    %dma_start3A_24 = tpu.memref_slice %arg9[%dma_start3A_21, %dma_start3A_22, %dma_start3A_23] : memref<2x2560x16xf32, #tpu.memory_space<vmem>> -> memref<1x2560x16xf32, #tpu.memory_space<vmem>>
    %dma_start3A_25 = tpu.memref_squeeze %dma_start3A_24 : memref<1x2560x16xf32, #tpu.memory_space<vmem>> -> memref<2560x16xf32, #tpu.memory_space<vmem>>
    %dma_start3A_26 = arith.constant 0 : i32
    %dma_start3A_27 = tpu.memref_slice %arg7[%dma_start3A_20, %dma_start3A_26] : memref<4x2560xi32, #tpu.memory_space<vmem>> -> memref<1x2560xi32, #tpu.memory_space<vmem>>
    %dma_start3A_28 = tpu.memref_squeeze %dma_start3A_27 : memref<1x2560xi32, #tpu.memory_space<vmem>> -> memref<2560xi32, #tpu.memory_space<vmem>>
    %dma_start3A_29 = arith.constant 0 : i32
    %dma_start3A_30 = arith.constant 0 : i32
    %dma_start3A_31 = tpu.memref_slice %arg11[%dma_start3A_29, %dma_start3A_30] : memref<10240x16xf32, #tpu.memory_space<vmem_shared>> -> memref<10240x16xf32, #tpu.memory_space<vmem_shared>>
    tpu.enqueue_indirect_dma source(%dma_start3A_31 : memref<10240x16xf32, #tpu.memory_space<vmem_shared>>) target(%dma_start3A_25 : memref<2560x16xf32, #tpu.memory_space<vmem>>) offsets(%dma_start3A_28 : memref<2560xi32, #tpu.memory_space<vmem>>) semaphore(%arg12 : memref<!tpu.dma_semaphore, #tpu.memory_space<semaphore_mem>>)
    %dma_wait3A = arith.constant 0 : i32
    %dma_wait3A_32 = arith.constant 0 : i32
    %dma_wait3A_33 = arith.constant 0 : i32
    %dma_wait3A_34 = arith.constant 0 : i32
    %dma_wait3A_35 = tpu.memref_slice %arg9[%dma_wait3A_32, %dma_wait3A_33, %dma_wait3A_34] : memref<2x2560x16xf32, #tpu.memory_space<vmem>> -> memref<1x2560x16xf32, #tpu.memory_space<vmem>>
    %dma_wait3A_36 = tpu.memref_squeeze %dma_wait3A_35 : memref<1x2560x16xf32, #tpu.memory_space<vmem>> -> memref<2560x16xf32, #tpu.memory_space<vmem>>
    %dma_wait3A_37 = arith.constant 0 : i32
    %dma_wait3A_38 = tpu.memref_slice %arg7[%dma_wait3A, %dma_wait3A_37] : memref<4x2560xi32, #tpu.memory_space<vmem>> -> memref<1x2560xi32, #tpu.memory_space<vmem>>
    %dma_wait3A_39 = tpu.memref_squeeze %dma_wait3A_38 : memref<1x2560xi32, #tpu.memory_space<vmem>> -> memref<2560xi32, #tpu.memory_space<vmem>>
    %dma_wait3A_40 = arith.constant 0 : i32
    %dma_wait3A_41 = arith.constant 0 : i32
    %dma_wait3A_42 = tpu.memref_slice %arg11[%dma_wait3A_40, %dma_wait3A_41] : memref<10240x16xf32, #tpu.memory_space<vmem_shared>> -> memref<10240x16xf32, #tpu.memory_space<vmem_shared>>
    tpu.wait_indirect_dma semaphore(%arg12 : memref<!tpu.dma_semaphore, #tpu.memory_space<semaphore_mem>>) src(%dma_wait3A_42 : memref<10240x16xf32, #tpu.memory_space<vmem_shared>>) dst(%dma_wait3A_36 : memref<2560x16xf32, #tpu.memory_space<vmem>>)
    %dma_start3A_43 = arith.constant 0 : i32
    %dma_start3A_44 = arith.constant 0 : i32
    %dma_start3A_45 = arith.constant 0 : i32
    %dma_start3A_46 = arith.constant 0 : i32
    %dma_start3A_47 = tpu.memref_slice %arg9[%dma_start3A_43, %dma_start3A_45, %dma_start3A_46] : memref<2x2560x16xf32, #tpu.memory_space<vmem>> -> memref<1x2560x16xf32, #tpu.memory_space<vmem>>
    %dma_start3A_48 = tpu.memref_squeeze %dma_start3A_47 : memref<1x2560x16xf32, #tpu.memory_space<vmem>> -> memref<2560x16xf32, #tpu.memory_space<vmem>>
    %dma_start3A_49 = arith.constant 0 : i32
    %dma_start3A_50 = tpu.memref_slice %arg8[%dma_start3A_44, %dma_start3A_49] : memref<4x2560xi32, #tpu.memory_space<vmem>> -> memref<1x2560xi32, #tpu.memory_space<vmem>>
    %dma_start3A_51 = tpu.memref_squeeze %dma_start3A_50 : memref<1x2560xi32, #tpu.memory_space<vmem>> -> memref<2560xi32, #tpu.memory_space<vmem>>
    %dma_start3A_52 = arith.constant 0 : i32
    %dma_start3A_53 = arith.constant 0 : i32
    %dma_start3A_54 = tpu.memref_slice %arg10[%dma_start3A_52, %dma_start3A_53] : memref<10240x16xf32, #tpu.memory_space<vmem_shared>> -> memref<10240x16xf32, #tpu.memory_space<vmem_shared>>
    tpu.enqueue_indirect_dma source(%dma_start3A_48 : memref<2560x16xf32, #tpu.memory_space<vmem>>) target(%dma_start3A_54 : memref<10240x16xf32, #tpu.memory_space<vmem_shared>>) offsets(%dma_start3A_51 : memref<2560xi32, #tpu.memory_space<vmem>>) semaphore(%arg13 : memref<!tpu.dma_semaphore, #tpu.memory_space<semaphore_mem>>) {add = true}
    %dma_wait3A_55 = arith.constant 1 : i32
    %dma_wait3A_56 = arith.constant 1 : i32
    %dma_wait3A_57 = arith.constant 0 : i32
    %dma_wait3A_58 = arith.constant 0 : i32
    %dma_wait3A_59 = tpu.memref_slice %arg9[%dma_wait3A_56, %dma_wait3A_57, %dma_wait3A_58] : memref<2x2560x16xf32, #tpu.memory_space<vmem>> -> memref<1x2560x16xf32, #tpu.memory_space<vmem>>
    %dma_wait3A_60 = tpu.memref_squeeze %dma_wait3A_59 : memref<1x2560x16xf32, #tpu.memory_space<vmem>> -> memref<2560x16xf32, #tpu.memory_space<vmem>>
    %dma_wait3A_61 = arith.constant 0 : i32
    %dma_wait3A_62 = tpu.memref_slice %arg7[%dma_wait3A_55, %dma_wait3A_61] : memref<4x2560xi32, #tpu.memory_space<vmem>> -> memref<1x2560xi32, #tpu.memory_space<vmem>>
    %dma_wait3A_63 = tpu.memref_squeeze %dma_wait3A_62 : memref<1x2560xi32, #tpu.memory_space<vmem>> -> memref<2560xi32, #tpu.memory_space<vmem>>
    %dma_wait3A_64 = arith.constant 0 : i32
    %dma_wait3A_65 = arith.constant 0 : i32
    %dma_wait3A_66 = tpu.memref_slice %arg11[%dma_wait3A_64, %dma_wait3A_65] : memref<10240x16xf32, #tpu.memory_space<vmem_shared>> -> memref<10240x16xf32, #tpu.memory_space<vmem_shared>>
    tpu.wait_indirect_dma semaphore(%arg12 : memref<!tpu.dma_semaphore, #tpu.memory_space<semaphore_mem>>) src(%dma_wait3A_66 : memref<10240x16xf32, #tpu.memory_space<vmem_shared>>) dst(%dma_wait3A_60 : memref<2560x16xf32, #tpu.memory_space<vmem>>)
    %dma_start3A_67 = arith.constant 1 : i32
    %dma_start3A_68 = arith.constant 1 : i32
    %dma_start3A_69 = arith.constant 0 : i32
    %dma_start3A_70 = arith.constant 0 : i32
    %dma_start3A_71 = tpu.memref_slice %arg9[%dma_start3A_67, %dma_start3A_69, %dma_start3A_70] : memref<2x2560x16xf32, #tpu.memory_space<vmem>> -> memref<1x2560x16xf32, #tpu.memory_space<vmem>>
    %dma_start3A_72 = tpu.memref_squeeze %dma_start3A_71 : memref<1x2560x16xf32, #tpu.memory_space<vmem>> -> memref<2560x16xf32, #tpu.memory_space<vmem>>
    %dma_start3A_73 = arith.constant 0 : i32
    %dma_start3A_74 = tpu.memref_slice %arg8[%dma_start3A_68, %dma_start3A_73] : memref<4x2560xi32, #tpu.memory_space<vmem>> -> memref<1x2560xi32, #tpu.memory_space<vmem>>
    %dma_start3A_75 = tpu.memref_squeeze %dma_start3A_74 : memref<1x2560xi32, #tpu.memory_space<vmem>> -> memref<2560xi32, #tpu.memory_space<vmem>>
    %dma_start3A_76 = arith.constant 0 : i32
    %dma_start3A_77 = arith.constant 0 : i32
    %dma_start3A_78 = tpu.memref_slice %arg10[%dma_start3A_76, %dma_start3A_77] : memref<10240x16xf32, #tpu.memory_space<vmem_shared>> -> memref<10240x16xf32, #tpu.memory_space<vmem_shared>>
    tpu.enqueue_indirect_dma source(%dma_start3A_72 : memref<2560x16xf32, #tpu.memory_space<vmem>>) target(%dma_start3A_78 : memref<10240x16xf32, #tpu.memory_space<vmem_shared>>) offsets(%dma_start3A_75 : memref<2560xi32, #tpu.memory_space<vmem>>) semaphore(%arg13 : memref<!tpu.dma_semaphore, #tpu.memory_space<semaphore_mem>>) {add = true}
    %dma_wait3A_79 = arith.constant 0 : i32
    %dma_wait3A_80 = arith.constant 0 : i32
    %dma_wait3A_81 = arith.constant 0 : i32
    %dma_wait3A_82 = arith.constant 0 : i32
    %dma_wait3A_83 = tpu.memref_slice %arg9[%dma_wait3A_79, %dma_wait3A_81, %dma_wait3A_82] : memref<2x2560x16xf32, #tpu.memory_space<vmem>> -> memref<1x2560x16xf32, #tpu.memory_space<vmem>>
    %dma_wait3A_84 = tpu.memref_squeeze %dma_wait3A_83 : memref<1x2560x16xf32, #tpu.memory_space<vmem>> -> memref<2560x16xf32, #tpu.memory_space<vmem>>
    %dma_wait3A_85 = arith.constant 0 : i32
    %dma_wait3A_86 = tpu.memref_slice %arg8[%dma_wait3A_80, %dma_wait3A_85] : memref<4x2560xi32, #tpu.memory_space<vmem>> -> memref<1x2560xi32, #tpu.memory_space<vmem>>
    %dma_wait3A_87 = tpu.memref_squeeze %dma_wait3A_86 : memref<1x2560xi32, #tpu.memory_space<vmem>> -> memref<2560xi32, #tpu.memory_space<vmem>>
    %dma_wait3A_88 = arith.constant 0 : i32
    %dma_wait3A_89 = arith.constant 0 : i32
    %dma_wait3A_90 = tpu.memref_slice %arg10[%dma_wait3A_88, %dma_wait3A_89] : memref<10240x16xf32, #tpu.memory_space<vmem_shared>> -> memref<10240x16xf32, #tpu.memory_space<vmem_shared>>
    tpu.wait_indirect_dma semaphore(%arg13 : memref<!tpu.dma_semaphore, #tpu.memory_space<semaphore_mem>>) src(%dma_wait3A_84 : memref<2560x16xf32, #tpu.memory_space<vmem>>) dst(%dma_wait3A_90 : memref<10240x16xf32, #tpu.memory_space<vmem_shared>>)
    %dma_start3A_91 = arith.constant 2 : i32
    %dma_start3A_92 = arith.constant 0 : i32
    %dma_start3A_93 = arith.constant 0 : i32
    %dma_start3A_94 = arith.constant 0 : i32
    %dma_start3A_95 = tpu.memref_slice %arg9[%dma_start3A_92, %dma_start3A_93, %dma_start3A_94] : memref<2x2560x16xf32, #tpu.memory_space<vmem>> -> memref<1x2560x16xf32, #tpu.memory_space<vmem>>
    %dma_start3A_96 = tpu.memref_squeeze %dma_start3A_95 : memref<1x2560x16xf32, #tpu.memory_space<vmem>> -> memref<2560x16xf32, #tpu.memory_space<vmem>>
    %dma_start3A_97 = arith.constant 0 : i32
    %dma_start3A_98 = tpu.memref_slice %arg7[%dma_start3A_91, %dma_start3A_97] : memref<4x2560xi32, #tpu.memory_space<vmem>> -> memref<1x2560xi32, #tpu.memory_space<vmem>>
    %dma_start3A_99 = tpu.memref_squeeze %dma_start3A_98 : memref<1x2560xi32, #tpu.memory_space<vmem>> -> memref<2560xi32, #tpu.memory_space<vmem>>
    %dma_start3A_100 = arith.constant 0 : i32
    %dma_start3A_101 = arith.constant 0 : i32
    %dma_start3A_102 = tpu.memref_slice %arg11[%dma_start3A_100, %dma_start3A_101] : memref<10240x16xf32, #tpu.memory_space<vmem_shared>> -> memref<10240x16xf32, #tpu.memory_space<vmem_shared>>
    tpu.enqueue_indirect_dma source(%dma_start3A_102 : memref<10240x16xf32, #tpu.memory_space<vmem_shared>>) target(%dma_start3A_96 : memref<2560x16xf32, #tpu.memory_space<vmem>>) offsets(%dma_start3A_99 : memref<2560xi32, #tpu.memory_space<vmem>>) semaphore(%arg12 : memref<!tpu.dma_semaphore, #tpu.memory_space<semaphore_mem>>)
    %dma_wait3A_103 = arith.constant 1 : i32
    %dma_wait3A_104 = arith.constant 1 : i32
    %dma_wait3A_105 = arith.constant 0 : i32
    %dma_wait3A_106 = arith.constant 0 : i32
    %dma_wait3A_107 = tpu.memref_slice %arg9[%dma_wait3A_103, %dma_wait3A_105, %dma_wait3A_106] : memref<2x2560x16xf32, #tpu.memory_space<vmem>> -> memref<1x2560x16xf32, #tpu.memory_space<vmem>>
    %dma_wait3A_108 = tpu.memref_squeeze %dma_wait3A_107 : memref<1x2560x16xf32, #tpu.memory_space<vmem>> -> memref<2560x16xf32, #tpu.memory_space<vmem>>
    %dma_wait3A_109 = arith.constant 0 : i32
    %dma_wait3A_110 = tpu.memref_slice %arg8[%dma_wait3A_104, %dma_wait3A_109] : memref<4x2560xi32, #tpu.memory_space<vmem>> -> memref<1x2560xi32, #tpu.memory_space<vmem>>
    %dma_wait3A_111 = tpu.memref_squeeze %dma_wait3A_110 : memref<1x2560xi32, #tpu.memory_space<vmem>> -> memref<2560xi32, #tpu.memory_space<vmem>>
    %dma_wait3A_112 = arith.constant 0 : i32
    %dma_wait3A_113 = arith.constant 0 : i32
    %dma_wait3A_114 = tpu.memref_slice %arg10[%dma_wait3A_112, %dma_wait3A_113] : memref<10240x16xf32, #tpu.memory_space<vmem_shared>> -> memref<10240x16xf32, #tpu.memory_space<vmem_shared>>
    tpu.wait_indirect_dma semaphore(%arg13 : memref<!tpu.dma_semaphore, #tpu.memory_space<semaphore_mem>>) src(%dma_wait3A_108 : memref<2560x16xf32, #tpu.memory_space<vmem>>) dst(%dma_wait3A_114 : memref<10240x16xf32, #tpu.memory_space<vmem_shared>>)
    %dma_start3A_115 = arith.constant 3 : i32
    %dma_start3A_116 = arith.constant 1 : i32
    %dma_start3A_117 = arith.constant 0 : i32
    %dma_start3A_118 = arith.constant 0 : i32
    %dma_start3A_119 = tpu.memref_slice %arg9[%dma_start3A_116, %dma_start3A_117, %dma_start3A_118] : memref<2x2560x16xf32, #tpu.memory_space<vmem>> -> memref<1x2560x16xf32, #tpu.memory_space<vmem>>
    %dma_start3A_120 = tpu.memref_squeeze %dma_start3A_119 : memref<1x2560x16xf32, #tpu.memory_space<vmem>> -> memref<2560x16xf32, #tpu.memory_space<vmem>>
    %dma_start3A_121 = arith.constant 0 : i32
    %dma_start3A_122 = tpu.memref_slice %arg7[%dma_start3A_115, %dma_start3A_121] : memref<4x2560xi32, #tpu.memory_space<vmem>> -> memref<1x2560xi32, #tpu.memory_space<vmem>>
    %dma_start3A_123 = tpu.memref_squeeze %dma_start3A_122 : memref<1x2560xi32, #tpu.memory_space<vmem>> -> memref<2560xi32, #tpu.memory_space<vmem>>
    %dma_start3A_124 = arith.constant 0 : i32
    %dma_start3A_125 = arith.constant 0 : i32
    %dma_start3A_126 = tpu.memref_slice %arg11[%dma_start3A_124, %dma_start3A_125] : memref<10240x16xf32, #tpu.memory_space<vmem_shared>> -> memref<10240x16xf32, #tpu.memory_space<vmem_shared>>
    tpu.enqueue_indirect_dma source(%dma_start3A_126 : memref<10240x16xf32, #tpu.memory_space<vmem_shared>>) target(%dma_start3A_120 : memref<2560x16xf32, #tpu.memory_space<vmem>>) offsets(%dma_start3A_123 : memref<2560xi32, #tpu.memory_space<vmem>>) semaphore(%arg12 : memref<!tpu.dma_semaphore, #tpu.memory_space<semaphore_mem>>)
    %dma_wait3A_127 = arith.constant 2 : i32
    %dma_wait3A_128 = arith.constant 0 : i32
    %dma_wait3A_129 = arith.constant 0 : i32
    %dma_wait3A_130 = arith.constant 0 : i32
    %dma_wait3A_131 = tpu.memref_slice %arg9[%dma_wait3A_128, %dma_wait3A_129, %dma_wait3A_130] : memref<2x2560x16xf32, #tpu.memory_space<vmem>> -> memref<1x2560x16xf32, #tpu.memory_space<vmem>>
    %dma_wait3A_132 = tpu.memref_squeeze %dma_wait3A_131 : memref<1x2560x16xf32, #tpu.memory_space<vmem>> -> memref<2560x16xf32, #tpu.memory_space<vmem>>
    %dma_wait3A_133 = arith.constant 0 : i32
    %dma_wait3A_134 = tpu.memref_slice %arg7[%dma_wait3A_127, %dma_wait3A_133] : memref<4x2560xi32, #tpu.memory_space<vmem>> -> memref<1x2560xi32, #tpu.memory_space<vmem>>
    %dma_wait3A_135 = tpu.memref_squeeze %dma_wait3A_134 : memref<1x2560xi32, #tpu.memory_space<vmem>> -> memref<2560xi32, #tpu.memory_space<vmem>>
    %dma_wait3A_136 = arith.constant 0 : i32
    %dma_wait3A_137 = arith.constant 0 : i32
    %dma_wait3A_138 = tpu.memref_slice %arg11[%dma_wait3A_136, %dma_wait3A_137] : memref<10240x16xf32, #tpu.memory_space<vmem_shared>> -> memref<10240x16xf32, #tpu.memory_space<vmem_shared>>
    tpu.wait_indirect_dma semaphore(%arg12 : memref<!tpu.dma_semaphore, #tpu.memory_space<semaphore_mem>>) src(%dma_wait3A_138 : memref<10240x16xf32, #tpu.memory_space<vmem_shared>>) dst(%dma_wait3A_132 : memref<2560x16xf32, #tpu.memory_space<vmem>>)
    %dma_start3A_139 = arith.constant 0 : i32
    %dma_start3A_140 = arith.constant 2 : i32
    %dma_start3A_141 = arith.constant 0 : i32
    %dma_start3A_142 = arith.constant 0 : i32
    %dma_start3A_143 = tpu.memref_slice %arg9[%dma_start3A_139, %dma_start3A_141, %dma_start3A_142] : memref<2x2560x16xf32, #tpu.memory_space<vmem>> -> memref<1x2560x16xf32, #tpu.memory_space<vmem>>
    %dma_start3A_144 = tpu.memref_squeeze %dma_start3A_143 : memref<1x2560x16xf32, #tpu.memory_space<vmem>> -> memref<2560x16xf32, #tpu.memory_space<vmem>>
    %dma_start3A_145 = arith.constant 0 : i32
    %dma_start3A_146 = tpu.memref_slice %arg8[%dma_start3A_140, %dma_start3A_145] : memref<4x2560xi32, #tpu.memory_space<vmem>> -> memref<1x2560xi32, #tpu.memory_space<vmem>>
    %dma_start3A_147 = tpu.memref_squeeze %dma_start3A_146 : memref<1x2560xi32, #tpu.memory_space<vmem>> -> memref<2560xi32, #tpu.memory_space<vmem>>
    %dma_start3A_148 = arith.constant 0 : i32
    %dma_start3A_149 = arith.constant 0 : i32
    %dma_start3A_150 = tpu.memref_slice %arg10[%dma_start3A_148, %dma_start3A_149] : memref<10240x16xf32, #tpu.memory_space<vmem_shared>> -> memref<10240x16xf32, #tpu.memory_space<vmem_shared>>
    tpu.enqueue_indirect_dma source(%dma_start3A_144 : memref<2560x16xf32, #tpu.memory_space<vmem>>) target(%dma_start3A_150 : memref<10240x16xf32, #tpu.memory_space<vmem_shared>>) offsets(%dma_start3A_147 : memref<2560xi32, #tpu.memory_space<vmem>>) semaphore(%arg13 : memref<!tpu.dma_semaphore, #tpu.memory_space<semaphore_mem>>) {add = true}
    %dma_wait3A_151 = arith.constant 3 : i32
    %dma_wait3A_152 = arith.constant 1 : i32
    %dma_wait3A_153 = arith.constant 0 : i32
    %dma_wait3A_154 = arith.constant 0 : i32
    %dma_wait3A_155 = tpu.memref_slice %arg9[%dma_wait3A_152, %dma_wait3A_153, %dma_wait3A_154] : memref<2x2560x16xf32, #tpu.memory_space<vmem>> -> memref<1x2560x16xf32, #tpu.memory_space<vmem>>
    %dma_wait3A_156 = tpu.memref_squeeze %dma_wait3A_155 : memref<1x2560x16xf32, #tpu.memory_space<vmem>> -> memref<2560x16xf32, #tpu.memory_space<vmem>>
    %dma_wait3A_157 = arith.constant 0 : i32
    %dma_wait3A_158 = tpu.memref_slice %arg7[%dma_wait3A_151, %dma_wait3A_157] : memref<4x2560xi32, #tpu.memory_space<vmem>> -> memref<1x2560xi32, #tpu.memory_space<vmem>>
    %dma_wait3A_159 = tpu.memref_squeeze %dma_wait3A_158 : memref<1x2560xi32, #tpu.memory_space<vmem>> -> memref<2560xi32, #tpu.memory_space<vmem>>
    %dma_wait3A_160 = arith.constant 0 : i32
    %dma_wait3A_161 = arith.constant 0 : i32
    %dma_wait3A_162 = tpu.memref_slice %arg11[%dma_wait3A_160, %dma_wait3A_161] : memref<10240x16xf32, #tpu.memory_space<vmem_shared>> -> memref<10240x16xf32, #tpu.memory_space<vmem_shared>>
    tpu.wait_indirect_dma semaphore(%arg12 : memref<!tpu.dma_semaphore, #tpu.memory_space<semaphore_mem>>) src(%dma_wait3A_162 : memref<10240x16xf32, #tpu.memory_space<vmem_shared>>) dst(%dma_wait3A_156 : memref<2560x16xf32, #tpu.memory_space<vmem>>)
    %dma_start3A_163 = arith.constant 1 : i32
    %dma_start3A_164 = arith.constant 3 : i32
    %dma_start3A_165 = arith.constant 0 : i32
    %dma_start3A_166 = arith.constant 0 : i32
    %dma_start3A_167 = tpu.memref_slice %arg9[%dma_start3A_163, %dma_start3A_165, %dma_start3A_166] : memref<2x2560x16xf32, #tpu.memory_space<vmem>> -> memref<1x2560x16xf32, #tpu.memory_space<vmem>>
    %dma_start3A_168 = tpu.memref_squeeze %dma_start3A_167 : memref<1x2560x16xf32, #tpu.memory_space<vmem>> -> memref<2560x16xf32, #tpu.memory_space<vmem>>
    %dma_start3A_169 = arith.constant 0 : i32
    %dma_start3A_170 = tpu.memref_slice %arg8[%dma_start3A_164, %dma_start3A_169] : memref<4x2560xi32, #tpu.memory_space<vmem>> -> memref<1x2560xi32, #tpu.memory_space<vmem>>
    %dma_start3A_171 = tpu.memref_squeeze %dma_start3A_170 : memref<1x2560xi32, #tpu.memory_space<vmem>> -> memref<2560xi32, #tpu.memory_space<vmem>>
    %dma_start3A_172 = arith.constant 0 : i32
    %dma_start3A_173 = arith.constant 0 : i32
    %dma_start3A_174 = tpu.memref_slice %arg10[%dma_start3A_172, %dma_start3A_173] : memref<10240x16xf32, #tpu.memory_space<vmem_shared>> -> memref<10240x16xf32, #tpu.memory_space<vmem_shared>>
    tpu.enqueue_indirect_dma source(%dma_start3A_168 : memref<2560x16xf32, #tpu.memory_space<vmem>>) target(%dma_start3A_174 : memref<10240x16xf32, #tpu.memory_space<vmem_shared>>) offsets(%dma_start3A_171 : memref<2560xi32, #tpu.memory_space<vmem>>) semaphore(%arg13 : memref<!tpu.dma_semaphore, #tpu.memory_space<semaphore_mem>>) {add = true}
    %dma_wait3A_175 = arith.constant 0 : i32
    %dma_wait3A_176 = arith.constant 2 : i32
    %dma_wait3A_177 = arith.constant 0 : i32
    %dma_wait3A_178 = arith.constant 0 : i32
    %dma_wait3A_179 = tpu.memref_slice %arg9[%dma_wait3A_175, %dma_wait3A_177, %dma_wait3A_178] : memref<2x2560x16xf32, #tpu.memory_space<vmem>> -> memref<1x2560x16xf32, #tpu.memory_space<vmem>>
    %dma_wait3A_180 = tpu.memref_squeeze %dma_wait3A_179 : memref<1x2560x16xf32, #tpu.memory_space<vmem>> -> memref<2560x16xf32, #tpu.memory_space<vmem>>
    %dma_wait3A_181 = arith.constant 0 : i32
    %dma_wait3A_182 = tpu.memref_slice %arg8[%dma_wait3A_176, %dma_wait3A_181] : memref<4x2560xi32, #tpu.memory_space<vmem>> -> memref<1x2560xi32, #tpu.memory_space<vmem>>
    %dma_wait3A_183 = tpu.memref_squeeze %dma_wait3A_182 : memref<1x2560xi32, #tpu.memory_space<vmem>> -> memref<2560xi32, #tpu.memory_space<vmem>>
    %dma_wait3A_184 = arith.constant 0 : i32
    %dma_wait3A_185 = arith.constant 0 : i32
    %dma_wait3A_186 = tpu.memref_slice %arg10[%dma_wait3A_184, %dma_wait3A_185] : memref<10240x16xf32, #tpu.memory_space<vmem_shared>> -> memref<10240x16xf32, #tpu.memory_space<vmem_shared>>
    tpu.wait_indirect_dma semaphore(%arg13 : memref<!tpu.dma_semaphore, #tpu.memory_space<semaphore_mem>>) src(%dma_wait3A_180 : memref<2560x16xf32, #tpu.memory_space<vmem>>) dst(%dma_wait3A_186 : memref<10240x16xf32, #tpu.memory_space<vmem_shared>>)
    %dma_wait3A_187 = arith.constant 1 : i32
    %dma_wait3A_188 = arith.constant 3 : i32
    %dma_wait3A_189 = arith.constant 0 : i32
    %dma_wait3A_190 = arith.constant 0 : i32
    %dma_wait3A_191 = tpu.memref_slice %arg9[%dma_wait3A_187, %dma_wait3A_189, %dma_wait3A_190] : memref<2x2560x16xf32, #tpu.memory_space<vmem>> -> memref<1x2560x16xf32, #tpu.memory_space<vmem>>
    %dma_wait3A_192 = tpu.memref_squeeze %dma_wait3A_191 : memref<1x2560x16xf32, #tpu.memory_space<vmem>> -> memref<2560x16xf32, #tpu.memory_space<vmem>>
    %dma_wait3A_193 = arith.constant 0 : i32
    %dma_wait3A_194 = tpu.memref_slice %arg8[%dma_wait3A_188, %dma_wait3A_193] : memref<4x2560xi32, #tpu.memory_space<vmem>> -> memref<1x2560xi32, #tpu.memory_space<vmem>>
    %dma_wait3A_195 = tpu.memref_squeeze %dma_wait3A_194 : memref<1x2560xi32, #tpu.memory_space<vmem>> -> memref<2560xi32, #tpu.memory_space<vmem>>
    %dma_wait3A_196 = arith.constant 0 : i32
    %dma_wait3A_197 = arith.constant 0 : i32
    %dma_wait3A_198 = tpu.memref_slice %arg10[%dma_wait3A_196, %dma_wait3A_197] : memref<10240x16xf32, #tpu.memory_space<vmem_shared>> -> memref<10240x16xf32, #tpu.memory_space<vmem_shared>>
    tpu.wait_indirect_dma semaphore(%arg13 : memref<!tpu.dma_semaphore, #tpu.memory_space<semaphore_mem>>) src(%dma_wait3A_192 : memref<2560x16xf32, #tpu.memory_space<vmem>>) dst(%dma_wait3A_198 : memref<10240x16xf32, #tpu.memory_space<vmem_shared>>)
    %barrier3A_199 = arith.constant 0 : index
    tpu.barrier barrier_id(%barrier3A_199)
    %mul3A_200 = arith.constant 640 : i32
    %mul3A_201 = arith.muli %arg1, %mul3A_200 : i32
    %mul3A_202 = arith.constant 640 : i32
    %mul3A_203 = arith.muli %arg1, %mul3A_202 : i32
    "tpu.region"() ({
      %run_scoped3A = tpu.sem_alloc : memref<!tpu.dma_semaphore, #tpu.memory_space<semaphore_mem>>
      %dma_start3A_204 = arith.constant 0 : i32
      %dma_start3A_205 = tpu.memref_slice %arg6[%arg0, %mul3A_203, %dma_start3A_204] : memref<2x10240x16xf32, #tpu.memory_space<hbm>> -> memref<1x640x16xf32, #tpu.memory_space<hbm>>
      %dma_start3A_206 = tpu.memref_squeeze %dma_start3A_205 : memref<1x640x16xf32, #tpu.memory_space<hbm>> -> memref<640x16xf32, #tpu.memory_space<hbm>>
      %dma_start3A_207 = arith.constant 0 : i32
      %dma_start3A_208 = tpu.memref_slice %arg10[%mul3A_201, %dma_start3A_207] : memref<10240x16xf32, #tpu.memory_space<vmem_shared>> -> memref<640x16xf32, #tpu.memory_space<vmem_shared>>
      tpu.enqueue_dma source(%dma_start3A_208 : memref<640x16xf32, #tpu.memory_space<vmem_shared>>) target(%dma_start3A_206 : memref<640x16xf32, #tpu.memory_space<hbm>>) target_semaphore(%run_scoped3A : memref<!tpu.dma_semaphore, #tpu.memory_space<semaphore_mem>>)
      %dma_wait3A_209 = arith.constant 0 : i32
      %dma_wait3A_210 = tpu.memref_slice %arg6[%arg0, %mul3A_203, %dma_wait3A_209] : memref<2x10240x16xf32, #tpu.memory_space<hbm>> -> memref<1x640x16xf32, #tpu.memory_space<hbm>>
      %dma_wait3A_211 = tpu.memref_squeeze %dma_wait3A_210 : memref<1x640x16xf32, #tpu.memory_space<hbm>> -> memref<640x16xf32, #tpu.memory_space<hbm>>
      %dma_wait3A_212 = arith.constant 0 : i32
      %dma_wait3A_213 = tpu.memref_slice %arg10[%mul3A_201, %dma_wait3A_212] : memref<10240x16xf32, #tpu.memory_space<vmem_shared>> -> memref<640x16xf32, #tpu.memory_space<vmem_shared>>
      tpu.wait_dma2 semaphore(%run_scoped3A : memref<!tpu.dma_semaphore, #tpu.memory_space<semaphore_mem>>) src(%dma_wait3A_213 : memref<640x16xf32, #tpu.memory_space<vmem_shared>>) dst(%dma_wait3A_211 : memref<640x16xf32, #tpu.memory_space<hbm>>)
      tpu.yield
    }) : () -> ()
    return
  }
}

module attributes {stable_mosaic.version = 14 : i64} {
  func.func @_mm1_body(%arg0: memref<1280x1024xf32, #tpu.memory_space<vmem>>, %arg1: memref<1024x128xf32, #tpu.memory_space<vmem>>, %arg2: memref<1280x128xf32, #tpu.memory_space<vmem>>, %arg3: memref<1280x128xf32, #tpu.memory_space<vmem>>) attributes {dimension_semantics = [], scalar_prefetch = 0 : i64, scratch_operands = 0 : i64, tpu.core_type = #tpu.core_type<tc>} {
    %get3A = arith.constant 0 : index
    %get3A_0 = arith.constant 0 : index
    %get3A_1 = vector.load %arg0[%get3A, %get3A_0] : memref<1280x1024xf32, #tpu.memory_space<vmem>>, vector<1280x1024xf32>
    %get3A_2 = arith.constant 0 : index
    %get3A_3 = arith.constant 0 : index
    %get3A_4 = vector.load %arg1[%get3A_2, %get3A_3] : memref<1024x128xf32, #tpu.memory_space<vmem>>, vector<1024x128xf32>
    %dot_general3A = arith.constant dense<0.000000e+00> : vector<1280x128xf32>
    %dot_general3A_5 = tpu.matmul %get3A_1, %get3A_4, %dot_general3A {dimension_numbers = #tpu.dot_dimension_numbers<[1], [0], [0], [1], [0, 0, 1, 1], [], []>, transpose_lhs_hint = false} : vector<1280x1024xf32>, vector<1024x128xf32>, vector<1280x128xf32> -> vector<1280x128xf32>
    %get3A_6 = arith.constant 0 : index
    %get3A_7 = arith.constant 0 : index
    %get3A_8 = vector.load %arg2[%get3A_6, %get3A_7] : memref<1280x128xf32, #tpu.memory_space<vmem>>, vector<1280x128xf32>
    %mul3A = arith.mulf %dot_general3A_5, %get3A_8 : vector<1280x128xf32>
    %swap3A = arith.constant 0 : index
    %swap3A_9 = arith.constant 0 : index
    %swap3A_10 = vector.load %arg3[%swap3A, %swap3A_9] : memref<1280x128xf32, #tpu.memory_space<vmem>>, vector<1280x128xf32>
    tpu.vector_store %arg3[%swap3A, %swap3A_9], %mul3A {strides = array<i32>} : memref<1280x128xf32, #tpu.memory_space<vmem>>, vector<1280x128xf32>,
    return
  }
}

module attributes {stable_mosaic.version = 14 : i64} {
  func.func @_mid_body(%arg0: memref<2x1280x128xf32, #tpu.memory_space<vmem>>, %arg1: memref<1280x128xf32, #tpu.memory_space<vmem>>, %arg2: memref<1280x128xf32, #tpu.memory_space<vmem>>, %arg3: memref<1x128xf32, #tpu.memory_space<vmem>>, %arg4: memref<128x128xf32, #tpu.memory_space<vmem>>, %arg5: memref<1280x128xf32, #tpu.memory_space<vmem>>) attributes {dimension_semantics = [], scalar_prefetch = 0 : i64, scratch_operands = 0 : i64, tpu.core_type = #tpu.core_type<tc>} {
    %get3A = arith.constant 0 : index
    %get3A_0 = arith.constant 0 : index
    %get3A_1 = arith.constant 0 : index
    %get3A_2 = vector.load %arg0[%get3A, %get3A_0, %get3A_1] : memref<2x1280x128xf32, #tpu.memory_space<vmem>>, vector<1x1280x128xf32>
    %get3A_3 = vector.shape_cast %get3A_2 : vector<1x1280x128xf32> to vector<1280x128xf32>
    %get3A_4 = arith.constant 1 : index
    %get3A_5 = arith.constant 0 : index
    %get3A_6 = arith.constant 0 : index
    %get3A_7 = vector.load %arg0[%get3A_4, %get3A_5, %get3A_6] : memref<2x1280x128xf32, #tpu.memory_space<vmem>>, vector<1x1280x128xf32>
    %get3A_8 = vector.shape_cast %get3A_7 : vector<1x1280x128xf32> to vector<1280x128xf32>
    %add3A = arith.addf %get3A_3, %get3A_8 : vector<1280x128xf32>
    %get3A_9 = arith.constant 0 : index
    %get3A_10 = arith.constant 0 : index
    %get3A_11 = vector.load %arg1[%get3A_9, %get3A_10] : memref<1280x128xf32, #tpu.memory_space<vmem>>, vector<1280x128xf32>
    %add3A_12 = arith.addf %add3A, %get3A_11 : vector<1280x128xf32>
    %get3A_13 = arith.constant 0 : index
    %get3A_14 = arith.constant 0 : index
    %get3A_15 = vector.load %arg2[%get3A_13, %get3A_14] : memref<1280x128xf32, #tpu.memory_space<vmem>>, vector<1280x128xf32>
    %mul3A = arith.mulf %add3A_12, %get3A_15 : vector<1280x128xf32>
    %get3A_16 = arith.constant 0 : index
    %get3A_17 = arith.constant 0 : index
    %get3A_18 = vector.load %arg3[%get3A_16, %get3A_17] : memref<1x128xf32, #tpu.memory_space<vmem>>, vector<1x128xf32>
    %add3A_19 = vector.broadcast %get3A_18 : vector<1x128xf32> to vector<1280x128xf32>
    %add3A_20 = arith.addf %mul3A, %add3A_19 : vector<1280x128xf32>
    %max3A = arith.constant 0.000000e+00 : f32
    %max3A_21 = vector.broadcast %max3A : f32 to vector<1280x128xf32>
    %max3A_22 = arith.maximumf %add3A_20, %max3A_21 : vector<1280x128xf32>
    %iota3A = tpu.iota {dimensions = array<i32: 0>} : vector<1280x1xi32>
    %lt3A = arith.constant 1250 : i32
    %lt3A_23 = vector.broadcast %lt3A : i32 to vector<1280x1xi32>
    %lt3A_24 = arith.cmpi slt, %iota3A, %lt3A_23 : vector<1280x1xi32>
    %jit3A = arith.constant 0.000000e+00 : f32
    %broadcast_in_dim3A = vector.shape_cast %lt3A_24 : vector<1280x1xi1> to vector<1280x1xi1>
    %broadcast_in_dim3A_25 = vector.broadcast %broadcast_in_dim3A : vector<1280x1xi1> to vector<1280x128xi1>
    %broadcast_in_dim3A_26 = vector.broadcast %jit3A : f32 to vector<1280x128xf32>
    %select_n3A = arith.select %broadcast_in_dim3A_25, %max3A_22, %broadcast_in_dim3A_26 : vector<1280x128xi1>, vector<1280x128xf32>
    %get3A_27 = arith.constant 0 : index
    %get3A_28 = arith.constant 0 : index
    %get3A_29 = vector.load %arg4[%get3A_27, %get3A_28] : memref<128x128xf32, #tpu.memory_space<vmem>>, vector<128x128xf32>
    %dot_general3A = arith.constant dense<0.000000e+00> : vector<1280x128xf32>
    %dot_general3A_30 = tpu.matmul %select_n3A, %get3A_29, %dot_general3A {dimension_numbers = #tpu.dot_dimension_numbers<[1], [0], [0], [1], [0, 0, 1, 1], [], []>, transpose_lhs_hint = false} : vector<1280x128xf32>, vector<128x128xf32>, vector<1280x128xf32> -> vector<1280x128xf32>
    %get3A_31 = arith.constant 0 : index
    %get3A_32 = arith.constant 0 : index
    %get3A_33 = vector.load %arg2[%get3A_31, %get3A_32] : memref<1280x128xf32, #tpu.memory_space<vmem>>, vector<1280x128xf32>
    %mul3A_34 = arith.mulf %dot_general3A_30, %get3A_33 : vector<1280x128xf32>
    %swap3A = arith.constant 0 : index
    %swap3A_35 = arith.constant 0 : index
    %swap3A_36 = vector.load %arg5[%swap3A, %swap3A_35] : memref<1280x128xf32, #tpu.memory_space<vmem>>, vector<1280x128xf32>
    tpu.vector_store %arg5[%swap3A, %swap3A_35], %mul3A_34 {strides = array<i32>} : memref<1280x128xf32, #tpu.memory_space<vmem>>, vector<1280x128xf32>,
    return
  }
}

module attributes {stable_mosaic.version = 14 : i64} {
  func.func @_fin_body(%arg0: memref<2x1280x128xf32, #tpu.memory_space<vmem>>, %arg1: memref<1280x128xf32, #tpu.memory_space<vmem>>, %arg2: memref<1280x128xf32, #tpu.memory_space<vmem>>, %arg3: memref<1x128xf32, #tpu.memory_space<vmem>>, %arg4: memref<1280x128xf32, #tpu.memory_space<vmem>>) attributes {dimension_semantics = [], scalar_prefetch = 0 : i64, scratch_operands = 0 : i64, tpu.core_type = #tpu.core_type<tc>} {
    %get3A = arith.constant 0 : index
    %get3A_0 = arith.constant 0 : index
    %get3A_1 = arith.constant 0 : index
    %get3A_2 = vector.load %arg0[%get3A, %get3A_0, %get3A_1] : memref<2x1280x128xf32, #tpu.memory_space<vmem>>, vector<1x1280x128xf32>
    %get3A_3 = vector.shape_cast %get3A_2 : vector<1x1280x128xf32> to vector<1280x128xf32>
    %get3A_4 = arith.constant 1 : index
    %get3A_5 = arith.constant 0 : index
    %get3A_6 = arith.constant 0 : index
    %get3A_7 = vector.load %arg0[%get3A_4, %get3A_5, %get3A_6] : memref<2x1280x128xf32, #tpu.memory_space<vmem>>, vector<1x1280x128xf32>
    %get3A_8 = vector.shape_cast %get3A_7 : vector<1x1280x128xf32> to vector<1280x128xf32>
    %add3A = arith.addf %get3A_3, %get3A_8 : vector<1280x128xf32>
    %get3A_9 = arith.constant 0 : index
    %get3A_10 = arith.constant 0 : index
    %get3A_11 = vector.load %arg1[%get3A_9, %get3A_10] : memref<1280x128xf32, #tpu.memory_space<vmem>>, vector<1280x128xf32>
    %add3A_12 = arith.addf %add3A, %get3A_11 : vector<1280x128xf32>
    %get3A_13 = arith.constant 0 : index
    %get3A_14 = arith.constant 0 : index
    %get3A_15 = vector.load %arg2[%get3A_13, %get3A_14] : memref<1280x128xf32, #tpu.memory_space<vmem>>, vector<1280x128xf32>
    %mul3A = arith.mulf %add3A_12, %get3A_15 : vector<1280x128xf32>
    %get3A_16 = arith.constant 0 : index
    %get3A_17 = arith.constant 0 : index
    %get3A_18 = vector.load %arg3[%get3A_16, %get3A_17] : memref<1x128xf32, #tpu.memory_space<vmem>>, vector<1x128xf32>
    %add3A_19 = vector.broadcast %get3A_18 : vector<1x128xf32> to vector<1280x128xf32>
    %add3A_20 = arith.addf %mul3A, %add3A_19 : vector<1280x128xf32>
    %max3A = arith.constant 0.000000e+00 : f32
    %max3A_21 = vector.broadcast %max3A : f32 to vector<1280x128xf32>
    %max3A_22 = arith.maximumf %add3A_20, %max3A_21 : vector<1280x128xf32>
    %swap3A = arith.constant 0 : index
    %swap3A_23 = arith.constant 0 : index
    %swap3A_24 = vector.load %arg4[%swap3A, %swap3A_23] : memref<1280x128xf32, #tpu.memory_space<vmem>>, vector<1280x128xf32>
    tpu.vector_store %arg4[%swap3A, %swap3A_23], %max3A_22 {strides = array<i32>} : memref<1280x128xf32, #tpu.memory_space<vmem>>, vector<1280x128xf32>,
    return
  }
}

module attributes {stable_mosaic.version = 14 : i64} {
  func.func @_head_body(%arg0: i32, %arg1: memref<1664x128xf32, #tpu.memory_space<vmem>>, %arg2: memref<1664x128xf32, #tpu.memory_space<vmem>>, %arg3: memref<512x256xf32, #tpu.memory_space<vmem>>, %arg4: memref<1x256xf32, #tpu.memory_space<vmem>>, %arg5: memref<256x8xf32, #tpu.memory_space<vmem>>, %arg6: memref<1x8xf32, #tpu.memory_space<vmem>>, %arg7: memref<1664x8xf32, #tpu.memory_space<vmem>>) attributes {dimension_semantics = [#tpu.dimension_semantics<arbitrary>], iteration_bounds = array<i64: 16>, scalar_prefetch = 0 : i64, scratch_operands = 0 : i64, tpu.core_type = #tpu.core_type<tc>, window_params = [{transform_indices = @transform_0, window_bounds = array<i64: 1664, 128>}, {transform_indices = @transform_1, window_bounds = array<i64: 1664, 128>}, {pipeline_mode = #tpu.pipeline_mode<synchronous>, transform_indices = @transform_2, window_bounds = array<i64: 512, 256>}, {pipeline_mode = #tpu.pipeline_mode<synchronous>, transform_indices = @transform_3, window_bounds = array<i64: 1, 256>}, {pipeline_mode = #tpu.pipeline_mode<synchronous>, transform_indices = @transform_4, window_bounds = array<i64: 256, 8>}, {pipeline_mode = #tpu.pipeline_mode<synchronous>, transform_indices = @transform_5, window_bounds = array<i64: 1, 8>}, {transform_indices = @transform_6, window_bounds = array<i64: 1664, 8>}]} {
    %get3A = arith.constant 0 : index
    %get3A_0 = arith.constant 0 : index
    %get3A_1 = vector.load %arg1[%get3A, %get3A_0] : memref<1664x128xf32, #tpu.memory_space<vmem>>, vector<1664x128xf32>
    %get3A_2 = arith.constant 0 : index
    %get3A_3 = arith.constant 0 : index
    %get3A_4 = vector.load %arg2[%get3A_2, %get3A_3] : memref<1664x128xf32, #tpu.memory_space<vmem>>, vector<1664x128xf32>
    %sub3A = arith.subf %get3A_1, %get3A_4 : vector<1664x128xf32>
    %abs3A = math.absf %sub3A : vector<1664x128xf32>
    %mul3A = arith.mulf %get3A_1, %get3A_4 : vector<1664x128xf32>
    %concatenate3A = tpu.concatenate %get3A_1, %get3A_4, %abs3A, %mul3A in 1 : vector<1664x128xf32>, vector<1664x128xf32>, vector<1664x128xf32>, vector<1664x128xf32> -> vector<1664x512xf32>
    %get3A_5 = arith.constant 0 : index
    %get3A_6 = arith.constant 0 : index
    %get3A_7 = vector.load %arg3[%get3A_5, %get3A_6] : memref<512x256xf32, #tpu.memory_space<vmem>>, vector<512x256xf32>
    %dot_general3A = arith.constant dense<0.000000e+00> : vector<1664x256xf32>
    %dot_general3A_8 = tpu.matmul %concatenate3A, %get3A_7, %dot_general3A {dimension_numbers = #tpu.dot_dimension_numbers<[1], [0], [0], [1], [0, 0, 1, 1], [], []>, transpose_lhs_hint = false} : vector<1664x512xf32>, vector<512x256xf32>, vector<1664x256xf32> -> vector<1664x256xf32>
    %get3A_9 = arith.constant 0 : index
    %get3A_10 = arith.constant 0 : index
    %get3A_11 = vector.load %arg4[%get3A_9, %get3A_10] : memref<1x256xf32, #tpu.memory_space<vmem>>, vector<1x256xf32>
    %add3A = vector.broadcast %get3A_11 : vector<1x256xf32> to vector<1664x256xf32>
    %add3A_12 = arith.addf %dot_general3A_8, %add3A : vector<1664x256xf32>
    %max3A = arith.constant 0.000000e+00 : f32
    %max3A_13 = vector.broadcast %max3A : f32 to vector<1664x256xf32>
    %max3A_14 = arith.maximumf %add3A_12, %max3A_13 : vector<1664x256xf32>
    %get3A_15 = arith.constant 0 : index
    %get3A_16 = arith.constant 0 : index
    %get3A_17 = vector.load %arg5[%get3A_15, %get3A_16] : memref<256x8xf32, #tpu.memory_space<vmem>>, vector<256x8xf32>
    %dot_general3A_18 = arith.constant dense<0.000000e+00> : vector<1664x8xf32>
    %dot_general3A_19 = tpu.matmul %max3A_14, %get3A_17, %dot_general3A_18 {dimension_numbers = #tpu.dot_dimension_numbers<[1], [0], [0], [1], [0, 0, 1, 1], [], []>, transpose_lhs_hint = false} : vector<1664x256xf32>, vector<256x8xf32>, vector<1664x8xf32> -> vector<1664x8xf32>
    %get3A_20 = arith.constant 0 : index
    %get3A_21 = arith.constant 0 : index
    %get3A_22 = vector.load %arg6[%get3A_20, %get3A_21] : memref<1x8xf32, #tpu.memory_space<vmem>>, vector<1x8xf32>
    %add3A_23 = vector.broadcast %get3A_22 : vector<1x8xf32> to vector<1664x8xf32>
    %add3A_24 = arith.addf %dot_general3A_19, %add3A_23 : vector<1664x8xf32>
    %swap3A = arith.constant 0 : index
    %swap3A_25 = arith.constant 0 : index
    %swap3A_26 = vector.load %arg7[%swap3A, %swap3A_25] : memref<1664x8xf32, #tpu.memory_space<vmem>>, vector<1664x8xf32>
    tpu.vector_store %arg7[%swap3A, %swap3A_25], %add3A_24 {strides = array<i32>} : memref<1664x8xf32, #tpu.memory_space<vmem>>, vector<1664x8xf32>,
    return
  }
  func.func @transform_0(%arg0: i32) -> (i32, i32) {
    %c0_i32 = arith.constant 0 : i32
    %c0_i32_0 = arith.constant 0 : i32
    return %arg0, %c0_i32 : i32, i32
  }
  func.func @transform_1(%arg0: i32) -> (i32, i32) {
    %add3A = arith.constant 16 : i32
    %add3A_0 = arith.addi %arg0, %add3A : i32
    %c0_i32 = arith.constant 0 : i32
    %c0_i32_1 = arith.constant 0 : i32
    return %add3A_0, %c0_i32 : i32, i32
  }
  func.func @transform_2(%arg0: i32) -> (i32, i32) {
    %c0_i32 = arith.constant 0 : i32
    %c0_i32_0 = arith.constant 0 : i32
    %c0_i32_1 = arith.constant 0 : i32
    return %c0_i32, %c0_i32_0 : i32, i32
  }
  func.func @transform_3(%arg0: i32) -> (i32, i32) {
    %c0_i32 = arith.constant 0 : i32
    %c0_i32_0 = arith.constant 0 : i32
    %c0_i32_1 = arith.constant 0 : i32
    return %c0_i32, %c0_i32_0 : i32, i32
  }
  func.func @transform_4(%arg0: i32) -> (i32, i32) {
    %c0_i32 = arith.constant 0 : i32
    %c0_i32_0 = arith.constant 0 : i32
    %c0_i32_1 = arith.constant 0 : i32
    return %c0_i32, %c0_i32_0 : i32, i32
  }
  func.func @transform_5(%arg0: i32) -> (i32, i32) {
    %c0_i32 = arith.constant 0 : i32
    %c0_i32_0 = arith.constant 0 : i32
    %c0_i32_1 = arith.constant 0 : i32
    return %c0_i32, %c0_i32_0 : i32, i32
  }
  func.func @transform_6(%arg0: i32) -> (i32, i32) {
    %c0_i32 = arith.constant 0 : i32
    %c0_i32_0 = arith.constant 0 : i32
    return %arg0, %c0_i32 : i32, i32
  }
}

</mosaic_0001>

<sc_bundles>
// kernel: kernel.10.cloned.1.call-start
scs
__scs_entry_jumppad:
0x0: {  	(pc) =	sbr.rel $0x88, $3  }
0x1: {  	(tag) =	ssettag $0x0;
	lr =	simm.s32 $0x1  }
0x2: {  	[smem:$0x3F96] =	sst lr;
	_ =	strace $0xD0000000  }
0x3: {  	_ = 	snop  }
0x4: {  	_ = 	snop  }
0x5: {  	_ = 	snop  }
0x6: {  	_ = 	snop  }
0x7: {  	_ = 	snop  }
__scs_overlays_trampoline_lowered:
0x8: {  	[smem:$0x3FA5] =	sst s0  }
0x9: {  	[smem:$0x3FA6] =	sst s1  }
0xa: {  	[smem:$0x3FA7] =	sst s2  }
0xb: {  	[smem:$0x3FA8] =	sst s3  }
0xc: {  	[smem:$0x3FA9] =	sst s4  }
0xd: {  	[smem:$0x3FAA] =	sst s5  }
0xe: {  	[smem:$0x3FAB] =	sst s6  }
0xf: {  	[smem:$0x3FAC] =	sst s7  }
0x10: {  	[smem:$0x3FAD] =	sst s8  }
0x11: {  	[smem:$0x3FAE] =	sst s9;
	s0 =	simm.s32 @!p0 $0x0  }
0x12: {  	s1 =	sld [smem:$0x3F94];
	s0 =	simm.s32 @p0 $0x1  }
0x13: {  	[smem:$0x3FAF] =	sst s0;
	s0 =	simm.s32 @!p1 $0x0  }
0x14: {  	s2 =	sld [smem:$0x3F93];
	s0 =	simm.s32 @p1 $0x1  }
0x15: {  	[smem:$0x3FB0] =	sst s0;
	s0 =	simm.s32 @!p2 $0x0  }
0x16: {  	s3 =	sld [smem:$0x3FDB];
	s0 =	simm.s32 @p2 $0x1  }
0x17: {  	s4 =	simm.s32 $0x1BF5;
	[smem:$0x3FB2] =	sst s0  }
0x18: {  	s0 =	sld [smem:$0x3F95];
	_ =	swait.ge [sflag:s4], $0x0  }
0x19: {  	s7 =	sld [smem:$0x3F96]  }
0x1a: {  	s8 =	sadd.s32 $0xFFFFE003, lr  }
0x1b: {  	s9 =	sadd.s32 $0xFFFFFEF7, lr;
	s5 =	simm.s32 $0xFFFFFFFF;
	p2 =	slt.u32 s8, $0xFFFFF086  }
0x1c: {  	p1 =	slt.u32 s9, $0xF7A;
	s5 =	simm.s32 @!p2 $0x0  }
0x1d: {  	s5 =	simm.s32 @p1 $0x1;
	p0 =	seq.s32 s7, s2  }
0x1e: {  	s7 =	smul.u32 @!p0 $0xF7A, s2;
	p2 =	seq.s32 @!p0 s5, $0x0  }
0x1f: {  	s9 =	smul.u32 $0xF7A, s1;
	s8 =	simm.s32 @!p0 $0x1BF5;
	p2 =	por !p2, p0  }
0x20: {  	[sflag:s8] =	ssyncset.s32 @!p0 $0xFFFFF086;
	s6 =	sadd.s32 @!p0 s3, s7;
	s7 =	simm.s32 @!p0 $0x108  }
0x21: {  	s3 =	sadd.s32 s3, s9;
	s6 =	sadd.s32 @!p0 $0x88, s6;
	s7 =	simm.s32 @p2 $0x1082  }
0x22: {  	[simem:s7], [sflag:s8] =	dma.local @!p0 [hbm:s6], $0xF7A  }
0x23: {  	s9 =	sor.u32 $0xD0000000, s2;
	s6 =	simm.s32 $0x108;
	_ =	swait.ge @!p0 [sflag:s8], $0x0  }
0x24: {  	s3 =	sadd.s32 $0x88, s3;
	s6 =	simm.s32 @!p1 $0x1082;
	[sflag:s4] =	ssyncset.s32 $0xFFFFF086  }
0x25: {  	[simem:s6], [sflag:s4] =	dma.local [hbm:s3], $0xF7A  }
0x26: {  	[smem:$0x3F96] =	sst s1;
	(tag) =	ssettag s2;
	_ =	strace s9  }
0x27: {  	s1 =	sld [smem:$0x3FA6]  }
0x28: {  	s2 =	sld [smem:$0x3FA7]  }
0x29: {  	s4 =	sld [smem:$0x3FA9]  }
0x2a: {  	p0 =	seq.s32 s5, $0x0;
	s5 =	sld [smem:$0x3FAA]  }
0x2b: {  	s6 =	sld [smem:$0x3FAB]  }
0x2c: {  	s7 =	sld [smem:$0x3FAC]  }
0x2d: {  	s3 =	simm.s32 $0x108;
	s8 =	sld [smem:$0x3FAD]  }
0x2e: {  	s3 =	simm.s32 @!p0 $0x1082;
	s9 =	sld [smem:$0x3FAE]  }
0x2f: {  	lr =	sadd.s32 s0, s3;
	s0 =	sld [smem:$0x3FA5]  }
0x30: {  	s3 =	sld [smem:$0x3FA8]  }
0x31: {  	[smem:$0x3FB1] =	sst s10  }
0x32: {  	s10 =	sld [smem:$0x3FAF];
	_ =	sdelay $0x3  }
0x33: {  	p0 =	seq.s32 s10, $0x1;
	s10 =	sld [smem:$0x3FB1];
	_ =	sdelay $0x3  }
0x34: {  	[smem:$0x3FB1] =	sst s10  }
0x35: {  	s10 =	sld [smem:$0x3FB0];
	_ =	sdelay $0x3  }
0x36: {  	p1 =	seq.s32 s10, $0x1;
	s10 =	sld [smem:$0x3FB1];
	_ =	sdelay $0x3  }
0x37: {  	[smem:$0x3FB1] =	sst s10  }
0x38: {  	s10 =	sld [smem:$0x3FB2]  }
0x39: {  	_ = 	snop;
	(pc) =	sbr.ind lr, $3  }
0x3a: {  	_ = 	snop  }
0x3b: {  	_ = 	snop  }
0x3c: {  	p2 =	seq.s32 s10, $0x1;
	s10 =	sld [smem:$0x3FB1]  }
0x3d: {  	_ =	shalt  }
0x3e: {  	_ =	shalt  }
0x3f: {  	_ =	shalt  }
0x40: {  	_ =	shalt  }
0x41: {  	_ =	shalt  }
0x42: {  	_ =	shalt  }
0x43: {  	_ =	shalt  }
0x44: {  	_ =	shalt  }
0x45: {  	_ =	shalt  }
0x46: {  	_ =	shalt  }
0x47: {  	_ =	shalt  }
0x48: {  	_ =	shalt  }
0x49: {  	_ =	shalt  }
0x4a: {  	_ =	shalt  }
0x4b: {  	_ =	shalt  }
0x4c: {  	_ =	shalt  }
0x4d: {  	_ =	shalt  }
0x4e: {  	_ =	shalt  }
0x4f: {  	_ =	shalt  }
0x50: {  	_ =	shalt  }
0x51: {  	_ =	shalt  }
0x52: {  	_ =	shalt  }
0x53: {  	_ =	shalt  }
0x54: {  	_ =	shalt  }
0x55: {  	_ =	shalt  }
0x56: {  	_ =	shalt  }
0x57: {  	_ =	shalt  }
0x58: {  	_ =	shalt  }
0x59: {  	_ =	shalt  }
0x5a: {  	_ =	shalt  }
0x5b: {  	_ =	shalt  }
0x5c: {  	_ =	shalt  }
0x5d: {  	_ =	shalt  }
0x5e: {  	_ =	shalt  }
0x5f: {  	_ =	shalt  }
0x60: {  	_ =	shalt  }
0x61: {  	_ =	shalt  }
0x62: {  	_ =	shalt  }
0x63: {  	_ =	shalt  }
0x64: {  	_ =	shalt  }
0x65: {  	_ =	shalt  }
0x66: {  	_ =	shalt  }
0x67: {  	_ =	shalt  }
0x68: {  	_ =	shalt  }
0x69: {  	_ =	shalt  }
0x6a: {  	_ =	shalt  }
0x6b: {  	_ =	shalt  }
0x6c: {  	_ =	shalt  }
0x6d: {  	_ =	shalt  }
0x6e: {  	_ =	shalt  }
0x6f: {  	_ =	shalt  }
0x70: {  	_ =	shalt  }
0x71: {  	_ =	shalt  }
0x72: {  	_ =	shalt  }
0x73: {  	_ =	shalt  }
0x74: {  	_ =	shalt  }
0x75: {  	_ =	shalt  }
0x76: {  	_ =	shalt  }
0x77: {  	_ =	shalt  }
0x78: {  	_ =	shalt  }
0x79: {  	_ =	shalt  }
0x7a: {  	_ =	shalt  }
0x7b: {  	_ =	shalt  }
0x7c: {  	_ =	shalt  }
0x7d: {  	_ =	shalt  }
0x7e: {  	_ =	shalt  }
0x7f: {  	_ =	shalt  }
0x80: {  	_ =	shalt  }
0x81: {  	_ =	shalt  }
0x82: {  	_ =	shalt  }
0x83: {  	_ =	shalt  }
0x84: {  	_ =	shalt  }
0x85: {  	_ =	shalt  }
0x86: {  	_ =	shalt  }
0x87: {  	_ =	shalt  }
.Lfunc_end0:
.L_simem_size_0:
called_computation_lowered:
.L_overlay_start_0:
0x88: {  	s2 =	sld [smem:$0x3FD9]  }
0x89: {  	s3 =	sld [smem:$0x3FFE];
	_ =	sdelay $0x1  }
0x8a: {  	s1 =	srdreg.scid  }
0x8b: {  	s0 =	sand.u32 $0x1, s1  }
0x8c: {  	s17 =	sshll.u32 s0, $0xA;
	s2 =	sadd.s32 s3, s2  }
0x8d: {  	s2 =	sadd.s32 s2, s17  }
0x8e: {  	[smem:$0x3FBD] =	sst s2  }
0x8f: {  	_ = 	snop  }
0x90: {  	s2 =	sld [smem:$0x3FD0];
	(tm) =	ssettm $0x1  }
0x91: {  	s18 =	sld [smem:$0x3FFB];
	_ =	sdelay $0x3  }
0x92: {  	_ =	strace s18  }
0x93: {  	s3 =	sld [smem:$0x3FFC];
	_ =	sdelay $0x3  }
0x94: {  	_ =	strace s3  }
0x95: {  	s3 =	sld [smem:$0x3FFD];
	_ =	sdelay $0x3  }
0x96: {  	_ =	strace s3  }
0x97: {  	_ =	strace $0x8FFFFFFF  }
0x98: {  	s19 =	sld [smem:$0x3FDB];
	_ =	sdelay $0x1  }
0x99: {  	s4 =	simm.s32 $_scs_section_size  }
0x9a: {  	s5 =	simm.s32 $_size__tile_overlayer_lowered;
	s6 =	simm.s32 $_tile_overlayer_lowered  }
0x9b: {  	s22 =	simm.s32 $0x1BFF;
	s21 =	sshll.u32 s6, $0x1;
	s3 =	sadd.s32 s4, s19  }
0x9c: {  	s7 =	simm.s32 $0x0;
	s20 =	sshll.u32 s5, $0x1;
	s5 =	sadd.s32 s21, s3  }
0x9d: {  	[timem:s7], [sflag:s22] =	dma.local [hbm:s5], s20  }
0x9e: {  	_ =	swait.ge [sflag:s22], s20  }
0x9f: {  	s4 =	ssub.s32 $0x0, s20;
	[sflag:s22] =	ssyncset.done $0x0  }
0xa0: {  	[sflag:s22] =	ssyncadd.s32 s4;
	_ =	sdelay $0x1  }
0xa1: {  	s23 =	simm.s32 $0x1B8B  }
0xa2: {  	_ =	swait.ge [sflag:s23], $0x1  }
0xa3: {  	[sflag:s23] =	ssyncset.done $0x0  }
0xa4: {  	s25 =	simm.s32 $0x1B8E;
	s24 =	sld [smem:$0x3FFE];
	[sflag:s23] =	ssyncadd.s32 $0xFFFFFFFF  }
0xa5: {  	s26 =	simm.s32 $execute0_lowered;
	[smem:$0x3FD2] =	sst s25  }
0xa6: {  	s5 =	sshll.u32 s26, $0x1;
	_ =	strace $0x80000046;
	[dreg:$0x1] =	wrdreg $0xFFFFFFFF  }
0xa7: {  	s28 =	simm.s32 $_size_execute0_lowered;
	s3 =	sadd.s32 s3, s5;
	[dreg:$0x0] =	wrdreg $0x0  }
0xa8: {  	s5 =	sshll.u32 s28, $0x1;
	[dreg:$0x2] =	wrdreg s3  }
0xa9: {  	[dreg:$0x3] =	wrdreg s5  }
0xaa: {  	[dreg:$0x4] =	wrdreg $0xC0  }
0xab: {  	_ =	task [dreg:s7], $0x5FFFF  }
0xac: {  	[dreg:$0x1] =	wrdreg $0xFFFFFFFF  }
0xad: {  	[dreg:$0x0] =	wrdreg $0x60  }
0xae: {  	[dreg:$0x2] =	wrdreg s24  }
0xaf: {  	[dreg:$0x3] =	wrdreg s2  }
0xb0: {  	[dreg:$0x4] =	wrdreg $0x32000  }
0xb1: {  	[dreg:$0x5] =	wrdreg $0x9  }
0xb2: {  	_ =	task.clear_ibuf [dreg:s7], $0x6FFFF;
	_ =	strace $0x90000046  }
0xb3: {  	s29 =	simm.s32 $0x9;
	_ =	strace $0x80000048  }
0xb4: {  	_ =	swait.ge [sflag:s29], $0x1  }
0xb5: {  	[sflag:s29] =	ssyncadd.s32 $0xFFFFFFFF  }
0xb6: {  	_ =	strace $0x90000048  }
0xb7: {  	_ =	sfence  }
0xb8: {  	s30 =	sld [smem:$0x0];
	_ =	sdelay $0x2  }
0xb9: {  	s31 =	sshll.u32 s1, $0xD;
	s1 =	sshrl.u32 s1, $0x2  }
0xba: {  	s3 =	sand.u32 $0x4000, s31;
	s1 =	sadd.s32 s1, s30  }
0xbb: {  	s0 =	sor.u32 s3, s0;
	s1 =	sshll.u32 s1, $0x11  }
0xbc: {  	s0 =	sor.u32 s1, s0  }
0xbd: {  	s0 =	sadd.s32 $0x8F2B, s0  }
0xbe: {  	[sflag:s0] =	ssyncadd.remote.s32 $0x1  }
0xbf: {  	_ =	sfence.sel $0xFFFF  }
0xc0: {  	[dreg:$0x0] =	wrdreg $0xFFFFFFFF;
	(pc) =	sbr.abs _section_cstart, $3  }
0xc1: {  	[dreg:$0x1] =	wrdreg $0xFFFFFFFF  }
0xc2: {  	_ =	task.clear_ibuf [dreg:s7], $0x2FFFF;
	_ =	strace $0x9FFFFFFF  }
0xc3: {  	(tm) =	ssettm $0x7FFFFFFF  }
tec
execute0_lowered:
.L_overlay_start_1:
0x0: {  	(tag) =	ssettag $0x1  }
0x1: {  	s4 =	rddreg [dreg:$0x0]  }
0x2: {  	s7 =	rddreg [dreg:$0x1]  }
0x3: {  	s1 =	rddreg [dreg:$0x2]  }
0x4: {  	s2 =	srdreg.scid;
	s0 =	rddreg [dreg:$0x3]  }
0x5: {  	s3 =	simm.s32 $0x0;
	s12 =	simm.s32 $0x2800;
	s13 =	simm.s32 $0x1400  }
0x6: {  	s14 =	simm.s32 $0x1E00;
	s15 =	simm.s32 $0x1;
	s16 =	simm.s32 $0x0  }
0x7: {  	s5 =	sand.u32 $0x1, s2;
	s2 =	stileid.u32;
	[smem:$0x7FF] =	sst s3  }
0x8: {  	s6 =	sshll.u32 s5, $0x4;
	s8 =	smul.u32 $0x280, s2;
	_ =	strace $0x80000047  }
0x9: {  	s10 =	ssub.s32 $0x2, s5;
	s5 =	smul.u32 $0x2800, s5;
	s6 =	sor.u32 s2, s6  }
0xa: {  	s31 =	sshll.u32 s2, $0x6;
	s29 =	sshrl.u32 s10, $0x1;
	s6 =	smul.u32 $0x500, s6  }
0xb: {  	s9 =	sshrl.u32 s8, $0x3;
	s30 =	sadd.s32 s8, s1;
	s5 =	sadd.s32 s8, s5  }
0xc: {  	s11 =	sshrl.u32 s5, $0x3;
	s5 =	sor.u32 $0x1C02, s31;
	s6 =	sadd.s32 s6, s4  }
0xd: {  	s4 =	sadd.s32 s9, s4;
	s9 =	ssub.s32 s10, s29;
	s7 =	sadd.s32 s7, s11  }
0xe: {  	s10 =	simm.s32 $0x2;
	s11 =	simm.s32 $0xA00;
	s4 =	sadd.s32 $0xC200, s4  }
0xf: {  	v0 =	vimm.f32 $1.000000000e+00;
	s6 =	sadd.s32 $0x2200, s6;
	s8 =	smax.u32 s9, $0x1;
	s9 =	sshrl.u32 s30, $0x3  }
.LBB2_1:
0x10: {  	[spmem:s9], [sflag:s5] =	dma.local [hbm:s4], $0x50  }
0x11: {  	_ =	swait.ge [sflag:s10], $0x50  }
0x12: {  	[sflag:s10] =	ssyncset.done $0x0  }
0x13: {  	s17 =	simm.s32 $0x40;
	s18 =	simm.s32 $0x0;
	[sflag:s10] =	ssyncadd.s32 $0xFFFFFFB0  }
.LBB2_2:
0x14: {  	p0 =	sne.s32 s17, $0x27C0;
	[tilespmem:s18+$0x2800] =	vst v0;
	s18 =	smov.u32 s17;
	s17 =	sadd.s32 $0x40, s17  }
.Ltmp0:
0x15: {  	(pc) =	sbr.rel @p0 .LBB2_2-.Ltmp0, $2  }
0x16: {  	_ =	sdelay $0x2  }
0x17: {  	s18 =	sshra.s32 s18, $0x2  }
0x18: {  	[tilespmem:s18+$0x2800] =	vst v0  }
0x19: {  	[tilespmem:s3], [sflag:$0x2] =	stream.linear.gather [hbm4b:s6+s3], $0x2800, $0x38;
	[tilespmem:$0x3480] =	vst v63  }
0x1a: {  	_ =	swait.ge [sflag:s10], $0x2800  }
0x1b: {  	[sflag:s10] =	ssyncset.done $0x0  }
0x1c: {  	[sflag:s10] =	ssyncadd.s32 $0xFFFFD800  }
0x1d: {  	[bflag:$0x0] =	sbarrier.arrive $0xFFFF  }
0x1e: {  	[spmem:s1] =	stream.indirect.scatter.add.f32 [tilespmem:s12], [sflag:$0x1], $0x1, s3, s11, $0xb8;
	[tilespmem:$0x3480] =	vst v63  }
0x1f: {  	_ = 	snop  }
0x20: {  	[spmem:s1] =	stream.indirect.scatter.add.f32 [tilespmem:s12], [sflag:$0x1], $0x1, s11, s11, $0xb8;
	[tilespmem:$0x3480] =	vst v63  }
0x21: {  	_ = 	snop  }
0x22: {  	[spmem:s1] =	stream.indirect.scatter.add.f32 [tilespmem:s12], [sflag:$0x1], $0x1, s13, s11, $0xb8;
	[tilespmem:$0x3480] =	vst v63  }
0x23: {  	_ = 	snop  }
0x24: {  	[spmem:s1] =	stream.indirect.scatter.add.f32 [tilespmem:s12], [sflag:$0x1], $0x1, s14, s11, $0xb8;
	[tilespmem:$0x3480] =	vst v63  }
0x25: {  	_ =	swait.ge [sflag:s15], $0xA00  }
0x26: {  	[sflag:s15] =	ssyncset.done $0x0  }
0x27: {  	[sflag:s15] =	ssyncadd.s32 $0xFFFFF600  }
0x28: {  	_ =	swait.ge [sflag:s15], $0xA00  }
0x29: {  	[sflag:s15] =	ssyncset.done $0x0  }
0x2a: {  	[sflag:s15] =	ssyncadd.s32 $0xFFFFF600  }
0x2b: {  	_ =	swait.ge [sflag:s15], $0xA00  }
0x2c: {  	[sflag:s15] =	ssyncset.done $0x0  }
0x2d: {  	[sflag:s15] =	ssyncadd.s32 $0xFFFFF600  }
0x2e: {  	_ =	swait.ge [sflag:s15], $0xA00  }
0x2f: {  	s16 =	sadd.s32 $0x1, s16;
	[sflag:s15] =	ssyncset.done $0x0  }
0x30: {  	p0 =	sne.s32 s16, s8;
	[sflag:s15] =	ssyncadd.s32 $0xFFFFF600  }
.Ltmp1:
0x31: {  	[bflag:$0x0] =	sbarrier.arrive $0xFFFF;
	(pc) =	sbr.rel @p0 .LBB2_1-.Ltmp1, $4  }
0x32: {  	[hbm:s7], [sflag:s5] =	dma.local [spmem:s9], $0x50  }
0x33: {  	_ =	swait.ge [sflag:s10], $0x50  }
0x34: {  	[sflag:s10] =	ssyncset.done $0x0  }
0x35: {  	[sflag:s10] =	ssyncadd.s32 $0xFFFFFFB0  }
0x36: {  	_ =	sfence.sel $0x180000  }
0x37: {  	[bflag:$0x0] =	sbarrier.arrive $0xFFFF  }
0x38: {  	p0 =	sne.s32 s2, $0x0;
	_ =	strace $0x90000047  }
0x39: {  	s0 =	sadd.s32 @!p0 $0x100000, s0;
	[bflag:$0x2] =	sbarrier.arrive $0xFFFF  }
0x3a: {  	[sflag:s0] =	ssyncadd.tile.s32 @!p0 $0x1;
	_ =	shalt  }
.Lfunc_end2:
_tile_overlayer_lowered:
.L_overlay_start_2:
0x3b: {  	(tag) =	ssettag $0x2  }
0x3c: {  	s0 =	rddreg [dreg:$0x0];
	s2 =	stileid.u32  }
0x3d: {  	s1 =	rddreg [dreg:$0x1];
	p0 =	sne.s32 s2, $0x0  }
0x3e: {  	s3 =	rddreg [dreg:$0x2];
	[bflag:$0x3] =	sbarrier.arrive $0xFFFF;
	s2 =	simm.s32 @!p0 $0x1C02  }
0x3f: {  	[timem:s3], [sflag:s2] =	dma.local @!p0 [hbm:s0], s1  }
0x40: {  	s0 =	simm.s32 @!p0 $0x2  }
0x41: {  	_ =	swait.ge @!p0 [sflag:s0], s1  }
0x42: {  	s1 =	ssub.s32 @!p0 $0x0, s1;
	[sflag:s0] =	ssyncset.done @!p0 $0x0  }
0x43: {  	[sflag:s0] =	ssyncadd.s32 @!p0 s1  }
0x44: {  	[bflag:$0x3] =	sbarrier.arrive $0xFFFF  }
0x45: {  	_ =	shalt  }

// kernel: kernel.13.cloned.1.call-start
scs
__scs_entry_jumppad:
0x0: {  	(pc) =	sbr.rel $0x88, $3  }
0x1: {  	(tag) =	ssettag $0x0;
	lr =	simm.s32 $0x1  }
0x2: {  	[smem:$0x3F96] =	sst lr;
	_ =	strace $0xD0000000  }
0x3: {  	_ = 	snop  }
0x4: {  	_ = 	snop  }
0x5: {  	_ = 	snop  }
0x6: {  	_ = 	snop  }
0x7: {  	_ = 	snop  }
__scs_overlays_trampoline_lowered:
0x8: {  	[smem:$0x3FA5] =	sst s0  }
0x9: {  	[smem:$0x3FA6] =	sst s1  }
0xa: {  	[smem:$0x3FA7] =	sst s2  }
0xb: {  	[smem:$0x3FA8] =	sst s3  }
0xc: {  	[smem:$0x3FA9] =	sst s4  }
0xd: {  	[smem:$0x3FAA] =	sst s5  }
0xe: {  	[smem:$0x3FAB] =	sst s6  }
0xf: {  	[smem:$0x3FAC] =	sst s7  }
0x10: {  	[smem:$0x3FAD] =	sst s8  }
0x11: {  	[smem:$0x3FAE] =	sst s9;
	s0 =	simm.s32 @!p0 $0x0  }
0x12: {  	s1 =	sld [smem:$0x3F94];
	s0 =	simm.s32 @p0 $0x1  }
0x13: {  	[smem:$0x3FAF] =	sst s0;
	s0 =	simm.s32 @!p1 $0x0  }
0x14: {  	s2 =	sld [smem:$0x3F93];
	s0 =	simm.s32 @p1 $0x1  }
0x15: {  	[smem:$0x3FB0] =	sst s0;
	s0 =	simm.s32 @!p2 $0x0  }
0x16: {  	s3 =	sld [smem:$0x3FDB];
	s0 =	simm.s32 @p2 $0x1  }
0x17: {  	s4 =	simm.s32 $0x1BF5;
	[smem:$0x3FB2] =	sst s0  }
0x18: {  	s0 =	sld [smem:$0x3F95];
	_ =	swait.ge [sflag:s4], $0x0  }
0x19: {  	s7 =	sld [smem:$0x3F96]  }
0x1a: {  	s8 =	sadd.s32 $0xFFFFE003, lr  }
0x1b: {  	s9 =	sadd.s32 $0xFFFFFEF7, lr;
	s5 =	simm.s32 $0xFFFFFFFF;
	p2 =	slt.u32 s8, $0xFFFFF086  }
0x1c: {  	p1 =	slt.u32 s9, $0xF7A;
	s5 =	simm.s32 @!p2 $0x0  }
0x1d: {  	s5 =	simm.s32 @p1 $0x1;
	p0 =	seq.s32 s7, s2  }
0x1e: {  	s7 =	smul.u32 @!p0 $0xF7A, s2;
	p2 =	seq.s32 @!p0 s5, $0x0  }
0x1f: {  	s9 =	smul.u32 $0xF7A, s1;
	s8 =	simm.s32 @!p0 $0x1BF5;
	p2 =	por !p2, p0  }
0x20: {  	[sflag:s8] =	ssyncset.s32 @!p0 $0xFFFFF086;
	s6 =	sadd.s32 @!p0 s3, s7;
	s7 =	simm.s32 @!p0 $0x108  }
0x21: {  	s3 =	sadd.s32 s3, s9;
	s6 =	sadd.s32 @!p0 $0x88, s6;
	s7 =	simm.s32 @p2 $0x1082  }
0x22: {  	[simem:s7], [sflag:s8] =	dma.local @!p0 [hbm:s6], $0xF7A  }
0x23: {  	s9 =	sor.u32 $0xD0000000, s2;
	s6 =	simm.s32 $0x108;
	_ =	swait.ge @!p0 [sflag:s8], $0x0  }
0x24: {  	s3 =	sadd.s32 $0x88, s3;
	s6 =	simm.s32 @!p1 $0x1082;
	[sflag:s4] =	ssyncset.s32 $0xFFFFF086  }
0x25: {  	[simem:s6], [sflag:s4] =	dma.local [hbm:s3], $0xF7A  }
0x26: {  	[smem:$0x3F96] =	sst s1;
	(tag) =	ssettag s2;
	_ =	strace s9  }
0x27: {  	s1 =	sld [smem:$0x3FA6]  }
0x28: {  	s2 =	sld [smem:$0x3FA7]  }
0x29: {  	s4 =	sld [smem:$0x3FA9]  }
0x2a: {  	p0 =	seq.s32 s5, $0x0;
	s5 =	sld [smem:$0x3FAA]  }
0x2b: {  	s6 =	sld [smem:$0x3FAB]  }
0x2c: {  	s7 =	sld [smem:$0x3FAC]  }
0x2d: {  	s3 =	simm.s32 $0x108;
	s8 =	sld [smem:$0x3FAD]  }
0x2e: {  	s3 =	simm.s32 @!p0 $0x1082;
	s9 =	sld [smem:$0x3FAE]  }
0x2f: {  	lr =	sadd.s32 s0, s3;
	s0 =	sld [smem:$0x3FA5]  }
0x30: {  	s3 =	sld [smem:$0x3FA8]  }
0x31: {  	[smem:$0x3FB1] =	sst s10  }
0x32: {  	s10 =	sld [smem:$0x3FAF];
	_ =	sdelay $0x3  }
0x33: {  	p0 =	seq.s32 s10, $0x1;
	s10 =	sld [smem:$0x3FB1];
	_ =	sdelay $0x3  }
0x34: {  	[smem:$0x3FB1] =	sst s10  }
0x35: {  	s10 =	sld [smem:$0x3FB0];
	_ =	sdelay $0x3  }
0x36: {  	p1 =	seq.s32 s10, $0x1;
	s10 =	sld [smem:$0x3FB1];
	_ =	sdelay $0x3  }
0x37: {  	[smem:$0x3FB1] =	sst s10  }
0x38: {  	s10 =	sld [smem:$0x3FB2]  }
0x39: {  	_ = 	snop;
	(pc) =	sbr.ind lr, $3  }
0x3a: {  	_ = 	snop  }
0x3b: {  	_ = 	snop  }
0x3c: {  	p2 =	seq.s32 s10, $0x1;
	s10 =	sld [smem:$0x3FB1]  }
0x3d: {  	_ =	shalt  }
0x3e: {  	_ =	shalt  }
0x3f: {  	_ =	shalt  }
0x40: {  	_ =	shalt  }
0x41: {  	_ =	shalt  }
0x42: {  	_ =	shalt  }
0x43: {  	_ =	shalt  }
0x44: {  	_ =	shalt  }
0x45: {  	_ =	shalt  }
0x46: {  	_ =	shalt  }
0x47: {  	_ =	shalt  }
0x48: {  	_ =	shalt  }
0x49: {  	_ =	shalt  }
0x4a: {  	_ =	shalt  }
0x4b: {  	_ =	shalt  }
0x4c: {  	_ =	shalt  }
0x4d: {  	_ =	shalt  }
0x4e: {  	_ =	shalt  }
0x4f: {  	_ =	shalt  }
0x50: {  	_ =	shalt  }
0x51: {  	_ =	shalt  }
0x52: {  	_ =	shalt  }
0x53: {  	_ =	shalt  }
0x54: {  	_ =	shalt  }
0x55: {  	_ =	shalt  }
0x56: {  	_ =	shalt  }
0x57: {  	_ =	shalt  }
0x58: {  	_ =	shalt  }
0x59: {  	_ =	shalt  }
0x5a: {  	_ =	shalt  }
0x5b: {  	_ =	shalt  }
0x5c: {  	_ =	shalt  }
0x5d: {  	_ =	shalt  }
0x5e: {  	_ =	shalt  }
0x5f: {  	_ =	shalt  }
0x60: {  	_ =	shalt  }
0x61: {  	_ =	shalt  }
0x62: {  	_ =	shalt  }
0x63: {  	_ =	shalt  }
0x64: {  	_ =	shalt  }
0x65: {  	_ =	shalt  }
0x66: {  	_ =	shalt  }
0x67: {  	_ =	shalt  }
0x68: {  	_ =	shalt  }
0x69: {  	_ =	shalt  }
0x6a: {  	_ =	shalt  }
0x6b: {  	_ =	shalt  }
0x6c: {  	_ =	shalt  }
0x6d: {  	_ =	shalt  }
0x6e: {  	_ =	shalt  }
0x6f: {  	_ =	shalt  }
0x70: {  	_ =	shalt  }
0x71: {  	_ =	shalt  }
0x72: {  	_ =	shalt  }
0x73: {  	_ =	shalt  }
0x74: {  	_ =	shalt  }
0x75: {  	_ =	shalt  }
0x76: {  	_ =	shalt  }
0x77: {  	_ =	shalt  }
0x78: {  	_ =	shalt  }
0x79: {  	_ =	shalt  }
0x7a: {  	_ =	shalt  }
0x7b: {  	_ =	shalt  }
0x7c: {  	_ =	shalt  }
0x7d: {  	_ =	shalt  }
0x7e: {  	_ =	shalt  }
0x7f: {  	_ =	shalt  }
0x80: {  	_ =	shalt  }
0x81: {  	_ =	shalt  }
0x82: {  	_ =	shalt  }
0x83: {  	_ =	shalt  }
0x84: {  	_ =	shalt  }
0x85: {  	_ =	shalt  }
0x86: {  	_ =	shalt  }
0x87: {  	_ =	shalt  }
.Lfunc_end0:
.L_simem_size_0:
called_computation.1_lowered:
.L_overlay_start_0:
0x88: {  	s2 =	sld [smem:$0x3FD9]  }
0x89: {  	s3 =	sld [smem:$0x3FFE];
	_ =	sdelay $0x1  }
0x8a: {  	s1 =	srdreg.scid  }
0x8b: {  	s0 =	sand.u32 $0x1, s1  }
0x8c: {  	s17 =	sshll.u32 s0, $0xA;
	s2 =	sadd.s32 s3, s2  }
0x8d: {  	s2 =	sadd.s32 s2, s17  }
0x8e: {  	[smem:$0x3FBD] =	sst s2  }
0x8f: {  	_ = 	snop  }
0x90: {  	s2 =	sld [smem:$0x3FD0];
	(tm) =	ssettm $0x1  }
0x91: {  	s18 =	sld [smem:$0x3FFB];
	_ =	sdelay $0x3  }
0x92: {  	_ =	strace s18  }
0x93: {  	s3 =	sld [smem:$0x3FFC];
	_ =	sdelay $0x3  }
0x94: {  	_ =	strace s3  }
0x95: {  	s3 =	sld [smem:$0x3FFD];
	_ =	sdelay $0x3  }
0x96: {  	_ =	strace s3  }
0x97: {  	_ =	strace $0x8FFFFFFF  }
0x98: {  	s19 =	sld [smem:$0x3FDB];
	_ =	sdelay $0x1  }
0x99: {  	s4 =	simm.s32 $_scs_section_size  }
0x9a: {  	s5 =	simm.s32 $_size__tile_overlayer_lowered;
	s6 =	simm.s32 $_tile_overlayer_lowered  }
0x9b: {  	s22 =	simm.s32 $0x1BFF;
	s21 =	sshll.u32 s6, $0x1;
	s3 =	sadd.s32 s4, s19  }
0x9c: {  	s7 =	simm.s32 $0x0;
	s20 =	sshll.u32 s5, $0x1;
	s5 =	sadd.s32 s21, s3  }
0x9d: {  	[timem:s7], [sflag:s22] =	dma.local [hbm:s5], s20  }
0x9e: {  	_ =	swait.ge [sflag:s22], s20  }
0x9f: {  	s4 =	ssub.s32 $0x0, s20;
	[sflag:s22] =	ssyncset.done $0x0  }
0xa0: {  	[sflag:s22] =	ssyncadd.s32 s4;
	_ =	sdelay $0x1  }
0xa1: {  	s23 =	simm.s32 $0x1B8B  }
0xa2: {  	_ =	swait.ge [sflag:s23], $0x1  }
0xa3: {  	[sflag:s23] =	ssyncset.done $0x0  }
0xa4: {  	s25 =	simm.s32 $0x1B8E;
	s24 =	sld [smem:$0x3FFE];
	[sflag:s23] =	ssyncadd.s32 $0xFFFFFFFF  }
0xa5: {  	s26 =	simm.s32 $execute0_lowered;
	[smem:$0x3FD2] =	sst s25  }
0xa6: {  	s5 =	sshll.u32 s26, $0x1;
	_ =	strace $0x80000049;
	[dreg:$0x1] =	wrdreg $0xFFFFFFFF  }
0xa7: {  	s28 =	simm.s32 $_size_execute0_lowered;
	s3 =	sadd.s32 s3, s5;
	[dreg:$0x0] =	wrdreg $0x0  }
0xa8: {  	s5 =	sshll.u32 s28, $0x1;
	[dreg:$0x2] =	wrdreg s3  }
0xa9: {  	[dreg:$0x3] =	wrdreg s5  }
0xaa: {  	[dreg:$0x4] =	wrdreg $0xC0  }
0xab: {  	_ =	task [dreg:s7], $0x5FFFF  }
0xac: {  	[dreg:$0x1] =	wrdreg $0xFFFFFFFF  }
0xad: {  	[dreg:$0x0] =	wrdreg $0x60  }
0xae: {  	[dreg:$0x2] =	wrdreg s24  }
0xaf: {  	[dreg:$0x3] =	wrdreg s2  }
0xb0: {  	[dreg:$0x4] =	wrdreg $0x190000  }
0xb1: {  	[dreg:$0x5] =	wrdreg $0x1B8000  }
0xb2: {  	[dreg:$0x6] =	wrdreg $0x9  }
0xb3: {  	_ =	task.clear_ibuf [dreg:s7], $0x7FFFF;
	_ =	strace $0x90000049  }
0xb4: {  	s29 =	simm.s32 $0x9;
	_ =	strace $0x8000004B  }
0xb5: {  	_ =	swait.ge [sflag:s29], $0x1  }
0xb6: {  	[sflag:s29] =	ssyncadd.s32 $0xFFFFFFFF  }
0xb7: {  	_ =	strace $0x9000004B  }
0xb8: {  	_ =	sfence  }
0xb9: {  	s30 =	sld [smem:$0x0];
	_ =	sdelay $0x2  }
0xba: {  	s31 =	sshll.u32 s1, $0xD;
	s1 =	sshrl.u32 s1, $0x2  }
0xbb: {  	s3 =	sand.u32 $0x4000, s31;
	s1 =	sadd.s32 s1, s30  }
0xbc: {  	s0 =	sor.u32 s3, s0;
	s1 =	sshll.u32 s1, $0x11  }
0xbd: {  	s0 =	sor.u32 s1, s0  }
0xbe: {  	s0 =	sadd.s32 $0x8F2B, s0  }
0xbf: {  	[sflag:s0] =	ssyncadd.remote.s32 $0x1  }
0xc0: {  	_ =	sfence.sel $0xFFFF  }
0xc1: {  	[dreg:$0x0] =	wrdreg $0xFFFFFFFF;
	(pc) =	sbr.abs _section_cstart, $3  }
0xc2: {  	[dreg:$0x1] =	wrdreg $0xFFFFFFFF  }
0xc3: {  	_ =	task.clear_ibuf [dreg:s7], $0x2FFFF;
	_ =	strace $0x9FFFFFFF  }
0xc4: {  	(tm) =	ssettm $0x7FFFFFFF  }
0xc5: {  	_ =	shalt  }
tec
execute0_lowered:
.L_overlay_start_1:
0x0: {  	(tag) =	ssettag $0x1  }
0x1: {  	s24 =	rddreg [dreg:$0x0]  }
0x2: {  	s9 =	rddreg [dreg:$0x1]  }
0x3: {  	s2 =	rddreg [dreg:$0x2]  }
0x4: {  	s3 =	rddreg [dreg:$0x3]  }
0x5: {  	s0 =	stileid.u32;
	s1 =	rddreg [dreg:$0x4]  }
0x6: {  	s4 =	simm.s32 $0x0;
	s5 =	srdreg.scid;
	s25 =	smul.u32 $0x2800, s0  }
0x7: {  	[smem:$0x7FF] =	sst s4;
	s26 =	sand.u32 $0x1, s5;
	s6 =	sshll.u32 s0, $0x6  }
0x8: {  	_ =	strace $0x8000004A;
	s11 =	sshll.u32 s26, $0x4;
	s10 =	sshrl.u32 s25, $0x3  }
0x9: {  	s6 =	sor.u32 $0x1C03, s6;
	s7 =	sadd.s32 s25, s2;
	s28 =	sadd.s32 s10, s24  }
0xa: {  	s8 =	sshrl.u32 s7, $0x3;
	s7 =	simm.s32 $0x3;
	s5 =	sadd.s32 $0x16800, s28  }
0xb: {  	[spmem:s8], [sflag:s6] =	dma.local [hbm:s5], $0x500  }
0xc: {  	s11 =	sor.u32 s0, s11;
	_ =	swait.ge [sflag:s7], $0x500  }
0xd: {  	s12 =	sadd.s32 s25, s3;
	s11 =	smul.u32 $0x500, s11;
	[sflag:s7] =	ssyncset.done $0x0  }
0xe: {  	s9 =	sadd.s32 s9, s10;
	s10 =	sshrl.u32 s12, $0x3;
	[sflag:s7] =	ssyncadd.s32 $0xFFFFFB00  }
0xf: {  	[spmem:s10], [sflag:s6] =	dma.local [hbm:s9], $0x500  }
0x10: {  	_ =	swait.ge [sflag:s7], $0x500  }
0x11: {  	s29 =	sadd.s32 s11, s24;
	[sflag:s7] =	ssyncset.done $0x0  }
0x12: {  	s11 =	sadd.s32 $0xC800, s29;
	[sflag:s7] =	ssyncadd.s32 $0xFFFFFB00  }
0x13: {  	[tilespmem:s4], [sflag:$0x3] =	stream.linear.gather [hbm4b:s11+s4], $0x2800, $0x38;
	[tilespmem:$0x1E000] =	vst v63  }
0x14: {  	_ =	swait.ge [sflag:s7], $0x2800  }
0x15: {  	[sflag:s7] =	ssyncset.done $0x0  }
0x16: {  	s13 =	simm.s32 $0x2800;
	s12 =	sadd.s32 $0x2200, s29;
	[sflag:s7] =	ssyncadd.s32 $0xFFFFD800  }
0x17: {  	[tilespmem:s13], [sflag:$0x3] =	stream.linear.gather [hbm4b:s12+s4], $0x2800, $0x38;
	[tilespmem:$0x1E000] =	vst v63  }
0x18: {  	_ =	swait.ge [sflag:s7], $0x2800  }
0x19: {  	[sflag:s7] =	ssyncset.done $0x0  }
0x1a: {  	[sflag:s7] =	ssyncadd.s32 $0xFFFFD800  }
0x1b: {  	s14 =	simm.s32 $0xA00;
	s15 =	simm.s32 $0x5000;
	[bflag:$0x0] =	sbarrier.arrive $0xFFFF  }
0x1c: {  	[tilespmem:s15], [sflag:$0x1] =	stream.indirect.gather [spmem:s3], $0x10, s4, s14, $0xb8;
	[tilespmem:$0x1E000] =	vst v63  }
0x1d: {  	s16 =	simm.s32 $0xF000;
	s17 =	simm.s32 $0x1  }
0x1e: {  	[tilespmem:s16], [sflag:$0x1] =	stream.indirect.gather [spmem:s3], $0x10, s14, s14, $0xb8;
	[tilespmem:$0x1E000] =	vst v63  }
0x1f: {  	_ =	swait.ge [sflag:s17], $0xA000  }
0x20: {  	[sflag:s17] =	ssyncset.done $0x0  }
0x21: {  	[sflag:s17] =	ssyncadd.s32 $0xFFFF6000  }
0x22: {  	[spmem:s2] =	stream.indirect.scatter.add.f32 [tilespmem:s15], [sflag:$0x2], $0x10, s13, s14, $0xb8;
	[tilespmem:$0x1E000] =	vst v63  }
0x23: {  	_ =	swait.ge [sflag:s17], $0xA000  }
0x24: {  	[sflag:s17] =	ssyncset.done $0x0  }
0x25: {  	s18 =	simm.s32 $0x3200;
	s19 =	simm.s32 $0x2;
	[sflag:s17] =	ssyncadd.s32 $0xFFFF6000  }
0x26: {  	[spmem:s2] =	stream.indirect.scatter.add.f32 [tilespmem:s16], [sflag:$0x2], $0x10, s18, s14, $0xb8;
	[tilespmem:$0x1E000] =	vst v63  }
0x27: {  	_ =	swait.ge [sflag:s19], $0xA000  }
0x28: {  	[sflag:s19] =	ssyncset.done $0x0  }
0x29: {  	s20 =	simm.s32 $0x1400;
	[sflag:s19] =	ssyncadd.s32 $0xFFFF6000  }
0x2a: {  	[tilespmem:s15], [sflag:$0x1] =	stream.indirect.gather [spmem:s3], $0x10, s20, s14, $0xb8;
	[tilespmem:$0x1E000] =	vst v63  }
0x2b: {  	_ =	swait.ge [sflag:s19], $0xA000  }
0x2c: {  	[sflag:s19] =	ssyncset.done $0x0  }
0x2d: {  	s21 =	simm.s32 $0x1E00;
	[sflag:s19] =	ssyncadd.s32 $0xFFFF6000  }
0x2e: {  	[tilespmem:s16], [sflag:$0x1] =	stream.indirect.gather [spmem:s3], $0x10, s21, s14, $0xb8;
	[tilespmem:$0x1E000] =	vst v63  }
0x2f: {  	_ =	swait.ge [sflag:s17], $0xA000  }
0x30: {  	[sflag:s17] =	ssyncset.done $0x0  }
0x31: {  	s22 =	simm.s32 $0x3C00;
	[sflag:s17] =	ssyncadd.s32 $0xFFFF6000  }
0x32: {  	[spmem:s2] =	stream.indirect.scatter.add.f32 [tilespmem:s15], [sflag:$0x2], $0x10, s22, s14, $0xb8;
	[tilespmem:$0x1E000] =	vst v63  }
0x33: {  	_ =	swait.ge [sflag:s17], $0xA000  }
0x34: {  	[sflag:s17] =	ssyncset.done $0x0  }
0x35: {  	s23 =	simm.s32 $0x4600;
	s28 =	smul.u32 $0x28000, s26;
	[sflag:s17] =	ssyncadd.s32 $0xFFFF6000  }
0x36: {  	[spmem:s2] =	stream.indirect.scatter.add.f32 [tilespmem:s16], [sflag:$0x2], $0x10, s23, s14, $0xb8;
	[tilespmem:$0x1E000] =	vst v63  }
0x37: {  	s26 =	ssub.s32 $0x2, s26;
	_ =	swait.ge [sflag:s19], $0xA000  }
0x38: {  	s30 =	sshrl.u32 s26, $0x1;
	s25 =	sadd.s32 s25, s28;
	[sflag:s19] =	ssyncset.done $0x0  }
0x39: {  	s31 =	ssub.s32 s26, s30;
	s25 =	sshrl.u32 s25, $0x3;
	[sflag:s19] =	ssyncadd.s32 $0xFFFF6000  }
0x3a: {  	s24 =	sadd.s32 s25, s24;
	s25 =	smax.u32 s31, $0x1;
	_ =	swait.ge [sflag:s19], $0xA000  }
0x3b: {  	p0 =	sne.s32 s25, $0x1;
	[sflag:s19] =	ssyncset.done $0x0  }
.Ltmp0:
0x3c: {  	[sflag:s19] =	ssyncadd.s32 $0xFFFF6000;
	(pc) =	sbr.rel @!p0 .LBB2_2-.Ltmp0, $4  }
0x3d: {  	s24 =	sadd.s32 $0x1B800, s24;
	[bflag:$0x0] =	sbarrier.arrive $0xFFFF  }
0x3e: {  	[hbm:s24], [sflag:s6] =	dma.local [spmem:s8], $0x500  }
0x3f: {  	_ =	swait.ge [sflag:s7], $0x500  }
0x40: {  	s25 =	sadd.s32 $0xFFFFFFFF, s25;
	[sflag:s7] =	ssyncset.done $0x0  }
.LBB2_1:
0x41: {  	p0 =	sne.s32 s25, $0x1;
	s25 =	sadd.s32 $0xFFFFFFFF, s25;
	[sflag:s7] =	ssyncadd.s32 $0xFFFFFB00  }
0x42: {  	[spmem:s8], [sflag:s6] =	dma.local [hbm:s5], $0x500  }
0x43: {  	_ =	swait.ge [sflag:s7], $0x500  }
0x44: {  	[sflag:s7] =	ssyncset.done $0x0  }
0x45: {  	[sflag:s7] =	ssyncadd.s32 $0xFFFFFB00  }
0x46: {  	[spmem:s10], [sflag:s6] =	dma.local [hbm:s9], $0x500  }
0x47: {  	_ =	swait.ge [sflag:s7], $0x500  }
0x48: {  	[sflag:s7] =	ssyncset.done $0x0  }
0x49: {  	[sflag:s7] =	ssyncadd.s32 $0xFFFFFB00  }
0x4a: {  	[tilespmem:s4], [sflag:$0x3] =	stream.linear.gather [hbm4b:s11+s4], $0x2800, $0x38;
	[tilespmem:$0x1E000] =	vst v63  }
0x4b: {  	_ =	swait.ge [sflag:s7], $0x2800  }
0x4c: {  	[sflag:s7] =	ssyncset.done $0x0  }
0x4d: {  	[sflag:s7] =	ssyncadd.s32 $0xFFFFD800  }
0x4e: {  	[tilespmem:s13], [sflag:$0x3] =	stream.linear.gather [hbm4b:s12+s4], $0x2800, $0x38;
	[tilespmem:$0x1E000] =	vst v63  }
0x4f: {  	_ =	swait.ge [sflag:s7], $0x2800  }
0x50: {  	[sflag:s7] =	ssyncset.done $0x0  }
0x51: {  	[sflag:s7] =	ssyncadd.s32 $0xFFFFD800  }
0x52: {  	[bflag:$0x0] =	sbarrier.arrive $0xFFFF  }
0x53: {  	[tilespmem:s15], [sflag:$0x1] =	stream.indirect.gather [spmem:s3], $0x10, s4, s14, $0xb8;
	[tilespmem:$0x1E000] =	vst v63  }
0x54: {  	_ = 	snop  }
0x55: {  	[tilespmem:s16], [sflag:$0x1] =	stream.indirect.gather [spmem:s3], $0x10, s14, s14, $0xb8;
	[tilespmem:$0x1E000] =	vst v63  }
0x56: {  	_ =	swait.ge [sflag:s17], $0xA000  }
0x57: {  	[sflag:s17] =	ssyncset.done $0x0  }
0x58: {  	[sflag:s17] =	ssyncadd.s32 $0xFFFF6000  }
0x59: {  	[spmem:s2] =	stream.indirect.scatter.add.f32 [tilespmem:s15], [sflag:$0x2], $0x10, s13, s14, $0xb8;
	[tilespmem:$0x1E000] =	vst v63  }
0x5a: {  	_ =	swait.ge [sflag:s17], $0xA000  }
0x5b: {  	[sflag:s17] =	ssyncset.done $0x0  }
0x5c: {  	[sflag:s17] =	ssyncadd.s32 $0xFFFF6000  }
0x5d: {  	[spmem:s2] =	stream.indirect.scatter.add.f32 [tilespmem:s16], [sflag:$0x2], $0x10, s18, s14, $0xb8;
	[tilespmem:$0x1E000] =	vst v63  }
0x5e: {  	_ =	swait.ge [sflag:s19], $0xA000  }
0x5f: {  	[sflag:s19] =	ssyncset.done $0x0  }
0x60: {  	[sflag:s19] =	ssyncadd.s32 $0xFFFF6000  }
0x61: {  	[tilespmem:s15], [sflag:$0x1] =	stream.indirect.gather [spmem:s3], $0x10, s20, s14, $0xb8;
	[tilespmem:$0x1E000] =	vst v63  }
0x62: {  	_ =	swait.ge [sflag:s19], $0xA000  }
0x63: {  	[sflag:s19] =	ssyncset.done $0x0  }
0x64: {  	[sflag:s19] =	ssyncadd.s32 $0xFFFF6000  }
0x65: {  	[tilespmem:s16], [sflag:$0x1] =	stream.indirect.gather [spmem:s3], $0x10, s21, s14, $0xb8;
	[tilespmem:$0x1E000] =	vst v63  }
0x66: {  	_ =	swait.ge [sflag:s17], $0xA000  }
0x67: {  	[sflag:s17] =	ssyncset.done $0x0  }
0x68: {  	[sflag:s17] =	ssyncadd.s32 $0xFFFF6000  }
0x69: {  	[spmem:s2] =	stream.indirect.scatter.add.f32 [tilespmem:s15], [sflag:$0x2], $0x10, s22, s14, $0xb8;
	[tilespmem:$0x1E000] =	vst v63  }
0x6a: {  	_ =	swait.ge [sflag:s17], $0xA000  }
0x6b: {  	[sflag:s17] =	ssyncset.done $0x0  }
0x6c: {  	[sflag:s17] =	ssyncadd.s32 $0xFFFF6000  }
0x6d: {  	[spmem:s2] =	stream.indirect.scatter.add.f32 [tilespmem:s16], [sflag:$0x2], $0x10, s23, s14, $0xb8;
	[tilespmem:$0x1E000] =	vst v63  }
0x6e: {  	_ =	swait.ge [sflag:s19], $0xA000  }
0x6f: {  	[sflag:s19] =	ssyncset.done $0x0  }
0x70: {  	[sflag:s19] =	ssyncadd.s32 $0xFFFF6000  }
0x71: {  	_ =	swait.ge [sflag:s19], $0xA000  }
0x72: {  	[sflag:s19] =	ssyncset.done $0x0  }
.Ltmp1:
0x73: {  	[sflag:s19] =	ssyncadd.s32 $0xFFFF6000;
	(pc) =	sbr.rel @p0 .LBB2_1-.Ltmp1, $4  }
0x74: {  	[bflag:$0x0] =	sbarrier.arrive $0xFFFF  }
0x75: {  	[hbm:s24], [sflag:s6] =	dma.local [spmem:s8], $0x500  }
0x76: {  	_ =	swait.ge [sflag:s7], $0x500  }
0x77: {  	[sflag:s7] =	ssyncset.done $0x0  }
.LBB2_2:
0x78: {  	[sflag:s7] =	ssyncadd.s32 $0xFFFFFB00  }
0x79: {  	_ =	sfence.sel $0x180000  }
0x7a: {  	[bflag:$0x0] =	sbarrier.arrive $0xFFFF  }
0x7b: {  	p0 =	sne.s32 s0, $0x0;
	_ =	strace $0x9000004A  }
0x7c: {  	s0 =	sadd.s32 @!p0 $0x100000, s1;
	[bflag:$0x2] =	sbarrier.arrive $0xFFFF  }
0x7d: {  	[sflag:s0] =	ssyncadd.tile.s32 @!p0 $0x1;
	_ =	shalt  }
.Lfunc_end2:
_tile_overlayer_lowered:
.L_overlay_start_2:
0x7e: {  	(tag) =	ssettag $0x2  }
0x7f: {  	s0 =	rddreg [dreg:$0x0];
	s2 =	stileid.u32  }
0x80: {  	s1 =	rddreg [dreg:$0x1];
	p0 =	sne.s32 s2, $0x0  }
0x81: {  	s3 =	rddreg [dreg:$0x2];
	[bflag:$0x3] =	sbarrier.arrive $0xFFFF;
	s2 =	simm.s32 @!p0 $0x1C03  }
0x82: {  	[timem:s3], [sflag:s2] =	dma.local @!p0 [hbm:s0], s1  }
0x83: {  	s0 =	simm.s32 @!p0 $0x3  }
0x84: {  	_ =	swait.ge @!p0 [sflag:s0], s1  }
0x85: {  	s1 =	ssub.s32 @!p0 $0x0, s1;
	[sflag:s0] =	ssyncset.done @!p0 $0x0  }
0x86: {  	[sflag:s0] =	ssyncadd.s32 @!p0 s1  }
0x87: {  	[bflag:$0x3] =	sbarrier.arrive $0xFFFF  }
0x88: {  	_ =	shalt  }

// kernel: kernel.16.cloned.1.call-start
scs
__scs_entry_jumppad:
0x0: {  	(pc) =	sbr.rel $0x88, $3  }
0x1: {  	(tag) =	ssettag $0x0;
	lr =	simm.s32 $0x1  }
0x2: {  	[smem:$0x3F96] =	sst lr;
	_ =	strace $0xD0000000  }
0x3: {  	_ = 	snop  }
0x4: {  	_ = 	snop  }
0x5: {  	_ = 	snop  }
0x6: {  	_ = 	snop  }
0x7: {  	_ = 	snop  }
__scs_overlays_trampoline_lowered:
0x8: {  	[smem:$0x3FA5] =	sst s0  }
0x9: {  	[smem:$0x3FA6] =	sst s1  }
0xa: {  	[smem:$0x3FA7] =	sst s2  }
0xb: {  	[smem:$0x3FA8] =	sst s3  }
0xc: {  	[smem:$0x3FA9] =	sst s4  }
0xd: {  	[smem:$0x3FAA] =	sst s5  }
0xe: {  	[smem:$0x3FAB] =	sst s6  }
0xf: {  	[smem:$0x3FAC] =	sst s7  }
0x10: {  	[smem:$0x3FAD] =	sst s8  }
0x11: {  	[smem:$0x3FAE] =	sst s9;
	s0 =	simm.s32 @!p0 $0x0  }
0x12: {  	s1 =	sld [smem:$0x3F94];
	s0 =	simm.s32 @p0 $0x1  }
0x13: {  	[smem:$0x3FAF] =	sst s0;
	s0 =	simm.s32 @!p1 $0x0  }
0x14: {  	s2 =	sld [smem:$0x3F93];
	s0 =	simm.s32 @p1 $0x1  }
0x15: {  	[smem:$0x3FB0] =	sst s0;
	s0 =	simm.s32 @!p2 $0x0  }
0x16: {  	s3 =	sld [smem:$0x3FDB];
	s0 =	simm.s32 @p2 $0x1  }
0x17: {  	s4 =	simm.s32 $0x1BF5;
	[smem:$0x3FB2] =	sst s0  }
0x18: {  	s0 =	sld [smem:$0x3F95];
	_ =	swait.ge [sflag:s4], $0x0  }
0x19: {  	s7 =	sld [smem:$0x3F96]  }
0x1a: {  	s8 =	sadd.s32 $0xFFFFE003, lr  }
0x1b: {  	s9 =	sadd.s32 $0xFFFFFEF7, lr;
	s5 =	simm.s32 $0xFFFFFFFF;
	p2 =	slt.u32 s8, $0xFFFFF086  }
0x1c: {  	p1 =	slt.u32 s9, $0xF7A;
	s5 =	simm.s32 @!p2 $0x0  }
0x1d: {  	s5 =	simm.s32 @p1 $0x1;
	p0 =	seq.s32 s7, s2  }
0x1e: {  	s7 =	smul.u32 @!p0 $0xF7A, s2;
	p2 =	seq.s32 @!p0 s5, $0x0  }
0x1f: {  	s9 =	smul.u32 $0xF7A, s1;
	s8 =	simm.s32 @!p0 $0x1BF5;
	p2 =	por !p2, p0  }
0x20: {  	[sflag:s8] =	ssyncset.s32 @!p0 $0xFFFFF086;
	s6 =	sadd.s32 @!p0 s3, s7;
	s7 =	simm.s32 @!p0 $0x108  }
0x21: {  	s3 =	sadd.s32 s3, s9;
	s6 =	sadd.s32 @!p0 $0x88, s6;
	s7 =	simm.s32 @p2 $0x1082  }
0x22: {  	[simem:s7], [sflag:s8] =	dma.local @!p0 [hbm:s6], $0xF7A  }
0x23: {  	s9 =	sor.u32 $0xD0000000, s2;
	s6 =	simm.s32 $0x108;
	_ =	swait.ge @!p0 [sflag:s8], $0x0  }
0x24: {  	s3 =	sadd.s32 $0x88, s3;
	s6 =	simm.s32 @!p1 $0x1082;
	[sflag:s4] =	ssyncset.s32 $0xFFFFF086  }
0x25: {  	[simem:s6], [sflag:s4] =	dma.local [hbm:s3], $0xF7A  }
0x26: {  	[smem:$0x3F96] =	sst s1;
	(tag) =	ssettag s2;
	_ =	strace s9  }
0x27: {  	s1 =	sld [smem:$0x3FA6]  }
0x28: {  	s2 =	sld [smem:$0x3FA7]  }
0x29: {  	s4 =	sld [smem:$0x3FA9]  }
0x2a: {  	p0 =	seq.s32 s5, $0x0;
	s5 =	sld [smem:$0x3FAA]  }
0x2b: {  	s6 =	sld [smem:$0x3FAB]  }
0x2c: {  	s7 =	sld [smem:$0x3FAC]  }
0x2d: {  	s3 =	simm.s32 $0x108;
	s8 =	sld [smem:$0x3FAD]  }
0x2e: {  	s3 =	simm.s32 @!p0 $0x1082;
	s9 =	sld [smem:$0x3FAE]  }
0x2f: {  	lr =	sadd.s32 s0, s3;
	s0 =	sld [smem:$0x3FA5]  }
0x30: {  	s3 =	sld [smem:$0x3FA8]  }
0x31: {  	[smem:$0x3FB1] =	sst s10  }
0x32: {  	s10 =	sld [smem:$0x3FAF];
	_ =	sdelay $0x3  }
0x33: {  	p0 =	seq.s32 s10, $0x1;
	s10 =	sld [smem:$0x3FB1];
	_ =	sdelay $0x3  }
0x34: {  	[smem:$0x3FB1] =	sst s10  }
0x35: {  	s10 =	sld [smem:$0x3FB0];
	_ =	sdelay $0x3  }
0x36: {  	p1 =	seq.s32 s10, $0x1;
	s10 =	sld [smem:$0x3FB1];
	_ =	sdelay $0x3  }
0x37: {  	[smem:$0x3FB1] =	sst s10  }
0x38: {  	s10 =	sld [smem:$0x3FB2]  }
0x39: {  	_ = 	snop;
	(pc) =	sbr.ind lr, $3  }
0x3a: {  	_ = 	snop  }
0x3b: {  	_ = 	snop  }
0x3c: {  	p2 =	seq.s32 s10, $0x1;
	s10 =	sld [smem:$0x3FB1]  }
0x3d: {  	_ =	shalt  }
0x3e: {  	_ =	shalt  }
0x3f: {  	_ =	shalt  }
0x40: {  	_ =	shalt  }
0x41: {  	_ =	shalt  }
0x42: {  	_ =	shalt  }
0x43: {  	_ =	shalt  }
0x44: {  	_ =	shalt  }
0x45: {  	_ =	shalt  }
0x46: {  	_ =	shalt  }
0x47: {  	_ =	shalt  }
0x48: {  	_ =	shalt  }
0x49: {  	_ =	shalt  }
0x4a: {  	_ =	shalt  }
0x4b: {  	_ =	shalt  }
0x4c: {  	_ =	shalt  }
0x4d: {  	_ =	shalt  }
0x4e: {  	_ =	shalt  }
0x4f: {  	_ =	shalt  }
0x50: {  	_ =	shalt  }
0x51: {  	_ =	shalt  }
0x52: {  	_ =	shalt  }
0x53: {  	_ =	shalt  }
0x54: {  	_ =	shalt  }
0x55: {  	_ =	shalt  }
0x56: {  	_ =	shalt  }
0x57: {  	_ =	shalt  }
0x58: {  	_ =	shalt  }
0x59: {  	_ =	shalt  }
0x5a: {  	_ =	shalt  }
0x5b: {  	_ =	shalt  }
0x5c: {  	_ =	shalt  }
0x5d: {  	_ =	shalt  }
0x5e: {  	_ =	shalt  }
0x5f: {  	_ =	shalt  }
0x60: {  	_ =	shalt  }
0x61: {  	_ =	shalt  }
0x62: {  	_ =	shalt  }
0x63: {  	_ =	shalt  }
0x64: {  	_ =	shalt  }
0x65: {  	_ =	shalt  }
0x66: {  	_ =	shalt  }
0x67: {  	_ =	shalt  }
0x68: {  	_ =	shalt  }
0x69: {  	_ =	shalt  }
0x6a: {  	_ =	shalt  }
0x6b: {  	_ =	shalt  }
0x6c: {  	_ =	shalt  }
0x6d: {  	_ =	shalt  }
0x6e: {  	_ =	shalt  }
0x6f: {  	_ =	shalt  }
0x70: {  	_ =	shalt  }
0x71: {  	_ =	shalt  }
0x72: {  	_ =	shalt  }
0x73: {  	_ =	shalt  }
0x74: {  	_ =	shalt  }
0x75: {  	_ =	shalt  }
0x76: {  	_ =	shalt  }
0x77: {  	_ =	shalt  }
0x78: {  	_ =	shalt  }
0x79: {  	_ =	shalt  }
0x7a: {  	_ =	shalt  }
0x7b: {  	_ =	shalt  }
0x7c: {  	_ =	shalt  }
0x7d: {  	_ =	shalt  }
0x7e: {  	_ =	shalt  }
0x7f: {  	_ =	shalt  }
0x80: {  	_ =	shalt  }
0x81: {  	_ =	shalt  }
0x82: {  	_ =	shalt  }
0x83: {  	_ =	shalt  }
0x84: {  	_ =	shalt  }
0x85: {  	_ =	shalt  }
0x86: {  	_ =	shalt  }
0x87: {  	_ =	shalt  }
.Lfunc_end0:
.L_simem_size_0:
called_computation.2_lowered:
.L_overlay_start_0:
0x88: {  	s2 =	sld [smem:$0x3FD9]  }
0x89: {  	s3 =	sld [smem:$0x3FFE];
	_ =	sdelay $0x1  }
0x8a: {  	s1 =	srdreg.scid  }
0x8b: {  	s0 =	sand.u32 $0x1, s1  }
0x8c: {  	s17 =	sshll.u32 s0, $0xA;
	s2 =	sadd.s32 s3, s2  }
0x8d: {  	s2 =	sadd.s32 s2, s17  }
0x8e: {  	[smem:$0x3FBD] =	sst s2  }
0x8f: {  	_ = 	snop  }
0x90: {  	s2 =	sld [smem:$0x3FD0];
	(tm) =	ssettm $0x1  }
0x91: {  	s18 =	sld [smem:$0x3FFB];
	_ =	sdelay $0x3  }
0x92: {  	_ =	strace s18  }
0x93: {  	s3 =	sld [smem:$0x3FFC];
	_ =	sdelay $0x3  }
0x94: {  	_ =	strace s3  }
0x95: {  	s3 =	sld [smem:$0x3FFD];
	_ =	sdelay $0x3  }
0x96: {  	_ =	strace s3  }
0x97: {  	_ =	strace $0x8FFFFFFF  }
0x98: {  	s19 =	sld [smem:$0x3FDB];
	_ =	sdelay $0x1  }
0x99: {  	s4 =	simm.s32 $_scs_section_size  }
0x9a: {  	s5 =	simm.s32 $_size__tile_overlayer_lowered;
	s6 =	simm.s32 $_tile_overlayer_lowered  }
0x9b: {  	s22 =	simm.s32 $0x1BFF;
	s21 =	sshll.u32 s6, $0x1;
	s3 =	sadd.s32 s4, s19  }
0x9c: {  	s7 =	simm.s32 $0x0;
	s20 =	sshll.u32 s5, $0x1;
	s5 =	sadd.s32 s21, s3  }
0x9d: {  	[timem:s7], [sflag:s22] =	dma.local [hbm:s5], s20  }
0x9e: {  	_ =	swait.ge [sflag:s22], s20  }
0x9f: {  	s4 =	ssub.s32 $0x0, s20;
	[sflag:s22] =	ssyncset.done $0x0  }
0xa0: {  	[sflag:s22] =	ssyncadd.s32 s4;
	_ =	sdelay $0x1  }
0xa1: {  	s23 =	simm.s32 $0x1B8B  }
0xa2: {  	_ =	swait.ge [sflag:s23], $0x1  }
0xa3: {  	[sflag:s23] =	ssyncset.done $0x0  }
0xa4: {  	s25 =	simm.s32 $0x1B8E;
	s24 =	sld [smem:$0x3FFE];
	[sflag:s23] =	ssyncadd.s32 $0xFFFFFFFF  }
0xa5: {  	s26 =	simm.s32 $execute0_lowered;
	[smem:$0x3FD2] =	sst s25  }
0xa6: {  	s5 =	sshll.u32 s26, $0x1;
	_ =	strace $0x8000004C;
	[dreg:$0x1] =	wrdreg $0xFFFFFFFF  }
0xa7: {  	s28 =	simm.s32 $_size_execute0_lowered;
	s3 =	sadd.s32 s3, s5;
	[dreg:$0x0] =	wrdreg $0x0  }
0xa8: {  	s5 =	sshll.u32 s28, $0x1;
	[dreg:$0x2] =	wrdreg s3  }
0xa9: {  	[dreg:$0x3] =	wrdreg s5  }
0xaa: {  	[dreg:$0x4] =	wrdreg $0xC0  }
0xab: {  	_ =	task [dreg:s7], $0x5FFFF  }
0xac: {  	[dreg:$0x1] =	wrdreg $0xFFFFFFFF  }
0xad: {  	[dreg:$0x0] =	wrdreg $0x60  }
0xae: {  	[dreg:$0x2] =	wrdreg s24  }
0xaf: {  	[dreg:$0x3] =	wrdreg s2  }
0xb0: {  	[dreg:$0x4] =	wrdreg $0x190000  }
0xb1: {  	[dreg:$0x5] =	wrdreg $0x1B8000  }
0xb2: {  	[dreg:$0x6] =	wrdreg $0x9  }
0xb3: {  	_ =	task.clear_ibuf [dreg:s7], $0x7FFFF;
	_ =	strace $0x9000004C  }
0xb4: {  	s29 =	simm.s32 $0x9;
	_ =	strace $0x8000004E  }
0xb5: {  	_ =	swait.ge [sflag:s29], $0x1  }
0xb6: {  	[sflag:s29] =	ssyncadd.s32 $0xFFFFFFFF  }
0xb7: {  	_ =	strace $0x9000004E  }
0xb8: {  	_ =	sfence  }
0xb9: {  	s30 =	sld [smem:$0x0];
	_ =	sdelay $0x2  }
0xba: {  	s31 =	sshll.u32 s1, $0xD;
	s1 =	sshrl.u32 s1, $0x2  }
0xbb: {  	s3 =	sand.u32 $0x4000, s31;
	s1 =	sadd.s32 s1, s30  }
0xbc: {  	s0 =	sor.u32 s3, s0;
	s1 =	sshll.u32 s1, $0x11  }
0xbd: {  	s0 =	sor.u32 s1, s0  }
0xbe: {  	s0 =	sadd.s32 $0x8F2B, s0  }
0xbf: {  	[sflag:s0] =	ssyncadd.remote.s32 $0x1  }
0xc0: {  	_ =	sfence.sel $0xFFFF  }
0xc1: {  	[dreg:$0x0] =	wrdreg $0xFFFFFFFF;
	(pc) =	sbr.abs _section_cstart, $3  }
0xc2: {  	[dreg:$0x1] =	wrdreg $0xFFFFFFFF  }
0xc3: {  	_ =	task.clear_ibuf [dreg:s7], $0x2FFFF;
	_ =	strace $0x9FFFFFFF  }
0xc4: {  	(tm) =	ssettm $0x7FFFFFFF  }
0xc5: {  	_ =	shalt  }
tec
execute0_lowered:
.L_overlay_start_1:
0x0: {  	(tag) =	ssettag $0x1  }
0x1: {  	s24 =	rddreg [dreg:$0x0]  }
0x2: {  	s9 =	rddreg [dreg:$0x1]  }
0x3: {  	s2 =	rddreg [dreg:$0x2]  }
0x4: {  	s3 =	rddreg [dreg:$0x3]  }
0x5: {  	s0 =	stileid.u32;
	s1 =	rddreg [dreg:$0x4]  }
0x6: {  	s4 =	simm.s32 $0x0;
	s5 =	srdreg.scid;
	s25 =	smul.u32 $0x2800, s0  }
0x7: {  	[smem:$0x7FF] =	sst s4;
	s26 =	sand.u32 $0x1, s5;
	s6 =	sshll.u32 s0, $0x6  }
0x8: {  	_ =	strace $0x8000004D;
	s11 =	sshll.u32 s26, $0x4;
	s10 =	sshrl.u32 s25, $0x3  }
0x9: {  	s6 =	sor.u32 $0x1C03, s6;
	s7 =	sadd.s32 s25, s2;
	s28 =	sadd.s32 s10, s24  }
0xa: {  	s8 =	sshrl.u32 s7, $0x3;
	s7 =	simm.s32 $0x3;
	s5 =	sadd.s32 $0x16800, s28  }
0xb: {  	[spmem:s8], [sflag:s6] =	dma.local [hbm:s5], $0x500  }
0xc: {  	s11 =	sor.u32 s0, s11;
	_ =	swait.ge [sflag:s7], $0x500  }
0xd: {  	s12 =	sadd.s32 s25, s3;
	s11 =	smul.u32 $0x500, s11;
	[sflag:s7] =	ssyncset.done $0x0  }
0xe: {  	s9 =	sadd.s32 s9, s10;
	s10 =	sshrl.u32 s12, $0x3;
	[sflag:s7] =	ssyncadd.s32 $0xFFFFFB00  }
0xf: {  	[spmem:s10], [sflag:s6] =	dma.local [hbm:s9], $0x500  }
0x10: {  	_ =	swait.ge [sflag:s7], $0x500  }
0x11: {  	s29 =	sadd.s32 s11, s24;
	[sflag:s7] =	ssyncset.done $0x0  }
0x12: {  	s11 =	sadd.s32 $0xC800, s29;
	[sflag:s7] =	ssyncadd.s32 $0xFFFFFB00  }
0x13: {  	[tilespmem:s4], [sflag:$0x3] =	stream.linear.gather [hbm4b:s11+s4], $0x2800, $0x38;
	[tilespmem:$0x1E000] =	vst v63  }
0x14: {  	_ =	swait.ge [sflag:s7], $0x2800  }
0x15: {  	[sflag:s7] =	ssyncset.done $0x0  }
0x16: {  	s13 =	simm.s32 $0x2800;
	s12 =	sadd.s32 $0x2200, s29;
	[sflag:s7] =	ssyncadd.s32 $0xFFFFD800  }
0x17: {  	[tilespmem:s13], [sflag:$0x3] =	stream.linear.gather [hbm4b:s12+s4], $0x2800, $0x38;
	[tilespmem:$0x1E000] =	vst v63  }
0x18: {  	_ =	swait.ge [sflag:s7], $0x2800  }
0x19: {  	[sflag:s7] =	ssyncset.done $0x0  }
0x1a: {  	[sflag:s7] =	ssyncadd.s32 $0xFFFFD800  }
0x1b: {  	s14 =	simm.s32 $0xA00;
	s15 =	simm.s32 $0x5000;
	[bflag:$0x0] =	sbarrier.arrive $0xFFFF  }
0x1c: {  	[tilespmem:s15], [sflag:$0x1] =	stream.indirect.gather [spmem:s3], $0x10, s4, s14, $0xb8;
	[tilespmem:$0x1E000] =	vst v63  }
0x1d: {  	s16 =	simm.s32 $0xF000;
	s17 =	simm.s32 $0x1  }
0x1e: {  	[tilespmem:s16], [sflag:$0x1] =	stream.indirect.gather [spmem:s3], $0x10, s14, s14, $0xb8;
	[tilespmem:$0x1E000] =	vst v63  }
0x1f: {  	_ =	swait.ge [sflag:s17], $0xA000  }
0x20: {  	[sflag:s17] =	ssyncset.done $0x0  }
0x21: {  	[sflag:s17] =	ssyncadd.s32 $0xFFFF6000  }
0x22: {  	[spmem:s2] =	stream.indirect.scatter.add.f32 [tilespmem:s15], [sflag:$0x2], $0x10, s13, s14, $0xb8;
	[tilespmem:$0x1E000] =	vst v63  }
0x23: {  	_ =	swait.ge [sflag:s17], $0xA000  }
0x24: {  	[sflag:s17] =	ssyncset.done $0x0  }
0x25: {  	s18 =	simm.s32 $0x3200;
	s19 =	simm.s32 $0x2;
	[sflag:s17] =	ssyncadd.s32 $0xFFFF6000  }
0x26: {  	[spmem:s2] =	stream.indirect.scatter.add.f32 [tilespmem:s16], [sflag:$0x2], $0x10, s18, s14, $0xb8;
	[tilespmem:$0x1E000] =	vst v63  }
0x27: {  	_ =	swait.ge [sflag:s19], $0xA000  }
0x28: {  	[sflag:s19] =	ssyncset.done $0x0  }
0x29: {  	s20 =	simm.s32 $0x1400;
	[sflag:s19] =	ssyncadd.s32 $0xFFFF6000  }
0x2a: {  	[tilespmem:s15], [sflag:$0x1] =	stream.indirect.gather [spmem:s3], $0x10, s20, s14, $0xb8;
	[tilespmem:$0x1E000] =	vst v63  }
0x2b: {  	_ =	swait.ge [sflag:s19], $0xA000  }
0x2c: {  	[sflag:s19] =	ssyncset.done $0x0  }
0x2d: {  	s21 =	simm.s32 $0x1E00;
	[sflag:s19] =	ssyncadd.s32 $0xFFFF6000  }
0x2e: {  	[tilespmem:s16], [sflag:$0x1] =	stream.indirect.gather [spmem:s3], $0x10, s21, s14, $0xb8;
	[tilespmem:$0x1E000] =	vst v63  }
0x2f: {  	_ =	swait.ge [sflag:s17], $0xA000  }
0x30: {  	[sflag:s17] =	ssyncset.done $0x0  }
0x31: {  	s22 =	simm.s32 $0x3C00;
	[sflag:s17] =	ssyncadd.s32 $0xFFFF6000  }
0x32: {  	[spmem:s2] =	stream.indirect.scatter.add.f32 [tilespmem:s15], [sflag:$0x2], $0x10, s22, s14, $0xb8;
	[tilespmem:$0x1E000] =	vst v63  }
0x33: {  	_ =	swait.ge [sflag:s17], $0xA000  }
0x34: {  	[sflag:s17] =	ssyncset.done $0x0  }
0x35: {  	s23 =	simm.s32 $0x4600;
	s28 =	smul.u32 $0x28000, s26;
	[sflag:s17] =	ssyncadd.s32 $0xFFFF6000  }
0x36: {  	[spmem:s2] =	stream.indirect.scatter.add.f32 [tilespmem:s16], [sflag:$0x2], $0x10, s23, s14, $0xb8;
	[tilespmem:$0x1E000] =	vst v63  }
0x37: {  	s26 =	ssub.s32 $0x2, s26;
	_ =	swait.ge [sflag:s19], $0xA000  }
0x38: {  	s30 =	sshrl.u32 s26, $0x1;
	s25 =	sadd.s32 s25, s28;
	[sflag:s19] =	ssyncset.done $0x0  }
0x39: {  	s31 =	ssub.s32 s26, s30;
	s25 =	sshrl.u32 s25, $0x3;
	[sflag:s19] =	ssyncadd.s32 $0xFFFF6000  }
0x3a: {  	s24 =	sadd.s32 s25, s24;
	s25 =	smax.u32 s31, $0x1;
	_ =	swait.ge [sflag:s19], $0xA000  }
0x3b: {  	p0 =	sne.s32 s25, $0x1;
	[sflag:s19] =	ssyncset.done $0x0  }
.Ltmp0:
0x3c: {  	[sflag:s19] =	ssyncadd.s32 $0xFFFF6000;
	(pc) =	sbr.rel @!p0 .LBB2_2-.Ltmp0, $4  }
0x3d: {  	s24 =	sadd.s32 $0x1B800, s24;
	[bflag:$0x0] =	sbarrier.arrive $0xFFFF  }
0x3e: {  	[hbm:s24], [sflag:s6] =	dma.local [spmem:s8], $0x500  }
0x3f: {  	_ =	swait.ge [sflag:s7], $0x500  }
0x40: {  	s25 =	sadd.s32 $0xFFFFFFFF, s25;
	[sflag:s7] =	ssyncset.done $0x0  }
.LBB2_1:
0x41: {  	p0 =	sne.s32 s25, $0x1;
	s25 =	sadd.s32 $0xFFFFFFFF, s25;
	[sflag:s7] =	ssyncadd.s32 $0xFFFFFB00  }
0x42: {  	[spmem:s8], [sflag:s6] =	dma.local [hbm:s5], $0x500  }
0x43: {  	_ =	swait.ge [sflag:s7], $0x500  }
0x44: {  	[sflag:s7] =	ssyncset.done $0x0  }
0x45: {  	[sflag:s7] =	ssyncadd.s32 $0xFFFFFB00  }
0x46: {  	[spmem:s10], [sflag:s6] =	dma.local [hbm:s9], $0x500  }
0x47: {  	_ =	swait.ge [sflag:s7], $0x500  }
0x48: {  	[sflag:s7] =	ssyncset.done $0x0  }
0x49: {  	[sflag:s7] =	ssyncadd.s32 $0xFFFFFB00  }
0x4a: {  	[tilespmem:s4], [sflag:$0x3] =	stream.linear.gather [hbm4b:s11+s4], $0x2800, $0x38;
	[tilespmem:$0x1E000] =	vst v63  }
0x4b: {  	_ =	swait.ge [sflag:s7], $0x2800  }
0x4c: {  	[sflag:s7] =	ssyncset.done $0x0  }
0x4d: {  	[sflag:s7] =	ssyncadd.s32 $0xFFFFD800  }
0x4e: {  	[tilespmem:s13], [sflag:$0x3] =	stream.linear.gather [hbm4b:s12+s4], $0x2800, $0x38;
	[tilespmem:$0x1E000] =	vst v63  }
0x4f: {  	_ =	swait.ge [sflag:s7], $0x2800  }
0x50: {  	[sflag:s7] =	ssyncset.done $0x0  }
0x51: {  	[sflag:s7] =	ssyncadd.s32 $0xFFFFD800  }
0x52: {  	[bflag:$0x0] =	sbarrier.arrive $0xFFFF  }
0x53: {  	[tilespmem:s15], [sflag:$0x1] =	stream.indirect.gather [spmem:s3], $0x10, s4, s14, $0xb8;
	[tilespmem:$0x1E000] =	vst v63  }
0x54: {  	_ = 	snop  }
0x55: {  	[tilespmem:s16], [sflag:$0x1] =	stream.indirect.gather [spmem:s3], $0x10, s14, s14, $0xb8;
	[tilespmem:$0x1E000] =	vst v63  }
0x56: {  	_ =	swait.ge [sflag:s17], $0xA000  }
0x57: {  	[sflag:s17] =	ssyncset.done $0x0  }
0x58: {  	[sflag:s17] =	ssyncadd.s32 $0xFFFF6000  }
0x59: {  	[spmem:s2] =	stream.indirect.scatter.add.f32 [tilespmem:s15], [sflag:$0x2], $0x10, s13, s14, $0xb8;
	[tilespmem:$0x1E000] =	vst v63  }
0x5a: {  	_ =	swait.ge [sflag:s17], $0xA000  }
0x5b: {  	[sflag:s17] =	ssyncset.done $0x0  }
0x5c: {  	[sflag:s17] =	ssyncadd.s32 $0xFFFF6000  }
0x5d: {  	[spmem:s2] =	stream.indirect.scatter.add.f32 [tilespmem:s16], [sflag:$0x2], $0x10, s18, s14, $0xb8;
	[tilespmem:$0x1E000] =	vst v63  }
0x5e: {  	_ =	swait.ge [sflag:s19], $0xA000  }
0x5f: {  	[sflag:s19] =	ssyncset.done $0x0  }
0x60: {  	[sflag:s19] =	ssyncadd.s32 $0xFFFF6000  }
0x61: {  	[tilespmem:s15], [sflag:$0x1] =	stream.indirect.gather [spmem:s3], $0x10, s20, s14, $0xb8;
	[tilespmem:$0x1E000] =	vst v63  }
0x62: {  	_ =	swait.ge [sflag:s19], $0xA000  }
0x63: {  	[sflag:s19] =	ssyncset.done $0x0  }
0x64: {  	[sflag:s19] =	ssyncadd.s32 $0xFFFF6000  }
0x65: {  	[tilespmem:s16], [sflag:$0x1] =	stream.indirect.gather [spmem:s3], $0x10, s21, s14, $0xb8;
	[tilespmem:$0x1E000] =	vst v63  }
0x66: {  	_ =	swait.ge [sflag:s17], $0xA000  }
0x67: {  	[sflag:s17] =	ssyncset.done $0x0  }
0x68: {  	[sflag:s17] =	ssyncadd.s32 $0xFFFF6000  }
0x69: {  	[spmem:s2] =	stream.indirect.scatter.add.f32 [tilespmem:s15], [sflag:$0x2], $0x10, s22, s14, $0xb8;
	[tilespmem:$0x1E000] =	vst v63  }
0x6a: {  	_ =	swait.ge [sflag:s17], $0xA000  }
0x6b: {  	[sflag:s17] =	ssyncset.done $0x0  }
0x6c: {  	[sflag:s17] =	ssyncadd.s32 $0xFFFF6000  }
0x6d: {  	[spmem:s2] =	stream.indirect.scatter.add.f32 [tilespmem:s16], [sflag:$0x2], $0x10, s23, s14, $0xb8;
	[tilespmem:$0x1E000] =	vst v63  }
0x6e: {  	_ =	swait.ge [sflag:s19], $0xA000  }
0x6f: {  	[sflag:s19] =	ssyncset.done $0x0  }
0x70: {  	[sflag:s19] =	ssyncadd.s32 $0xFFFF6000  }
0x71: {  	_ =	swait.ge [sflag:s19], $0xA000  }
0x72: {  	[sflag:s19] =	ssyncset.done $0x0  }
.Ltmp1:
0x73: {  	[sflag:s19] =	ssyncadd.s32 $0xFFFF6000;
	(pc) =	sbr.rel @p0 .LBB2_1-.Ltmp1, $4  }
0x74: {  	[bflag:$0x0] =	sbarrier.arrive $0xFFFF  }
0x75: {  	[hbm:s24], [sflag:s6] =	dma.local [spmem:s8], $0x500  }
0x76: {  	_ =	swait.ge [sflag:s7], $0x500  }
0x77: {  	[sflag:s7] =	ssyncset.done $0x0  }
.LBB2_2:
0x78: {  	[sflag:s7] =	ssyncadd.s32 $0xFFFFFB00  }
0x79: {  	_ =	sfence.sel $0x180000  }
0x7a: {  	[bflag:$0x0] =	sbarrier.arrive $0xFFFF  }
0x7b: {  	p0 =	sne.s32 s0, $0x0;
	_ =	strace $0x9000004D  }
0x7c: {  	s0 =	sadd.s32 @!p0 $0x100000, s1;
	[bflag:$0x2] =	sbarrier.arrive $0xFFFF  }
0x7d: {  	[sflag:s0] =	ssyncadd.tile.s32 @!p0 $0x1;
	_ =	shalt  }
.Lfunc_end2:
_tile_overlayer_lowered:
.L_overlay_start_2:
0x7e: {  	(tag) =	ssettag $0x2  }
0x7f: {  	s0 =	rddreg [dreg:$0x0];
	s2 =	stileid.u32  }
0x80: {  	s1 =	rddreg [dreg:$0x1];
	p0 =	sne.s32 s2, $0x0  }
0x81: {  	s3 =	rddreg [dreg:$0x2];
	[bflag:$0x3] =	sbarrier.arrive $0xFFFF;
	s2 =	simm.s32 @!p0 $0x1C03  }
0x82: {  	[timem:s3], [sflag:s2] =	dma.local @!p0 [hbm:s0], s1  }
0x83: {  	s0 =	simm.s32 @!p0 $0x3  }
0x84: {  	_ =	swait.ge @!p0 [sflag:s0], s1  }
0x85: {  	s1 =	ssub.s32 @!p0 $0x0, s1;
	[sflag:s0] =	ssyncset.done @!p0 $0x0  }
0x86: {  	[sflag:s0] =	ssyncadd.s32 @!p0 s1  }
0x87: {  	[bflag:$0x3] =	sbarrier.arrive $0xFFFF  }
0x88: {  	_ =	shalt  }

// kernel: kernel.19.cloned.1.call-start
scs
__scs_entry_jumppad:
0x0: {  	(pc) =	sbr.rel $0x88, $3  }
0x1: {  	(tag) =	ssettag $0x0;
	lr =	simm.s32 $0x1  }
0x2: {  	[smem:$0x3F96] =	sst lr;
	_ =	strace $0xD0000000  }
0x3: {  	_ = 	snop  }
0x4: {  	_ = 	snop  }
0x5: {  	_ = 	snop  }
0x6: {  	_ = 	snop  }
0x7: {  	_ = 	snop  }
__scs_overlays_trampoline_lowered:
0x8: {  	[smem:$0x3FA5] =	sst s0  }
0x9: {  	[smem:$0x3FA6] =	sst s1  }
0xa: {  	[smem:$0x3FA7] =	sst s2  }
0xb: {  	[smem:$0x3FA8] =	sst s3  }
0xc: {  	[smem:$0x3FA9] =	sst s4  }
0xd: {  	[smem:$0x3FAA] =	sst s5  }
0xe: {  	[smem:$0x3FAB] =	sst s6  }
0xf: {  	[smem:$0x3FAC] =	sst s7  }
0x10: {  	[smem:$0x3FAD] =	sst s8  }
0x11: {  	[smem:$0x3FAE] =	sst s9;
	s0 =	simm.s32 @!p0 $0x0  }
0x12: {  	s1 =	sld [smem:$0x3F94];
	s0 =	simm.s32 @p0 $0x1  }
0x13: {  	[smem:$0x3FAF] =	sst s0;
	s0 =	simm.s32 @!p1 $0x0  }
0x14: {  	s2 =	sld [smem:$0x3F93];
	s0 =	simm.s32 @p1 $0x1  }
0x15: {  	[smem:$0x3FB0] =	sst s0;
	s0 =	simm.s32 @!p2 $0x0  }
0x16: {  	s3 =	sld [smem:$0x3FDB];
	s0 =	simm.s32 @p2 $0x1  }
0x17: {  	s4 =	simm.s32 $0x1BF5;
	[smem:$0x3FB2] =	sst s0  }
0x18: {  	s0 =	sld [smem:$0x3F95];
	_ =	swait.ge [sflag:s4], $0x0  }
0x19: {  	s7 =	sld [smem:$0x3F96]  }
0x1a: {  	s8 =	sadd.s32 $0xFFFFE003, lr  }
0x1b: {  	s9 =	sadd.s32 $0xFFFFFEF7, lr;
	s5 =	simm.s32 $0xFFFFFFFF;
	p2 =	slt.u32 s8, $0xFFFFF086  }
0x1c: {  	p1 =	slt.u32 s9, $0xF7A;
	s5 =	simm.s32 @!p2 $0x0  }
0x1d: {  	s5 =	simm.s32 @p1 $0x1;
	p0 =	seq.s32 s7, s2  }
0x1e: {  	s7 =	smul.u32 @!p0 $0xF7A, s2;
	p2 =	seq.s32 @!p0 s5, $0x0  }
0x1f: {  	s9 =	smul.u32 $0xF7A, s1;
	s8 =	simm.s32 @!p0 $0x1BF5;
	p2 =	por !p2, p0  }
0x20: {  	[sflag:s8] =	ssyncset.s32 @!p0 $0xFFFFF086;
	s6 =	sadd.s32 @!p0 s3, s7;
	s7 =	simm.s32 @!p0 $0x108  }
0x21: {  	s3 =	sadd.s32 s3, s9;
	s6 =	sadd.s32 @!p0 $0x88, s6;
	s7 =	simm.s32 @p2 $0x1082  }
0x22: {  	[simem:s7], [sflag:s8] =	dma.local @!p0 [hbm:s6], $0xF7A  }
0x23: {  	s9 =	sor.u32 $0xD0000000, s2;
	s6 =	simm.s32 $0x108;
	_ =	swait.ge @!p0 [sflag:s8], $0x0  }
0x24: {  	s3 =	sadd.s32 $0x88, s3;
	s6 =	simm.s32 @!p1 $0x1082;
	[sflag:s4] =	ssyncset.s32 $0xFFFFF086  }
0x25: {  	[simem:s6], [sflag:s4] =	dma.local [hbm:s3], $0xF7A  }
0x26: {  	[smem:$0x3F96] =	sst s1;
	(tag) =	ssettag s2;
	_ =	strace s9  }
0x27: {  	s1 =	sld [smem:$0x3FA6]  }
0x28: {  	s2 =	sld [smem:$0x3FA7]  }
0x29: {  	s4 =	sld [smem:$0x3FA9]  }
0x2a: {  	p0 =	seq.s32 s5, $0x0;
	s5 =	sld [smem:$0x3FAA]  }
0x2b: {  	s6 =	sld [smem:$0x3FAB]  }
0x2c: {  	s7 =	sld [smem:$0x3FAC]  }
0x2d: {  	s3 =	simm.s32 $0x108;
	s8 =	sld [smem:$0x3FAD]  }
0x2e: {  	s3 =	simm.s32 @!p0 $0x1082;
	s9 =	sld [smem:$0x3FAE]  }
0x2f: {  	lr =	sadd.s32 s0, s3;
	s0 =	sld [smem:$0x3FA5]  }
0x30: {  	s3 =	sld [smem:$0x3FA8]  }
0x31: {  	[smem:$0x3FB1] =	sst s10  }
0x32: {  	s10 =	sld [smem:$0x3FAF];
	_ =	sdelay $0x3  }
0x33: {  	p0 =	seq.s32 s10, $0x1;
	s10 =	sld [smem:$0x3FB1];
	_ =	sdelay $0x3  }
0x34: {  	[smem:$0x3FB1] =	sst s10  }
0x35: {  	s10 =	sld [smem:$0x3FB0];
	_ =	sdelay $0x3  }
0x36: {  	p1 =	seq.s32 s10, $0x1;
	s10 =	sld [smem:$0x3FB1];
	_ =	sdelay $0x3  }
0x37: {  	[smem:$0x3FB1] =	sst s10  }
0x38: {  	s10 =	sld [smem:$0x3FB2]  }
0x39: {  	_ = 	snop;
	(pc) =	sbr.ind lr, $3  }
0x3a: {  	_ = 	snop  }
0x3b: {  	_ = 	snop  }
0x3c: {  	p2 =	seq.s32 s10, $0x1;
	s10 =	sld [smem:$0x3FB1]  }
0x3d: {  	_ =	shalt  }
0x3e: {  	_ =	shalt  }
0x3f: {  	_ =	shalt  }
0x40: {  	_ =	shalt  }
0x41: {  	_ =	shalt  }
0x42: {  	_ =	shalt  }
0x43: {  	_ =	shalt  }
0x44: {  	_ =	shalt  }
0x45: {  	_ =	shalt  }
0x46: {  	_ =	shalt  }
0x47: {  	_ =	shalt  }
0x48: {  	_ =	shalt  }
0x49: {  	_ =	shalt  }
0x4a: {  	_ =	shalt  }
0x4b: {  	_ =	shalt  }
0x4c: {  	_ =	shalt  }
0x4d: {  	_ =	shalt  }
0x4e: {  	_ =	shalt  }
0x4f: {  	_ =	shalt  }
0x50: {  	_ =	shalt  }
0x51: {  	_ =	shalt  }
0x52: {  	_ =	shalt  }
0x53: {  	_ =	shalt  }
0x54: {  	_ =	shalt  }
0x55: {  	_ =	shalt  }
0x56: {  	_ =	shalt  }
0x57: {  	_ =	shalt  }
0x58: {  	_ =	shalt  }
0x59: {  	_ =	shalt  }
0x5a: {  	_ =	shalt  }
0x5b: {  	_ =	shalt  }
0x5c: {  	_ =	shalt  }
0x5d: {  	_ =	shalt  }
0x5e: {  	_ =	shalt  }
0x5f: {  	_ =	shalt  }
0x60: {  	_ =	shalt  }
0x61: {  	_ =	shalt  }
0x62: {  	_ =	shalt  }
0x63: {  	_ =	shalt  }
0x64: {  	_ =	shalt  }
0x65: {  	_ =	shalt  }
0x66: {  	_ =	shalt  }
0x67: {  	_ =	shalt  }
0x68: {  	_ =	shalt  }
0x69: {  	_ =	shalt  }
0x6a: {  	_ =	shalt  }
0x6b: {  	_ =	shalt  }
0x6c: {  	_ =	shalt  }
0x6d: {  	_ =	shalt  }
0x6e: {  	_ =	shalt  }
0x6f: {  	_ =	shalt  }
0x70: {  	_ =	shalt  }
0x71: {  	_ =	shalt  }
0x72: {  	_ =	shalt  }
0x73: {  	_ =	shalt  }
0x74: {  	_ =	shalt  }
0x75: {  	_ =	shalt  }
0x76: {  	_ =	shalt  }
0x77: {  	_ =	shalt  }
0x78: {  	_ =	shalt  }
0x79: {  	_ =	shalt  }
0x7a: {  	_ =	shalt  }
0x7b: {  	_ =	shalt  }
0x7c: {  	_ =	shalt  }
0x7d: {  	_ =	shalt  }
0x7e: {  	_ =	shalt  }
0x7f: {  	_ =	shalt  }
0x80: {  	_ =	shalt  }
0x81: {  	_ =	shalt  }
0x82: {  	_ =	shalt  }
0x83: {  	_ =	shalt  }
0x84: {  	_ =	shalt  }
0x85: {  	_ =	shalt  }
0x86: {  	_ =	shalt  }
0x87: {  	_ =	shalt  }
.Lfunc_end0:
.L_simem_size_0:
called_computation.3_lowered:
.L_overlay_start_0:
0x88: {  	s2 =	sld [smem:$0x3FD9]  }
0x89: {  	s3 =	sld [smem:$0x3FFE];
	_ =	sdelay $0x1  }
0x8a: {  	s1 =	srdreg.scid  }
0x8b: {  	s0 =	sand.u32 $0x1, s1  }
0x8c: {  	s17 =	sshll.u32 s0, $0xA;
	s2 =	sadd.s32 s3, s2  }
0x8d: {  	s2 =	sadd.s32 s2, s17  }
0x8e: {  	[smem:$0x3FBD] =	sst s2  }
0x8f: {  	_ = 	snop  }
0x90: {  	s2 =	sld [smem:$0x3FD0];
	(tm) =	ssettm $0x1  }
0x91: {  	s18 =	sld [smem:$0x3FFB];
	_ =	sdelay $0x3  }
0x92: {  	_ =	strace s18  }
0x93: {  	s3 =	sld [smem:$0x3FFC];
	_ =	sdelay $0x3  }
0x94: {  	_ =	strace s3  }
0x95: {  	s3 =	sld [smem:$0x3FFD];
	_ =	sdelay $0x3  }
0x96: {  	_ =	strace s3  }
0x97: {  	_ =	strace $0x8FFFFFFF  }
0x98: {  	s19 =	sld [smem:$0x3FDB];
	_ =	sdelay $0x1  }
0x99: {  	s4 =	simm.s32 $_scs_section_size  }
0x9a: {  	s5 =	simm.s32 $_size__tile_overlayer_lowered;
	s6 =	simm.s32 $_tile_overlayer_lowered  }
0x9b: {  	s22 =	simm.s32 $0x1BFF;
	s21 =	sshll.u32 s6, $0x1;
	s3 =	sadd.s32 s4, s19  }
0x9c: {  	s7 =	simm.s32 $0x0;
	s20 =	sshll.u32 s5, $0x1;
	s5 =	sadd.s32 s21, s3  }
0x9d: {  	[timem:s7], [sflag:s22] =	dma.local [hbm:s5], s20  }
0x9e: {  	_ =	swait.ge [sflag:s22], s20  }
0x9f: {  	s4 =	ssub.s32 $0x0, s20;
	[sflag:s22] =	ssyncset.done $0x0  }
0xa0: {  	[sflag:s22] =	ssyncadd.s32 s4;
	_ =	sdelay $0x1  }
0xa1: {  	s23 =	simm.s32 $0x1B8B  }
0xa2: {  	_ =	swait.ge [sflag:s23], $0x1  }
0xa3: {  	[sflag:s23] =	ssyncset.done $0x0  }
0xa4: {  	s25 =	simm.s32 $0x1B8E;
	s24 =	sld [smem:$0x3FFE];
	[sflag:s23] =	ssyncadd.s32 $0xFFFFFFFF  }
0xa5: {  	s26 =	simm.s32 $execute0_lowered;
	[smem:$0x3FD2] =	sst s25  }
0xa6: {  	s5 =	sshll.u32 s26, $0x1;
	_ =	strace $0x8000004F;
	[dreg:$0x1] =	wrdreg $0xFFFFFFFF  }
0xa7: {  	s28 =	simm.s32 $_size_execute0_lowered;
	s3 =	sadd.s32 s3, s5;
	[dreg:$0x0] =	wrdreg $0x0  }
0xa8: {  	s5 =	sshll.u32 s28, $0x1;
	[dreg:$0x2] =	wrdreg s3  }
0xa9: {  	[dreg:$0x3] =	wrdreg s5  }
0xaa: {  	[dreg:$0x4] =	wrdreg $0xC0  }
0xab: {  	_ =	task [dreg:s7], $0x5FFFF  }
0xac: {  	[dreg:$0x1] =	wrdreg $0xFFFFFFFF  }
0xad: {  	[dreg:$0x0] =	wrdreg $0x60  }
0xae: {  	[dreg:$0x2] =	wrdreg s24  }
0xaf: {  	[dreg:$0x3] =	wrdreg s2  }
0xb0: {  	[dreg:$0x4] =	wrdreg $0x1D4000  }
0xb1: {  	[dreg:$0x5] =	wrdreg $0x9  }
0xb2: {  	_ =	task.clear_ibuf [dreg:s7], $0x6FFFF;
	_ =	strace $0x9000004F  }
0xb3: {  	s29 =	simm.s32 $0x9;
	_ =	strace $0x80000051  }
0xb4: {  	_ =	swait.ge [sflag:s29], $0x1  }
0xb5: {  	[sflag:s29] =	ssyncadd.s32 $0xFFFFFFFF  }
0xb6: {  	_ =	strace $0x90000051  }
0xb7: {  	_ =	sfence  }
0xb8: {  	s30 =	sld [smem:$0x0];
	_ =	sdelay $0x2  }
0xb9: {  	s31 =	sshll.u32 s1, $0xD;
	s1 =	sshrl.u32 s1, $0x2  }
0xba: {  	s3 =	sand.u32 $0x4000, s31;
	s1 =	sadd.s32 s1, s30  }
0xbb: {  	s0 =	sor.u32 s3, s0;
	s1 =	sshll.u32 s1, $0x11  }
0xbc: {  	s0 =	sor.u32 s1, s0  }
0xbd: {  	s0 =	sadd.s32 $0x8F2B, s0  }
0xbe: {  	[sflag:s0] =	ssyncadd.remote.s32 $0x1  }
0xbf: {  	_ =	sfence.sel $0xFFFF  }
0xc0: {  	[dreg:$0x0] =	wrdreg $0xFFFFFFFF;
	(pc) =	sbr.abs _section_cstart, $3  }
0xc1: {  	[dreg:$0x1] =	wrdreg $0xFFFFFFFF  }
0xc2: {  	_ =	task.clear_ibuf [dreg:s7], $0x2FFFF;
	_ =	strace $0x9FFFFFFF  }
0xc3: {  	(tm) =	ssettm $0x7FFFFFFF  }
tec
execute0_lowered:
.L_overlay_start_1:
0x0: {  	(tag) =	ssettag $0x1  }
0x1: {  	s13 =	rddreg [dreg:$0x0]  }
0x2: {  	s4 =	rddreg [dreg:$0x1]  }
0x3: {  	s2 =	rddreg [dreg:$0x2];
	s3 =	srdreg.scid  }
0x4: {  	s0 =	rddreg [dreg:$0x3];
	s1 =	stileid.u32  }
0x5: {  	s7 =	simm.s32 $0x3;
	s19 =	sand.u32 $0x1, s3;
	s3 =	simm.s32 $0x0  }
0x6: {  	s6 =	smul.u32 $0x2800, s1;
	s5 =	sshll.u32 s19, $0x4;
	[smem:$0x7FF] =	sst s3  }
0x7: {  	s30 =	sshll.u32 s1, $0x6;
	s14 =	sor.u32 s1, s5;
	_ =	strace $0x80000050  }
0x8: {  	s29 =	sshrl.u32 s6, $0x3;
	s6 =	sadd.s32 s6, s2;
	s5 =	sor.u32 $0x1C03, s30  }
0x9: {  	s8 =	smul.u32 $0x680, s14;
	s4 =	sadd.s32 s4, s29;
	s6 =	sshrl.u32 s6, $0x3  }
0xa: {  	[spmem:s6], [sflag:s5] =	dma.local [hbm:s4], $0x500  }
0xb: {  	_ =	swait.ge [sflag:s7], $0x500  }
0xc: {  	s8 =	sadd.s32 s8, s13;
	[sflag:s7] =	ssyncset.done $0x0  }
0xd: {  	s8 =	sadd.s32 $0x25800, s8;
	[sflag:s7] =	ssyncadd.s32 $0xFFFFFB00  }
0xe: {  	[tilespmem:s3], [sflag:$0x3] =	stream.linear.gather [hbm4b:s8+s3], $0x3400, $0x38;
	[tilespmem:$0x1FC00] =	vst v63  }
0xf: {  	_ =	swait.ge [sflag:s7], $0x3400  }
0x10: {  	[sflag:s7] =	ssyncset.done $0x0  }
0x11: {  	[sflag:s7] =	ssyncadd.s32 $0xFFFFCC00  }
0x12: {  	s9 =	simm.s32 $0xD00;
	s10 =	simm.s32 $0x3400;
	[bflag:$0x0] =	sbarrier.arrive $0xFFFF  }
0x13: {  	[tilespmem:s10], [sflag:$0x1] =	stream.indirect.gather [spmem:s2], $0x10, s3, s9, $0xb8;
	[tilespmem:$0x1FC00] =	vst v63  }
0x14: {  	s11 =	simm.s32 $0x10400;
	s12 =	simm.s32 $0x1  }
0x15: {  	[tilespmem:s11], [sflag:$0x1] =	stream.indirect.gather [spmem:s2], $0x10, s9, s9, $0xb8;
	[tilespmem:$0x1FC00] =	vst v63  }
0x16: {  	s15 =	smul.u32 $0x6800, s14;
	_ =	swait.ge [sflag:s12], $0xD000  }
0x17: {  	s16 =	sadd.s32 $0x32800, s13;
	[sflag:s12] =	ssyncset.done $0x0  }
0x18: {  	s14 =	smul.u32 $0x34000, s14;
	s13 =	sadd.s32 s16, s15;
	[sflag:s12] =	ssyncadd.s32 $0xFFFF3000  }
0x19: {  	[hbm4b:s13+s3] =	stream.linear.scatter [tilespmem:s10], [sflag:$0x2], $0xD000, $0x38;
	[tilespmem:$0x1FC00] =	vst v63  }
0x1a: {  	s14 =	sshrl.u32 s14, $0x3;
	_ =	swait.ge [sflag:s12], $0xD000  }
0x1b: {  	s20 =	sadd.s32 s16, s14;
	[sflag:s12] =	ssyncset.done $0x0  }
0x1c: {  	s14 =	simm.s32 $0x2;
	s15 =	sadd.s32 $0x1A00, s20;
	[sflag:s12] =	ssyncadd.s32 $0xFFFF3000  }
0x1d: {  	[hbm4b:s15+s3] =	stream.linear.scatter [tilespmem:s11], [sflag:$0x2], $0xD000, $0x38;
	[tilespmem:$0x1FC00] =	vst v63  }
0x1e: {  	_ =	swait.ge [sflag:s14], $0xD000  }
0x1f: {  	[sflag:s14] =	ssyncset.done $0x0  }
0x20: {  	s16 =	simm.s32 $0x1A00;
	[sflag:s14] =	ssyncadd.s32 $0xFFFF3000  }
0x21: {  	[tilespmem:s10], [sflag:$0x1] =	stream.indirect.gather [spmem:s2], $0x10, s16, s9, $0xb8;
	[tilespmem:$0x1FC00] =	vst v63  }
0x22: {  	_ =	swait.ge [sflag:s14], $0xD000  }
0x23: {  	[sflag:s14] =	ssyncset.done $0x0  }
0x24: {  	s17 =	simm.s32 $0x2700;
	[sflag:s14] =	ssyncadd.s32 $0xFFFF3000  }
0x25: {  	[tilespmem:s11], [sflag:$0x1] =	stream.indirect.gather [spmem:s2], $0x10, s17, s9, $0xb8;
	[tilespmem:$0x1FC00] =	vst v63  }
0x26: {  	_ =	swait.ge [sflag:s12], $0xD000  }
0x27: {  	s21 =	ssub.s32 $0x2, s19;
	[sflag:s12] =	ssyncset.done $0x0  }
0x28: {  	s31 =	sshrl.u32 s21, $0x1;
	s18 =	sadd.s32 $0x3400, s20;
	[sflag:s12] =	ssyncadd.s32 $0xFFFF3000  }
0x29: {  	[hbm4b:s18+s3] =	stream.linear.scatter [tilespmem:s10], [sflag:$0x2], $0xD000, $0x38;
	[tilespmem:$0x1FC00] =	vst v63  }
0x2a: {  	s19 =	sadd.s32 $0x4E00, s20;
	s20 =	ssub.s32 s21, s31;
	_ =	swait.ge [sflag:s12], $0xD000  }
0x2b: {  	s20 =	smax.u32 s20, $0x1;
	[sflag:s12] =	ssyncset.done $0x0  }
0x2c: {  	p0 =	sne.s32 s20, $0x1;
	[sflag:s12] =	ssyncadd.s32 $0xFFFF3000  }
0x2d: {  	[hbm4b:s19+s3] =	stream.linear.scatter [tilespmem:s11], [sflag:$0x2], $0xD000, $0x38;
	[tilespmem:$0x1FC00] =	vst v63  }
.Ltmp0:
0x2e: {  	_ =	swait.ge [sflag:s14], $0xD000;
	(pc) =	sbr.rel @!p0 .LBB2_2-.Ltmp0, $4  }
0x2f: {  	[sflag:s14] =	ssyncset.done $0x0  }
0x30: {  	[sflag:s14] =	ssyncadd.s32 $0xFFFF3000  }
0x31: {  	_ =	swait.ge [sflag:s14], $0xD000  }
0x32: {  	s20 =	sadd.s32 $0xFFFFFFFF, s20;
	[sflag:s14] =	ssyncset.done $0x0  }
.LBB2_1:
0x33: {  	p0 =	sne.s32 s20, $0x1;
	s20 =	sadd.s32 $0xFFFFFFFF, s20;
	[sflag:s14] =	ssyncadd.s32 $0xFFFF3000  }
0x34: {  	[spmem:s6], [sflag:s5] =	dma.local [hbm:s4], $0x500  }
0x35: {  	_ =	swait.ge [sflag:s7], $0x500  }
0x36: {  	[sflag:s7] =	ssyncset.done $0x0  }
0x37: {  	[sflag:s7] =	ssyncadd.s32 $0xFFFFFB00  }
0x38: {  	[tilespmem:s3], [sflag:$0x3] =	stream.linear.gather [hbm4b:s8+s3], $0x3400, $0x38;
	[tilespmem:$0x1FC00] =	vst v63  }
0x39: {  	_ =	swait.ge [sflag:s7], $0x3400  }
0x3a: {  	[sflag:s7] =	ssyncset.done $0x0  }
0x3b: {  	[sflag:s7] =	ssyncadd.s32 $0xFFFFCC00  }
0x3c: {  	[bflag:$0x0] =	sbarrier.arrive $0xFFFF  }
0x3d: {  	[tilespmem:s10], [sflag:$0x1] =	stream.indirect.gather [spmem:s2], $0x10, s3, s9, $0xb8;
	[tilespmem:$0x1FC00] =	vst v63  }
0x3e: {  	_ = 	snop  }
0x3f: {  	[tilespmem:s11], [sflag:$0x1] =	stream.indirect.gather [spmem:s2], $0x10, s9, s9, $0xb8;
	[tilespmem:$0x1FC00] =	vst v63  }
0x40: {  	_ =	swait.ge [sflag:s12], $0xD000  }
0x41: {  	[sflag:s12] =	ssyncset.done $0x0  }
0x42: {  	[sflag:s12] =	ssyncadd.s32 $0xFFFF3000  }
0x43: {  	[hbm4b:s13+s3] =	stream.linear.scatter [tilespmem:s10], [sflag:$0x2], $0xD000, $0x38;
	[tilespmem:$0x1FC00] =	vst v63  }
0x44: {  	_ =	swait.ge [sflag:s12], $0xD000  }
0x45: {  	[sflag:s12] =	ssyncset.done $0x0  }
0x46: {  	[sflag:s12] =	ssyncadd.s32 $0xFFFF3000  }
0x47: {  	[hbm4b:s15+s3] =	stream.linear.scatter [tilespmem:s11], [sflag:$0x2], $0xD000, $0x38;
	[tilespmem:$0x1FC00] =	vst v63  }
0x48: {  	_ =	swait.ge [sflag:s14], $0xD000  }
0x49: {  	[sflag:s14] =	ssyncset.done $0x0  }
0x4a: {  	[sflag:s14] =	ssyncadd.s32 $0xFFFF3000  }
0x4b: {  	[tilespmem:s10], [sflag:$0x1] =	stream.indirect.gather [spmem:s2], $0x10, s16, s9, $0xb8;
	[tilespmem:$0x1FC00] =	vst v63  }
0x4c: {  	_ =	swait.ge [sflag:s14], $0xD000  }
0x4d: {  	[sflag:s14] =	ssyncset.done $0x0  }
0x4e: {  	[sflag:s14] =	ssyncadd.s32 $0xFFFF3000  }
0x4f: {  	[tilespmem:s11], [sflag:$0x1] =	stream.indirect.gather [spmem:s2], $0x10, s17, s9, $0xb8;
	[tilespmem:$0x1FC00] =	vst v63  }
0x50: {  	_ =	swait.ge [sflag:s12], $0xD000  }
0x51: {  	[sflag:s12] =	ssyncset.done $0x0  }
0x52: {  	[sflag:s12] =	ssyncadd.s32 $0xFFFF3000  }
0x53: {  	[hbm4b:s18+s3] =	stream.linear.scatter [tilespmem:s10], [sflag:$0x2], $0xD000, $0x38;
	[tilespmem:$0x1FC00] =	vst v63  }
0x54: {  	_ =	swait.ge [sflag:s12], $0xD000  }
0x55: {  	[sflag:s12] =	ssyncset.done $0x0  }
0x56: {  	[sflag:s12] =	ssyncadd.s32 $0xFFFF3000  }
0x57: {  	[hbm4b:s19+s3] =	stream.linear.scatter [tilespmem:s11], [sflag:$0x2], $0xD000, $0x38;
	[tilespmem:$0x1FC00] =	vst v63  }
.Ltmp1:
0x58: {  	_ =	swait.ge [sflag:s14], $0xD000;
	(pc) =	sbr.rel @p0 .LBB2_1-.Ltmp1, $4  }
0x59: {  	[sflag:s14] =	ssyncset.done $0x0  }
0x5a: {  	[sflag:s14] =	ssyncadd.s32 $0xFFFF3000  }
0x5b: {  	_ =	swait.ge [sflag:s14], $0xD000  }
0x5c: {  	[sflag:s14] =	ssyncset.done $0x0  }
.LBB2_2:
0x5d: {  	[sflag:s14] =	ssyncadd.s32 $0xFFFF3000  }
0x5e: {  	_ =	sfence.sel $0x180000  }
0x5f: {  	[bflag:$0x0] =	sbarrier.arrive $0xFFFF  }
0x60: {  	p0 =	sne.s32 s1, $0x0;
	_ =	strace $0x90000050  }
0x61: {  	s0 =	sadd.s32 @!p0 $0x100000, s0;
	[bflag:$0x2] =	sbarrier.arrive $0xFFFF  }
0x62: {  	[sflag:s0] =	ssyncadd.tile.s32 @!p0 $0x1;
	_ =	shalt  }
.Lfunc_end2:
_tile_overlayer_lowered:
.L_overlay_start_2:
0x63: {  	(tag) =	ssettag $0x2  }
0x64: {  	s0 =	rddreg [dreg:$0x0];
	s2 =	stileid.u32  }
0x65: {  	s1 =	rddreg [dreg:$0x1];
	p0 =	sne.s32 s2, $0x0  }
0x66: {  	s3 =	rddreg [dreg:$0x2];
	[bflag:$0x3] =	sbarrier.arrive $0xFFFF;
	s2 =	simm.s32 @!p0 $0x1C03  }
0x67: {  	[timem:s3], [sflag:s2] =	dma.local @!p0 [hbm:s0], s1  }
0x68: {  	s0 =	simm.s32 @!p0 $0x3  }
0x69: {  	_ =	swait.ge @!p0 [sflag:s0], s1  }
0x6a: {  	s1 =	ssub.s32 @!p0 $0x0, s1;
	[sflag:s0] =	ssyncset.done @!p0 $0x0  }
0x6b: {  	[sflag:s0] =	ssyncadd.s32 @!p0 s1  }
0x6c: {  	[bflag:$0x3] =	sbarrier.arrive $0xFFFF  }
0x6d: {  	_ =	shalt  }

</sc_bundles>
